<compile_context>
chip_gen: v7x
topology: tpu7x:2x2x1
jax: 0.10.2.dev20260603
libtpu: 0.0.44.dev20260713+nightly
codegen_flags: <defaults>
</compile_context>

<pallas_src>
import jax
import jax.numpy as jnp
from jax import lax
from jax.experimental import pallas as pl
from jax.experimental.pallas import tpu as pltpu
from jax.experimental.pallas import tpu_sc as plsc

N_ATOMS = 100000
ATOM_DIM = 128
HALF = ATOM_DIM // 2
N_FGS = 20000
TOTAL = 320000

NTILES = 16
CH = 96
NCHUNK = 216
GS = 24
PER_TILE = NCHUNK * CH
PAD_TOTAL = PER_TILE * NTILES
ACC_ROWS = 20008
CNT_ROWS = 20016
WBA = 1256
WBL = N_FGS - 15 * WBA
NP = 20480


def _sc_body(atomL, atomR, ci, cs, ei, es, z64,
             csumL, csumR, esumL, esumR, ccnt_part, ecnt_part,
             idx_v, seg_v, rows0, rows1, rows2, rows3, cnt_v, acc,
             gsem0, gsem1, gsem2, gsem3, ssem0, ssem1, ssem2, ssem3):
    rbufs = (rows0, rows1, rows2, rows3)
    gsems = (gsem0, gsem1, gsem2, gsem3)
    ssems = (ssem0, ssem1, ssem2, ssem3)
    c = lax.axis_index("c")
    t = lax.axis_index("s")
    base = t * WBA

    def per_tile_slice(fn):
        @pl.when(t < NTILES - 1)
        def _():
            fn(pl.ds(base, WBA), WBA)

        @pl.when(t == NTILES - 1)
        def _():
            fn(pl.ds(base, WBL), WBL)

    def zero_acc():
        per_tile_slice(lambda s, n: pltpu.sync_copy(z64.at[pl.ds(0, n)], acc.at[s]))

    def zero_cnt(_j, carry):
        cnt_v[pl.ds(_j * 16, 16)] = jnp.zeros((16,), jnp.float32)
        return carry

    zero_acc()
    plsc.subcore_barrier()

    def do_phase(idx_hbm, seg_hbm, outL, outR, cnt_out, cnt_core):
        @pl.when(c == cnt_core)
        def _():
            lax.fori_loop(0, CNT_ROWS // 16, zero_cnt, 0)

        ones16 = jnp.ones((16,), jnp.float32)

        def gather_issue(j, buf, s):
            @pl.when(c == 0)
            def _():
                pltpu.async_copy(atomL.at[idx_v.at[j]], buf, s)

            @pl.when(c == 1)
            def _():
                pltpu.async_copy(atomR.at[idx_v.at[j]], buf, s)

        def gather_wait(buf, s):
            pltpu.make_async_copy(atomL.at[idx_v.at[0]], buf, s).wait()

        def scatter_wait(u):
            pltpu.make_async_copy(rbufs[u], acc.at[pl.ds(0, CH)], ssems[u]).wait()

        def retire(jj, u):
            gather_wait(rbufs[u], gsems[u])
            pltpu.async_copy(rbufs[u], acc.at[seg_v.at[jj]], ssems[u], add=True)

            @pl.when(c == cnt_core)
            def _():
                for k in range(CH // 16):
                    seg16 = seg_v[jj, pl.ds(k * 16, 16)]
                    plsc.addupdate_scatter(cnt_v, [seg16], ones16)

        def group(g, carry):
            grows = pl.ds(t * NCHUNK + g * GS, GS)
            pltpu.sync_copy(idx_hbm.at[grows], idx_v)
            pltpu.sync_copy(seg_hbm.at[grows], seg_v)

            def quad(i, carry2):
                for u in range(4):
                    j = 4 * i + u

                    @pl.when(g * GS + j >= 4)
                    def _():
                        scatter_wait(u)

                    gather_issue(j, rbufs[u], gsems[u])

                    @pl.when(j >= 3)
                    def _():
                        retire(j - 3, (u + 1) % 4)

                return carry2

            lax.fori_loop(0, GS // 4, quad, 0)
            retire(GS - 3, 1)
            retire(GS - 2, 2)
            retire(GS - 1, 3)
            return carry

        lax.fori_loop(0, NCHUNK // GS, group, 0)
        for u in range(4):
            scatter_wait(u)

        @pl.when(c == cnt_core)
        def _():
            def wcnt(i, carry):
                s = pl.ds(i * 2000, 2000)
                pltpu.sync_copy(cnt_v.at[s], cnt_out.at[t, s])
                return carry

            lax.fori_loop(0, N_FGS // 2000, wcnt, 0)

        plsc.subcore_barrier()

        def writeback(s, n):
            @pl.when(c == 0)
            def _():
                pltpu.sync_copy(acc.at[s], outL.at[s])

            @pl.when(c == 1)
            def _():
                pltpu.sync_copy(acc.at[s], outR.at[s])

        per_tile_slice(writeback)

    do_phase(ci, cs, csumL, csumR, ccnt_part, 0)
    zero_acc()
    plsc.subcore_barrier()
    do_phase(ei, es, esumL, esumR, ecnt_part, 1)


def _tc_body(csL, csR, esL, esR, cc, ec, w1a, w1b, b1, w2, b2, out):
    ones_col = jnp.ones((NTILES, 1), jnp.float32)
    dims = (((0,), (0,)), ((), ()))
    cc0 = lax.dot_general(cc[:], ones_col, dims,
                          preferred_element_type=jnp.float32)
    ec0 = lax.dot_general(ec[:], ones_col, dims,
                          preferred_element_type=jnp.float32)
    cm = jnp.concatenate([csL[:], csR[:]], axis=1) / jnp.maximum(cc0, 1.0)
    em = jnp.concatenate([esL[:], esR[:]], axis=1) / jnp.maximum(ec0, 1.0)
    h = jnp.dot(cm, w1a[:], preferred_element_type=jnp.float32)
    h = h + jnp.dot(em, w1b[:], preferred_element_type=jnp.float32)
    h = jnp.maximum(h + b1[:], 0.0)
    out[:] = jnp.dot(h, w2[:], preferred_element_type=jnp.float32) + b2[:]


def kernel(atom_feats, core_idx, core_seg, env_idx, env_seg, W1, b1, W2, b2):
    f32 = jnp.float32
    atomL = atom_feats[:, :HALF]
    atomR = atom_feats[:, HALF:]
    pad = PAD_TOTAL - TOTAL
    ci = jnp.concatenate([core_idx, jnp.zeros((pad,), jnp.int32)]).reshape(-1, CH)
    cs = jnp.concatenate([core_seg, jnp.full((pad,), N_FGS, jnp.int32)]).reshape(-1, CH)
    ei = jnp.concatenate([env_idx, jnp.zeros((pad,), jnp.int32)]).reshape(-1, CH)
    es = jnp.concatenate([env_seg, jnp.full((pad,), N_FGS, jnp.int32)]).reshape(-1, CH)
    z64 = jnp.zeros((WBA, HALF), f32)

    mesh = plsc.VectorSubcoreMesh(core_axis_name="c", subcore_axis_name="s")
    sc = pl.kernel(
        _sc_body,
        out_type=[
            jax.ShapeDtypeStruct((NP, HALF), f32),
            jax.ShapeDtypeStruct((NP, HALF), f32),
            jax.ShapeDtypeStruct((NP, HALF), f32),
            jax.ShapeDtypeStruct((NP, HALF), f32),
            jax.ShapeDtypeStruct((NTILES, NP), f32),
            jax.ShapeDtypeStruct((NTILES, NP), f32),
        ],
        mesh=mesh,
        scratch_types=[
            pltpu.VMEM((GS, CH), jnp.int32),
            pltpu.VMEM((GS, CH), jnp.int32),
            pltpu.VMEM((CH, HALF), f32),
            pltpu.VMEM((CH, HALF), f32),
            pltpu.VMEM((CH, HALF), f32),
            pltpu.VMEM((CH, HALF), f32),
            pltpu.VMEM((CNT_ROWS,), f32),
            pltpu.VMEM_SHARED((ACC_ROWS, HALF), f32),
            pltpu.SemaphoreType.DMA,
            pltpu.SemaphoreType.DMA,
            pltpu.SemaphoreType.DMA,
            pltpu.SemaphoreType.DMA,
            pltpu.SemaphoreType.DMA,
            pltpu.SemaphoreType.DMA,
            pltpu.SemaphoreType.DMA,
            pltpu.SemaphoreType.DMA,
        ],
        compiler_params=pltpu.CompilerParams(
            use_tc_tiling_on_sc=False, needs_layout_passes=False),
    )
    csumL, csumR, esumL, esumR, ccnt_part, ecnt_part = sc(
        atomL, atomR, ci, cs, ei, es, z64)

    BT = 1024
    grid = (NP // BT,)
    row_spec = pl.BlockSpec((BT, HALF), lambda i: (i, 0))
    cnt_spec = pl.BlockSpec((NTILES, BT), lambda i: (0, i))
    w_spec = pl.BlockSpec((ATOM_DIM, ATOM_DIM), lambda i: (0, 0))
    b_spec = pl.BlockSpec((1, ATOM_DIM), lambda i: (0, 0))
    out = pl.pallas_call(
        _tc_body,
        grid=grid,
        in_specs=[row_spec, row_spec, row_spec, row_spec, cnt_spec, cnt_spec,
                  w_spec, w_spec, b_spec, w_spec, b_spec],
        out_specs=pl.BlockSpec((BT, ATOM_DIM), lambda i: (i, 0)),
        out_shape=jax.ShapeDtypeStruct((NP, ATOM_DIM), f32),
    )(csumL, csumR, esumL, esumR, ccnt_part, ecnt_part,
      W1[:ATOM_DIM], W1[ATOM_DIM:], b1.reshape(1, -1), W2, b2.reshape(1, -1))
    return out[:N_FGS]

# --- scband reference (transcript-rebuilt; emitter-appended) ---
"""Pipeline reference for scband-fgpooling-42451456753747 (READ-ONLY COPY).

The authoritative reference and input builder live on the scoring server;
editing this copy changes nothing except your own understanding.
"""

import jax, jax.numpy as jnp
import numpy as np

N_ATOMS = 100000
ATOM_DIM = 128
FG_DIM = 128
N_FGS = 20000
TOTAL_CORE = 320000
TOTAL_ENV = 320000


def setup_inputs(seed: int = 0) -> dict:
    key = jax.random.key(seed)
    ks = jax.random.split(key, 9)
    atom_feats = jax.random.normal(ks[0], (N_ATOMS, ATOM_DIM), dtype=jnp.float32)
    core_idx = jax.random.randint(ks[1], (TOTAL_CORE,), 0, N_ATOMS, dtype=jnp.int32)
    core_seg = jnp.sort(jax.random.randint(ks[2], (TOTAL_CORE,), 0, N_FGS, dtype=jnp.int32))
    env_idx = jax.random.randint(ks[3], (TOTAL_ENV,), 0, N_ATOMS, dtype=jnp.int32)
    env_seg = jnp.sort(jax.random.randint(ks[4], (TOTAL_ENV,), 0, N_FGS, dtype=jnp.int32))
    W1 = jax.random.normal(ks[5], (2 * ATOM_DIM, FG_DIM), dtype=jnp.float32) * 0.02
    b1 = jnp.zeros((FG_DIM,), dtype=jnp.float32)
    W2 = jax.random.normal(ks[6], (FG_DIM, FG_DIM), dtype=jnp.float32) * 0.02
    b2 = jnp.zeros((FG_DIM,), dtype=jnp.float32)
    return {
        "atom_feats": atom_feats,
        "core_idx": core_idx,
        "core_seg": core_seg,
        "env_idx": env_idx,
        "env_seg": env_seg,
        "W1": W1,
        "b1": b1,
        "W2": W2,
        "b2": b2,
    }


def reference(atom_feats, core_idx, core_seg, env_idx, env_seg, W1, b1, W2, b2):
    # Core pooling: gather atom features for all core atoms, segment-mean per FG
    core_gather = jnp.take(atom_feats, core_idx, axis=0)
    core_sum = jax.ops.segment_sum(core_gather, core_seg, num_segments=N_FGS)
    core_cnt = jax.ops.segment_sum(
        jnp.ones((core_idx.shape[0],), dtype=atom_feats.dtype), core_seg, num_segments=N_FGS
    )
    core_mean = core_sum / jnp.maximum(core_cnt, 1.0)[:, None]

    # Environment pooling: same, but zeros for FGs with no env atoms (matches torch else-branch)
    env_gather = jnp.take(atom_feats, env_idx, axis=0)
    env_sum = jax.ops.segment_sum(env_gather, env_seg, num_segments=N_FGS)
    env_cnt = jax.ops.segment_sum(
        jnp.ones((env_idx.shape[0],), dtype=atom_feats.dtype), env_seg, num_segments=N_FGS
    )
    env_mean = jnp.where(env_cnt[:, None] > 0, env_sum / jnp.maximum(env_cnt, 1.0)[:, None], 0.0)

    combined = jnp.concatenate([core_mean, env_mean], axis=1)  # [N_FGS, 2*ATOM_DIM]
    h = jnp.maximum(combined @ W1 + b1, 0.0)
    return h @ W2 + b2

if __name__ == "__main__":
    import jax
    _d = setup_inputs()
    print(jax.jit(kernel)(*tuple(_d.values())))

</pallas_src>

<mosaic_0001>
#map = affine_map<(d0, d1) -> (0, 0)>
module attributes {stable_mosaic.version = 14 : i64} {
  func.func @_sc_body(%arg0: i32, %arg1: i32, %arg2: memref<100000x64xf32, #tpu.memory_space<hbm>>, %arg3: memref<100000x64xf32, #tpu.memory_space<hbm>>, %arg4: memref<3456x96xi32, #tpu.memory_space<hbm>>, %arg5: memref<3456x96xi32, #tpu.memory_space<hbm>>, %arg6: memref<3456x96xi32, #tpu.memory_space<hbm>>, %arg7: memref<3456x96xi32, #tpu.memory_space<hbm>>, %arg8: memref<1256x64xf32, #tpu.memory_space<hbm>>, %arg9: memref<20480x64xf32, #tpu.memory_space<hbm>>, %arg10: memref<20480x64xf32, #tpu.memory_space<hbm>>, %arg11: memref<20480x64xf32, #tpu.memory_space<hbm>>, %arg12: memref<20480x64xf32, #tpu.memory_space<hbm>>, %arg13: memref<16x20480xf32, #tpu.memory_space<hbm>>, %arg14: memref<16x20480xf32, #tpu.memory_space<hbm>>, %arg15: memref<24x96xi32, #tpu.memory_space<vmem>>, %arg16: memref<24x96xi32, #tpu.memory_space<vmem>>, %arg17: memref<96x64xf32, #tpu.memory_space<vmem>>, %arg18: memref<96x64xf32, #tpu.memory_space<vmem>>, %arg19: memref<96x64xf32, #tpu.memory_space<vmem>>, %arg20: memref<96x64xf32, #tpu.memory_space<vmem>>, %arg21: memref<20016xf32, #tpu.memory_space<vmem>>, %arg22: memref<20008x64xf32, #tpu.memory_space<vmem_shared>>, %arg23: memref<!tpu.dma_semaphore, #tpu.memory_space<semaphore_mem>>, %arg24: memref<!tpu.dma_semaphore, #tpu.memory_space<semaphore_mem>>, %arg25: memref<!tpu.dma_semaphore, #tpu.memory_space<semaphore_mem>>, %arg26: memref<!tpu.dma_semaphore, #tpu.memory_space<semaphore_mem>>, %arg27: memref<!tpu.dma_semaphore, #tpu.memory_space<semaphore_mem>>, %arg28: memref<!tpu.dma_semaphore, #tpu.memory_space<semaphore_mem>>, %arg29: memref<!tpu.dma_semaphore, #tpu.memory_space<semaphore_mem>>, %arg30: memref<!tpu.dma_semaphore, #tpu.memory_space<semaphore_mem>>) attributes {dimension_semantics = [#tpu.dimension_semantics<core_parallel>, #tpu.dimension_semantics<subcore_parallel>], iteration_bounds = array<i64: 2, 16>, scalar_prefetch = 0 : i64, scratch_operands = 16 : i64, tpu.core_type = #tpu.core_type<sc_vector_subcore>, window_params = [{transform_indices = #map}, {transform_indices = #map}, {transform_indices = #map}, {transform_indices = #map}, {transform_indices = #map}, {transform_indices = #map}, {transform_indices = #map}, {transform_indices = #map}, {transform_indices = #map}, {transform_indices = #map}, {transform_indices = #map}, {transform_indices = #map}, {transform_indices = #map}]} {
    %mul3A = arith.constant 1256 : i32
    %mul3A_0 = arith.muli %arg1, %mul3A : i32
    %lt3A = arith.constant 15 : i32
    %lt3A_1 = arith.cmpi slt, %arg1, %lt3A : i32
    %convert_element_type3A = arith.extui %lt3A_1 : i1 to i32
    %cond3A = arith.constant 0 : i32
    %cond3A_2 = arith.cmpi ne, %convert_element_type3A, %cond3A : i32
    scf.if %cond3A_2 {
      "tpu.region"() ({
        %run_scoped3A = tpu.sem_alloc : memref<!tpu.dma_semaphore, #tpu.memory_space<semaphore_mem>>
        %dma_start3A = arith.constant 0 : i32
        %dma_start3A_121 = tpu.memref_slice %arg22[%mul3A_0, %dma_start3A] : memref<20008x64xf32, #tpu.memory_space<vmem_shared>> -> memref<1256x64xf32, #tpu.memory_space<vmem_shared>>
        %dma_start3A_122 = arith.constant 0 : i32
        %dma_start3A_123 = arith.constant 0 : i32
        %dma_start3A_124 = tpu.memref_slice %arg8[%dma_start3A_122, %dma_start3A_123] : memref<1256x64xf32, #tpu.memory_space<hbm>> -> memref<1256x64xf32, #tpu.memory_space<hbm>>
        tpu.enqueue_dma source(%dma_start3A_124 : memref<1256x64xf32, #tpu.memory_space<hbm>>) target(%dma_start3A_121 : memref<1256x64xf32, #tpu.memory_space<vmem_shared>>) target_semaphore(%run_scoped3A : memref<!tpu.dma_semaphore, #tpu.memory_space<semaphore_mem>>)
        %dma_wait3A_125 = arith.constant 0 : i32
        %dma_wait3A_126 = tpu.memref_slice %arg22[%mul3A_0, %dma_wait3A_125] : memref<20008x64xf32, #tpu.memory_space<vmem_shared>> -> memref<1256x64xf32, #tpu.memory_space<vmem_shared>>
        %dma_wait3A_127 = arith.constant 0 : i32
        %dma_wait3A_128 = arith.constant 0 : i32
        %dma_wait3A_129 = tpu.memref_slice %arg8[%dma_wait3A_127, %dma_wait3A_128] : memref<1256x64xf32, #tpu.memory_space<hbm>> -> memref<1256x64xf32, #tpu.memory_space<hbm>>
        tpu.wait_dma2 semaphore(%run_scoped3A : memref<!tpu.dma_semaphore, #tpu.memory_space<semaphore_mem>>) src(%dma_wait3A_129 : memref<1256x64xf32, #tpu.memory_space<hbm>>) dst(%dma_wait3A_126 : memref<1256x64xf32, #tpu.memory_space<vmem_shared>>)
        tpu.yield
      }) : () -> ()
    } else {
    }
    %eq3A = arith.constant 15 : i32
    %eq3A_3 = arith.cmpi eq, %arg1, %eq3A : i32
    %convert_element_type3A_4 = arith.extui %eq3A_3 : i1 to i32
    %cond3A_5 = arith.constant 0 : i32
    %cond3A_6 = arith.cmpi ne, %convert_element_type3A_4, %cond3A_5 : i32
    scf.if %cond3A_6 {
      "tpu.region"() ({
        %run_scoped3A = tpu.sem_alloc : memref<!tpu.dma_semaphore, #tpu.memory_space<semaphore_mem>>
        %dma_start3A = arith.constant 0 : i32
        %dma_start3A_121 = tpu.memref_slice %arg22[%mul3A_0, %dma_start3A] : memref<20008x64xf32, #tpu.memory_space<vmem_shared>> -> memref<1160x64xf32, #tpu.memory_space<vmem_shared>>
        %dma_start3A_122 = arith.constant 0 : i32
        %dma_start3A_123 = arith.constant 0 : i32
        %dma_start3A_124 = tpu.memref_slice %arg8[%dma_start3A_122, %dma_start3A_123] : memref<1256x64xf32, #tpu.memory_space<hbm>> -> memref<1160x64xf32, #tpu.memory_space<hbm>>
        tpu.enqueue_dma source(%dma_start3A_124 : memref<1160x64xf32, #tpu.memory_space<hbm>>) target(%dma_start3A_121 : memref<1160x64xf32, #tpu.memory_space<vmem_shared>>) target_semaphore(%run_scoped3A : memref<!tpu.dma_semaphore, #tpu.memory_space<semaphore_mem>>)
        %dma_wait3A_125 = arith.constant 0 : i32
        %dma_wait3A_126 = tpu.memref_slice %arg22[%mul3A_0, %dma_wait3A_125] : memref<20008x64xf32, #tpu.memory_space<vmem_shared>> -> memref<1160x64xf32, #tpu.memory_space<vmem_shared>>
        %dma_wait3A_127 = arith.constant 0 : i32
        %dma_wait3A_128 = arith.constant 0 : i32
        %dma_wait3A_129 = tpu.memref_slice %arg8[%dma_wait3A_127, %dma_wait3A_128] : memref<1256x64xf32, #tpu.memory_space<hbm>> -> memref<1160x64xf32, #tpu.memory_space<hbm>>
        tpu.wait_dma2 semaphore(%run_scoped3A : memref<!tpu.dma_semaphore, #tpu.memory_space<semaphore_mem>>) src(%dma_wait3A_129 : memref<1160x64xf32, #tpu.memory_space<hbm>>) dst(%dma_wait3A_126 : memref<1160x64xf32, #tpu.memory_space<vmem_shared>>)
        tpu.yield
      }) : () -> ()
    } else {
    }
    %barrier3A = arith.constant 0 : index
    tpu.barrier barrier_id(%barrier3A)
    %eq3A_7 = arith.constant 0 : i32
    %eq3A_8 = arith.cmpi eq, %arg0, %eq3A_7 : i32
    %convert_element_type3A_9 = arith.extui %eq3A_8 : i1 to i32
    %cond3A_10 = arith.constant 0 : i32
    %cond3A_11 = arith.cmpi ne, %convert_element_type3A_9, %cond3A_10 : i32
    scf.if %cond3A_11 {
      %scan3A_121 = arith.constant 0 : i32
      %scan3A_122 = arith.constant 0 : i32
      %scan3A_123 = arith.constant 1251 : i32
      %scan3A_124 = arith.addi %scan3A_122, %scan3A_123 : i32
      %scan3A_125 = arith.constant 1 : i32
      scf.for %scan3A_127 = %scan3A_122 to %scan3A_124 step %scan3A_125  : i32 {
        %broadcast_in_dim3A_128 = arith.constant 0.000000e+00 : f32
        %broadcast_in_dim3A_129 = vector.broadcast %broadcast_in_dim3A_128 : f32 to vector<16xf32>
        %mul3A_130 = arith.constant 16 : i32
        %mul3A_131 = arith.muli %scan3A_127, %mul3A_130 : i32
        %swap3A = arith.index_cast %mul3A_131 : i32 to index
        %swap3A_132 = tpu.vector_load %arg21[%swap3A] {strides = array<i32>} : memref<20016xf32, #tpu.memory_space<vmem>>, vector<16xf32>,
        tpu.vector_store %arg21[%swap3A], %broadcast_in_dim3A_129 {strides = array<i32>} : memref<20016xf32, #tpu.memory_space<vmem>>, vector<16xf32>,
      }
      %scan3A_126 = arith.constant 1251 : i32
    } else {
    }
    %broadcast_in_dim3A = arith.constant 1.000000e+00 : f32
    %broadcast_in_dim3A_12 = vector.broadcast %broadcast_in_dim3A : f32 to vector<16xf32>
    %scan3A = arith.constant 0 : i32
    %scan3A_13 = arith.constant 0 : i32
    %scan3A_14 = arith.constant 9 : i32
    %scan3A_15 = arith.addi %scan3A_13, %scan3A_14 : i32
    %scan3A_16 = arith.constant 1 : i32
    scf.for %scan3A_121 = %scan3A_13 to %scan3A_15 step %scan3A_16  : i32 {
      %mul3A_122 = arith.constant 216 : i32
      %mul3A_123 = arith.muli %arg1, %mul3A_122 : i32
      %mul3A_124 = arith.constant 24 : i32
      %mul3A_125 = arith.muli %scan3A_121, %mul3A_124 : i32
      %add3A = arith.addi %mul3A_123, %mul3A_125 : i32
      "tpu.region"() ({
        %run_scoped3A = tpu.sem_alloc : memref<!tpu.dma_semaphore, #tpu.memory_space<semaphore_mem>>
        %dma_start3A_188 = arith.constant 0 : i32
        %dma_start3A_189 = tpu.memref_slice %arg4[%add3A, %dma_start3A_188] : memref<3456x96xi32, #tpu.memory_space<hbm>> -> memref<24x96xi32, #tpu.memory_space<hbm>>
        %dma_start3A_190 = arith.constant 0 : i32
        %dma_start3A_191 = tpu.memref_slice %arg4[%add3A, %dma_start3A_190] : memref<3456x96xi32, #tpu.memory_space<hbm>> -> memref<24x96xi32, #tpu.memory_space<hbm>>
        tpu.enqueue_dma source(%dma_start3A_191 : memref<24x96xi32, #tpu.memory_space<hbm>>) target(%arg15 : memref<24x96xi32, #tpu.memory_space<vmem>>) target_semaphore(%run_scoped3A : memref<!tpu.dma_semaphore, #tpu.memory_space<semaphore_mem>>)
        %dma_wait3A_192 = arith.constant 0 : i32
        %dma_wait3A_193 = tpu.memref_slice %arg4[%add3A, %dma_wait3A_192] : memref<3456x96xi32, #tpu.memory_space<hbm>> -> memref<24x96xi32, #tpu.memory_space<hbm>>
        %dma_wait3A_194 = arith.constant 0 : i32
        %dma_wait3A_195 = tpu.memref_slice %arg4[%add3A, %dma_wait3A_194] : memref<3456x96xi32, #tpu.memory_space<hbm>> -> memref<24x96xi32, #tpu.memory_space<hbm>>
        tpu.wait_dma2 semaphore(%run_scoped3A : memref<!tpu.dma_semaphore, #tpu.memory_space<semaphore_mem>>) src(%dma_wait3A_195 : memref<24x96xi32, #tpu.memory_space<hbm>>) dst(%arg15 : memref<24x96xi32, #tpu.memory_space<vmem>>)
        tpu.yield
      }) : () -> ()
      "tpu.region"() ({
        %run_scoped3A = tpu.sem_alloc : memref<!tpu.dma_semaphore, #tpu.memory_space<semaphore_mem>>
        %dma_start3A_188 = arith.constant 0 : i32
        %dma_start3A_189 = tpu.memref_slice %arg5[%add3A, %dma_start3A_188] : memref<3456x96xi32, #tpu.memory_space<hbm>> -> memref<24x96xi32, #tpu.memory_space<hbm>>
        %dma_start3A_190 = arith.constant 0 : i32
        %dma_start3A_191 = tpu.memref_slice %arg5[%add3A, %dma_start3A_190] : memref<3456x96xi32, #tpu.memory_space<hbm>> -> memref<24x96xi32, #tpu.memory_space<hbm>>
        tpu.enqueue_dma source(%dma_start3A_191 : memref<24x96xi32, #tpu.memory_space<hbm>>) target(%arg16 : memref<24x96xi32, #tpu.memory_space<vmem>>) target_semaphore(%run_scoped3A : memref<!tpu.dma_semaphore, #tpu.memory_space<semaphore_mem>>)
        %dma_wait3A_192 = arith.constant 0 : i32
        %dma_wait3A_193 = tpu.memref_slice %arg5[%add3A, %dma_wait3A_192] : memref<3456x96xi32, #tpu.memory_space<hbm>> -> memref<24x96xi32, #tpu.memory_space<hbm>>
        %dma_wait3A_194 = arith.constant 0 : i32
        %dma_wait3A_195 = tpu.memref_slice %arg5[%add3A, %dma_wait3A_194] : memref<3456x96xi32, #tpu.memory_space<hbm>> -> memref<24x96xi32, #tpu.memory_space<hbm>>
        tpu.wait_dma2 semaphore(%run_scoped3A : memref<!tpu.dma_semaphore, #tpu.memory_space<semaphore_mem>>) src(%dma_wait3A_195 : memref<24x96xi32, #tpu.memory_space<hbm>>) dst(%arg16 : memref<24x96xi32, #tpu.memory_space<vmem>>)
        tpu.yield
      }) : () -> ()
      %scan3A_126 = arith.constant 0 : i32
      %scan3A_127 = arith.constant 0 : i32
      %scan3A_128 = arith.constant 6 : i32
      %scan3A_129 = arith.addi %scan3A_127, %scan3A_128 : i32
      %scan3A_130 = arith.constant 1 : i32
      scf.for %scan3A_188 = %scan3A_127 to %scan3A_129 step %scan3A_130  : i32 {
        %mul3A_189 = arith.constant 4 : i32
        %mul3A_190 = arith.muli %mul3A_189, %scan3A_188 : i32
        %add3A_191 = arith.constant 0 : i32
        %add3A_192 = arith.addi %mul3A_190, %add3A_191 : i32
        %mul3A_193 = arith.constant 24 : i32
        %mul3A_194 = arith.muli %scan3A_121, %mul3A_193 : i32
        %add3A_195 = arith.addi %mul3A_194, %add3A_192 : i32
        %ge3A = arith.constant 4 : i32
        %ge3A_196 = arith.cmpi sge, %add3A_195, %ge3A : i32
        %convert_element_type3A_197 = arith.extui %ge3A_196 : i1 to i32
        %cond3A_198 = arith.constant 0 : i32
        %cond3A_199 = arith.cmpi ne, %convert_element_type3A_197, %cond3A_198 : i32
        scf.if %cond3A_199 {
          %dma_wait3A_296 = arith.constant 0 : i32
          %dma_wait3A_297 = arith.constant 0 : i32
          %dma_wait3A_298 = tpu.memref_slice %arg22[%dma_wait3A_296, %dma_wait3A_297] : memref<20008x64xf32, #tpu.memory_space<vmem_shared>> -> memref<96x64xf32, #tpu.memory_space<vmem_shared>>
          %dma_wait3A_299 = arith.constant 0 : i32
          %dma_wait3A_300 = arith.constant 0 : i32
          %dma_wait3A_301 = tpu.memref_slice %arg22[%dma_wait3A_299, %dma_wait3A_300] : memref<20008x64xf32, #tpu.memory_space<vmem_shared>> -> memref<96x64xf32, #tpu.memory_space<vmem_shared>>
          tpu.wait_dma2 semaphore(%arg27 : memref<!tpu.dma_semaphore, #tpu.memory_space<semaphore_mem>>) src(%arg17 : memref<96x64xf32, #tpu.memory_space<vmem>>) dst(%dma_wait3A_301 : memref<96x64xf32, #tpu.memory_space<vmem_shared>>)
        } else {
        }
        %eq3A_200 = arith.constant 0 : i32
        %eq3A_201 = arith.cmpi eq, %arg0, %eq3A_200 : i32
        %convert_element_type3A_202 = arith.extui %eq3A_201 : i1 to i32
        %cond3A_203 = arith.constant 0 : i32
        %cond3A_204 = arith.cmpi ne, %convert_element_type3A_202, %cond3A_203 : i32
        scf.if %cond3A_204 {
          %dma_start3A_296 = arith.constant 0 : i32
          %dma_start3A_297 = tpu.memref_slice %arg15[%add3A_192, %dma_start3A_296] : memref<24x96xi32, #tpu.memory_space<vmem>> -> memref<1x96xi32, #tpu.memory_space<vmem>>
          %dma_start3A_298 = tpu.memref_squeeze %dma_start3A_297 : memref<1x96xi32, #tpu.memory_space<vmem>> -> memref<96xi32, #tpu.memory_space<vmem>>
          %dma_start3A_299 = arith.constant 0 : i32
          %dma_start3A_300 = arith.constant 0 : i32
          %dma_start3A_301 = tpu.memref_slice %arg2[%dma_start3A_299, %dma_start3A_300] : memref<100000x64xf32, #tpu.memory_space<hbm>> -> memref<100000x64xf32, #tpu.memory_space<hbm>>
          tpu.enqueue_indirect_dma source(%dma_start3A_301 : memref<100000x64xf32, #tpu.memory_space<hbm>>) target(%arg17 : memref<96x64xf32, #tpu.memory_space<vmem>>) offsets(%dma_start3A_298 : memref<96xi32, #tpu.memory_space<vmem>>) semaphore(%arg23 : memref<!tpu.dma_semaphore, #tpu.memory_space<semaphore_mem>>)
        } else {
        }
        %eq3A_205 = arith.constant 1 : i32
        %eq3A_206 = arith.cmpi eq, %arg0, %eq3A_205 : i32
        %convert_element_type3A_207 = arith.extui %eq3A_206 : i1 to i32
        %cond3A_208 = arith.constant 0 : i32
        %cond3A_209 = arith.cmpi ne, %convert_element_type3A_207, %cond3A_208 : i32
        scf.if %cond3A_209 {
          %dma_start3A_296 = arith.constant 0 : i32
          %dma_start3A_297 = tpu.memref_slice %arg15[%add3A_192, %dma_start3A_296] : memref<24x96xi32, #tpu.memory_space<vmem>> -> memref<1x96xi32, #tpu.memory_space<vmem>>
          %dma_start3A_298 = tpu.memref_squeeze %dma_start3A_297 : memref<1x96xi32, #tpu.memory_space<vmem>> -> memref<96xi32, #tpu.memory_space<vmem>>
          %dma_start3A_299 = arith.constant 0 : i32
          %dma_start3A_300 = arith.constant 0 : i32
          %dma_start3A_301 = tpu.memref_slice %arg3[%dma_start3A_299, %dma_start3A_300] : memref<100000x64xf32, #tpu.memory_space<hbm>> -> memref<100000x64xf32, #tpu.memory_space<hbm>>
          tpu.enqueue_indirect_dma source(%dma_start3A_301 : memref<100000x64xf32, #tpu.memory_space<hbm>>) target(%arg17 : memref<96x64xf32, #tpu.memory_space<vmem>>) offsets(%dma_start3A_298 : memref<96xi32, #tpu.memory_space<vmem>>) semaphore(%arg23 : memref<!tpu.dma_semaphore, #tpu.memory_space<semaphore_mem>>)
        } else {
        }
        %ge3A_210 = arith.constant 3 : i32
        %ge3A_211 = arith.cmpi sge, %add3A_192, %ge3A_210 : i32
        %convert_element_type3A_212 = arith.extui %ge3A_211 : i1 to i32
        %cond3A_213 = arith.constant 0 : i32
        %cond3A_214 = arith.cmpi ne, %convert_element_type3A_212, %cond3A_213 : i32
        scf.if %cond3A_214 {
          %sub3A = arith.constant 3 : i32
          %sub3A_296 = arith.subi %add3A_192, %sub3A : i32
          %dma_wait3A_297 = arith.constant 0 : i32
          %dma_wait3A_298 = arith.constant 0 : i32
          %dma_wait3A_299 = tpu.memref_slice %arg15[%dma_wait3A_297, %dma_wait3A_298] : memref<24x96xi32, #tpu.memory_space<vmem>> -> memref<1x96xi32, #tpu.memory_space<vmem>>
          %dma_wait3A_300 = tpu.memref_squeeze %dma_wait3A_299 : memref<1x96xi32, #tpu.memory_space<vmem>> -> memref<96xi32, #tpu.memory_space<vmem>>
          %dma_wait3A_301 = arith.constant 0 : i32
          %dma_wait3A_302 = arith.constant 0 : i32
          %dma_wait3A_303 = tpu.memref_slice %arg2[%dma_wait3A_301, %dma_wait3A_302] : memref<100000x64xf32, #tpu.memory_space<hbm>> -> memref<100000x64xf32, #tpu.memory_space<hbm>>
          tpu.wait_indirect_dma semaphore(%arg24 : memref<!tpu.dma_semaphore, #tpu.memory_space<semaphore_mem>>) src(%dma_wait3A_303 : memref<100000x64xf32, #tpu.memory_space<hbm>>) dst(%arg18 : memref<96x64xf32, #tpu.memory_space<vmem>>)
          %dma_start3A_304 = arith.constant 0 : i32
          %dma_start3A_305 = tpu.memref_slice %arg16[%sub3A_296, %dma_start3A_304] : memref<24x96xi32, #tpu.memory_space<vmem>> -> memref<1x96xi32, #tpu.memory_space<vmem>>
          %dma_start3A_306 = tpu.memref_squeeze %dma_start3A_305 : memref<1x96xi32, #tpu.memory_space<vmem>> -> memref<96xi32, #tpu.memory_space<vmem>>
          %dma_start3A_307 = arith.constant 0 : i32
          %dma_start3A_308 = arith.constant 0 : i32
          %dma_start3A_309 = tpu.memref_slice %arg22[%dma_start3A_307, %dma_start3A_308] : memref<20008x64xf32, #tpu.memory_space<vmem_shared>> -> memref<20008x64xf32, #tpu.memory_space<vmem_shared>>
          tpu.enqueue_indirect_dma source(%arg18 : memref<96x64xf32, #tpu.memory_space<vmem>>) target(%dma_start3A_309 : memref<20008x64xf32, #tpu.memory_space<vmem_shared>>) offsets(%dma_start3A_306 : memref<96xi32, #tpu.memory_space<vmem>>) semaphore(%arg28 : memref<!tpu.dma_semaphore, #tpu.memory_space<semaphore_mem>>) {add = true}
          %eq3A_310 = arith.constant 0 : i32
          %eq3A_311 = arith.cmpi eq, %arg0, %eq3A_310 : i32
          %convert_element_type3A_312 = arith.extui %eq3A_311 : i1 to i32
          %cond3A_313 = arith.constant 0 : i32
          %cond3A_314 = arith.cmpi ne, %convert_element_type3A_312, %cond3A_313 : i32
          scf.if %cond3A_314 {
            %get3A = arith.index_cast %sub3A_296 : i32 to index
            %get3A_315 = arith.constant 0 : index
            %get3A_316 = tpu.vector_load %arg16[%get3A, %get3A_315] {strides = array<i32>} : memref<24x96xi32, #tpu.memory_space<vmem>>, vector<16xi32>,
            tpu.vector_store_idx %arg21[%get3A_316], %broadcast_in_dim3A_12 {add = true} : memref<20016xf32, #tpu.memory_space<vmem>>[vector<16xi32>], vector<16xf32>,
            %get3A_317 = arith.index_cast %sub3A_296 : i32 to index
            %get3A_318 = arith.constant 16 : index
            %get3A_319 = tpu.vector_load %arg16[%get3A_317, %get3A_318] {strides = array<i32>} : memref<24x96xi32, #tpu.memory_space<vmem>>, vector<16xi32>,
            tpu.vector_store_idx %arg21[%get3A_319], %broadcast_in_dim3A_12 {add = true} : memref<20016xf32, #tpu.memory_space<vmem>>[vector<16xi32>], vector<16xf32>,
            %get3A_320 = arith.index_cast %sub3A_296 : i32 to index
            %get3A_321 = arith.constant 32 : index
            %get3A_322 = tpu.vector_load %arg16[%get3A_320, %get3A_321] {strides = array<i32>} : memref<24x96xi32, #tpu.memory_space<vmem>>, vector<16xi32>,
            tpu.vector_store_idx %arg21[%get3A_322], %broadcast_in_dim3A_12 {add = true} : memref<20016xf32, #tpu.memory_space<vmem>>[vector<16xi32>], vector<16xf32>,
            %get3A_323 = arith.index_cast %sub3A_296 : i32 to index
            %get3A_324 = arith.constant 48 : index
            %get3A_325 = tpu.vector_load %arg16[%get3A_323, %get3A_324] {strides = array<i32>} : memref<24x96xi32, #tpu.memory_space<vmem>>, vector<16xi32>,
            tpu.vector_store_idx %arg21[%get3A_325], %broadcast_in_dim3A_12 {add = true} : memref<20016xf32, #tpu.memory_space<vmem>>[vector<16xi32>], vector<16xf32>,
            %get3A_326 = arith.index_cast %sub3A_296 : i32 to index
            %get3A_327 = arith.constant 64 : index
            %get3A_328 = tpu.vector_load %arg16[%get3A_326, %get3A_327] {strides = array<i32>} : memref<24x96xi32, #tpu.memory_space<vmem>>, vector<16xi32>,
            tpu.vector_store_idx %arg21[%get3A_328], %broadcast_in_dim3A_12 {add = true} : memref<20016xf32, #tpu.memory_space<vmem>>[vector<16xi32>], vector<16xf32>,
            %get3A_329 = arith.index_cast %sub3A_296 : i32 to index
            %get3A_330 = arith.constant 80 : index
            %get3A_331 = tpu.vector_load %arg16[%get3A_329, %get3A_330] {strides = array<i32>} : memref<24x96xi32, #tpu.memory_space<vmem>>, vector<16xi32>,
            tpu.vector_store_idx %arg21[%get3A_331], %broadcast_in_dim3A_12 {add = true} : memref<20016xf32, #tpu.memory_space<vmem>>[vector<16xi32>], vector<16xf32>,
          } else {
          }
        } else {
        }
        %mul3A_215 = arith.constant 4 : i32
        %mul3A_216 = arith.muli %mul3A_215, %scan3A_188 : i32
        %add3A_217 = arith.constant 1 : i32
        %add3A_218 = arith.addi %mul3A_216, %add3A_217 : i32
        %mul3A_219 = arith.constant 24 : i32
        %mul3A_220 = arith.muli %scan3A_121, %mul3A_219 : i32
        %add3A_221 = arith.addi %mul3A_220, %add3A_218 : i32
        %ge3A_222 = arith.constant 4 : i32
        %ge3A_223 = arith.cmpi sge, %add3A_221, %ge3A_222 : i32
        %convert_element_type3A_224 = arith.extui %ge3A_223 : i1 to i32
        %cond3A_225 = arith.constant 0 : i32
        %cond3A_226 = arith.cmpi ne, %convert_element_type3A_224, %cond3A_225 : i32
        scf.if %cond3A_226 {
          %dma_wait3A_296 = arith.constant 0 : i32
          %dma_wait3A_297 = arith.constant 0 : i32
          %dma_wait3A_298 = tpu.memref_slice %arg22[%dma_wait3A_296, %dma_wait3A_297] : memref<20008x64xf32, #tpu.memory_space<vmem_shared>> -> memref<96x64xf32, #tpu.memory_space<vmem_shared>>
          %dma_wait3A_299 = arith.constant 0 : i32
          %dma_wait3A_300 = arith.constant 0 : i32
          %dma_wait3A_301 = tpu.memref_slice %arg22[%dma_wait3A_299, %dma_wait3A_300] : memref<20008x64xf32, #tpu.memory_space<vmem_shared>> -> memref<96x64xf32, #tpu.memory_space<vmem_shared>>
          tpu.wait_dma2 semaphore(%arg28 : memref<!tpu.dma_semaphore, #tpu.memory_space<semaphore_mem>>) src(%arg18 : memref<96x64xf32, #tpu.memory_space<vmem>>) dst(%dma_wait3A_301 : memref<96x64xf32, #tpu.memory_space<vmem_shared>>)
        } else {
        }
        %eq3A_227 = arith.constant 0 : i32
        %eq3A_228 = arith.cmpi eq, %arg0, %eq3A_227 : i32
        %convert_element_type3A_229 = arith.extui %eq3A_228 : i1 to i32
        %cond3A_230 = arith.constant 0 : i32
        %cond3A_231 = arith.cmpi ne, %convert_element_type3A_229, %cond3A_230 : i32
        scf.if %cond3A_231 {
          %dma_start3A_296 = arith.constant 0 : i32
          %dma_start3A_297 = tpu.memref_slice %arg15[%add3A_218, %dma_start3A_296] : memref<24x96xi32, #tpu.memory_space<vmem>> -> memref<1x96xi32, #tpu.memory_space<vmem>>
          %dma_start3A_298 = tpu.memref_squeeze %dma_start3A_297 : memref<1x96xi32, #tpu.memory_space<vmem>> -> memref<96xi32, #tpu.memory_space<vmem>>
          %dma_start3A_299 = arith.constant 0 : i32
          %dma_start3A_300 = arith.constant 0 : i32
          %dma_start3A_301 = tpu.memref_slice %arg2[%dma_start3A_299, %dma_start3A_300] : memref<100000x64xf32, #tpu.memory_space<hbm>> -> memref<100000x64xf32, #tpu.memory_space<hbm>>
          tpu.enqueue_indirect_dma source(%dma_start3A_301 : memref<100000x64xf32, #tpu.memory_space<hbm>>) target(%arg18 : memref<96x64xf32, #tpu.memory_space<vmem>>) offsets(%dma_start3A_298 : memref<96xi32, #tpu.memory_space<vmem>>) semaphore(%arg24 : memref<!tpu.dma_semaphore, #tpu.memory_space<semaphore_mem>>)
        } else {
        }
        %eq3A_232 = arith.constant 1 : i32
        %eq3A_233 = arith.cmpi eq, %arg0, %eq3A_232 : i32
        %convert_element_type3A_234 = arith.extui %eq3A_233 : i1 to i32
        %cond3A_235 = arith.constant 0 : i32
        %cond3A_236 = arith.cmpi ne, %convert_element_type3A_234, %cond3A_235 : i32
        scf.if %cond3A_236 {
          %dma_start3A_296 = arith.constant 0 : i32
          %dma_start3A_297 = tpu.memref_slice %arg15[%add3A_218, %dma_start3A_296] : memref<24x96xi32, #tpu.memory_space<vmem>> -> memref<1x96xi32, #tpu.memory_space<vmem>>
          %dma_start3A_298 = tpu.memref_squeeze %dma_start3A_297 : memref<1x96xi32, #tpu.memory_space<vmem>> -> memref<96xi32, #tpu.memory_space<vmem>>
          %dma_start3A_299 = arith.constant 0 : i32
          %dma_start3A_300 = arith.constant 0 : i32
          %dma_start3A_301 = tpu.memref_slice %arg3[%dma_start3A_299, %dma_start3A_300] : memref<100000x64xf32, #tpu.memory_space<hbm>> -> memref<100000x64xf32, #tpu.memory_space<hbm>>
          tpu.enqueue_indirect_dma source(%dma_start3A_301 : memref<100000x64xf32, #tpu.memory_space<hbm>>) target(%arg18 : memref<96x64xf32, #tpu.memory_space<vmem>>) offsets(%dma_start3A_298 : memref<96xi32, #tpu.memory_space<vmem>>) semaphore(%arg24 : memref<!tpu.dma_semaphore, #tpu.memory_space<semaphore_mem>>)
        } else {
        }
        %ge3A_237 = arith.constant 3 : i32
        %ge3A_238 = arith.cmpi sge, %add3A_218, %ge3A_237 : i32
        %convert_element_type3A_239 = arith.extui %ge3A_238 : i1 to i32
        %cond3A_240 = arith.constant 0 : i32
        %cond3A_241 = arith.cmpi ne, %convert_element_type3A_239, %cond3A_240 : i32
        scf.if %cond3A_241 {
          %sub3A = arith.constant 3 : i32
          %sub3A_296 = arith.subi %add3A_218, %sub3A : i32
          %dma_wait3A_297 = arith.constant 0 : i32
          %dma_wait3A_298 = arith.constant 0 : i32
          %dma_wait3A_299 = tpu.memref_slice %arg15[%dma_wait3A_297, %dma_wait3A_298] : memref<24x96xi32, #tpu.memory_space<vmem>> -> memref<1x96xi32, #tpu.memory_space<vmem>>
          %dma_wait3A_300 = tpu.memref_squeeze %dma_wait3A_299 : memref<1x96xi32, #tpu.memory_space<vmem>> -> memref<96xi32, #tpu.memory_space<vmem>>
          %dma_wait3A_301 = arith.constant 0 : i32
          %dma_wait3A_302 = arith.constant 0 : i32
          %dma_wait3A_303 = tpu.memref_slice %arg2[%dma_wait3A_301, %dma_wait3A_302] : memref<100000x64xf32, #tpu.memory_space<hbm>> -> memref<100000x64xf32, #tpu.memory_space<hbm>>
          tpu.wait_indirect_dma semaphore(%arg25 : memref<!tpu.dma_semaphore, #tpu.memory_space<semaphore_mem>>) src(%dma_wait3A_303 : memref<100000x64xf32, #tpu.memory_space<hbm>>) dst(%arg19 : memref<96x64xf32, #tpu.memory_space<vmem>>)
          %dma_start3A_304 = arith.constant 0 : i32
          %dma_start3A_305 = tpu.memref_slice %arg16[%sub3A_296, %dma_start3A_304] : memref<24x96xi32, #tpu.memory_space<vmem>> -> memref<1x96xi32, #tpu.memory_space<vmem>>
          %dma_start3A_306 = tpu.memref_squeeze %dma_start3A_305 : memref<1x96xi32, #tpu.memory_space<vmem>> -> memref<96xi32, #tpu.memory_space<vmem>>
          %dma_start3A_307 = arith.constant 0 : i32
          %dma_start3A_308 = arith.constant 0 : i32
          %dma_start3A_309 = tpu.memref_slice %arg22[%dma_start3A_307, %dma_start3A_308] : memref<20008x64xf32, #tpu.memory_space<vmem_shared>> -> memref<20008x64xf32, #tpu.memory_space<vmem_shared>>
          tpu.enqueue_indirect_dma source(%arg19 : memref<96x64xf32, #tpu.memory_space<vmem>>) target(%dma_start3A_309 : memref<20008x64xf32, #tpu.memory_space<vmem_shared>>) offsets(%dma_start3A_306 : memref<96xi32, #tpu.memory_space<vmem>>) semaphore(%arg29 : memref<!tpu.dma_semaphore, #tpu.memory_space<semaphore_mem>>) {add = true}
          %eq3A_310 = arith.constant 0 : i32
          %eq3A_311 = arith.cmpi eq, %arg0, %eq3A_310 : i32
          %convert_element_type3A_312 = arith.extui %eq3A_311 : i1 to i32
          %cond3A_313 = arith.constant 0 : i32
          %cond3A_314 = arith.cmpi ne, %convert_element_type3A_312, %cond3A_313 : i32
          scf.if %cond3A_314 {
            %get3A = arith.index_cast %sub3A_296 : i32 to index
            %get3A_315 = arith.constant 0 : index
            %get3A_316 = tpu.vector_load %arg16[%get3A, %get3A_315] {strides = array<i32>} : memref<24x96xi32, #tpu.memory_space<vmem>>, vector<16xi32>,
            tpu.vector_store_idx %arg21[%get3A_316], %broadcast_in_dim3A_12 {add = true} : memref<20016xf32, #tpu.memory_space<vmem>>[vector<16xi32>], vector<16xf32>,
            %get3A_317 = arith.index_cast %sub3A_296 : i32 to index
            %get3A_318 = arith.constant 16 : index
            %get3A_319 = tpu.vector_load %arg16[%get3A_317, %get3A_318] {strides = array<i32>} : memref<24x96xi32, #tpu.memory_space<vmem>>, vector<16xi32>,
            tpu.vector_store_idx %arg21[%get3A_319], %broadcast_in_dim3A_12 {add = true} : memref<20016xf32, #tpu.memory_space<vmem>>[vector<16xi32>], vector<16xf32>,
            %get3A_320 = arith.index_cast %sub3A_296 : i32 to index
            %get3A_321 = arith.constant 32 : index
            %get3A_322 = tpu.vector_load %arg16[%get3A_320, %get3A_321] {strides = array<i32>} : memref<24x96xi32, #tpu.memory_space<vmem>>, vector<16xi32>,
            tpu.vector_store_idx %arg21[%get3A_322], %broadcast_in_dim3A_12 {add = true} : memref<20016xf32, #tpu.memory_space<vmem>>[vector<16xi32>], vector<16xf32>,
            %get3A_323 = arith.index_cast %sub3A_296 : i32 to index
            %get3A_324 = arith.constant 48 : index
            %get3A_325 = tpu.vector_load %arg16[%get3A_323, %get3A_324] {strides = array<i32>} : memref<24x96xi32, #tpu.memory_space<vmem>>, vector<16xi32>,
            tpu.vector_store_idx %arg21[%get3A_325], %broadcast_in_dim3A_12 {add = true} : memref<20016xf32, #tpu.memory_space<vmem>>[vector<16xi32>], vector<16xf32>,
            %get3A_326 = arith.index_cast %sub3A_296 : i32 to index
            %get3A_327 = arith.constant 64 : index
            %get3A_328 = tpu.vector_load %arg16[%get3A_326, %get3A_327] {strides = array<i32>} : memref<24x96xi32, #tpu.memory_space<vmem>>, vector<16xi32>,
            tpu.vector_store_idx %arg21[%get3A_328], %broadcast_in_dim3A_12 {add = true} : memref<20016xf32, #tpu.memory_space<vmem>>[vector<16xi32>], vector<16xf32>,
            %get3A_329 = arith.index_cast %sub3A_296 : i32 to index
            %get3A_330 = arith.constant 80 : index
            %get3A_331 = tpu.vector_load %arg16[%get3A_329, %get3A_330] {strides = array<i32>} : memref<24x96xi32, #tpu.memory_space<vmem>>, vector<16xi32>,
            tpu.vector_store_idx %arg21[%get3A_331], %broadcast_in_dim3A_12 {add = true} : memref<20016xf32, #tpu.memory_space<vmem>>[vector<16xi32>], vector<16xf32>,
          } else {
          }
        } else {
        }
        %mul3A_242 = arith.constant 4 : i32
        %mul3A_243 = arith.muli %mul3A_242, %scan3A_188 : i32
        %add3A_244 = arith.constant 2 : i32
        %add3A_245 = arith.addi %mul3A_243, %add3A_244 : i32
        %mul3A_246 = arith.constant 24 : i32
        %mul3A_247 = arith.muli %scan3A_121, %mul3A_246 : i32
        %add3A_248 = arith.addi %mul3A_247, %add3A_245 : i32
        %ge3A_249 = arith.constant 4 : i32
        %ge3A_250 = arith.cmpi sge, %add3A_248, %ge3A_249 : i32
        %convert_element_type3A_251 = arith.extui %ge3A_250 : i1 to i32
        %cond3A_252 = arith.constant 0 : i32
        %cond3A_253 = arith.cmpi ne, %convert_element_type3A_251, %cond3A_252 : i32
        scf.if %cond3A_253 {
          %dma_wait3A_296 = arith.constant 0 : i32
          %dma_wait3A_297 = arith.constant 0 : i32
          %dma_wait3A_298 = tpu.memref_slice %arg22[%dma_wait3A_296, %dma_wait3A_297] : memref<20008x64xf32, #tpu.memory_space<vmem_shared>> -> memref<96x64xf32, #tpu.memory_space<vmem_shared>>
          %dma_wait3A_299 = arith.constant 0 : i32
          %dma_wait3A_300 = arith.constant 0 : i32
          %dma_wait3A_301 = tpu.memref_slice %arg22[%dma_wait3A_299, %dma_wait3A_300] : memref<20008x64xf32, #tpu.memory_space<vmem_shared>> -> memref<96x64xf32, #tpu.memory_space<vmem_shared>>
          tpu.wait_dma2 semaphore(%arg29 : memref<!tpu.dma_semaphore, #tpu.memory_space<semaphore_mem>>) src(%arg19 : memref<96x64xf32, #tpu.memory_space<vmem>>) dst(%dma_wait3A_301 : memref<96x64xf32, #tpu.memory_space<vmem_shared>>)
        } else {
        }
        %eq3A_254 = arith.constant 0 : i32
        %eq3A_255 = arith.cmpi eq, %arg0, %eq3A_254 : i32
        %convert_element_type3A_256 = arith.extui %eq3A_255 : i1 to i32
        %cond3A_257 = arith.constant 0 : i32
        %cond3A_258 = arith.cmpi ne, %convert_element_type3A_256, %cond3A_257 : i32
        scf.if %cond3A_258 {
          %dma_start3A_296 = arith.constant 0 : i32
          %dma_start3A_297 = tpu.memref_slice %arg15[%add3A_245, %dma_start3A_296] : memref<24x96xi32, #tpu.memory_space<vmem>> -> memref<1x96xi32, #tpu.memory_space<vmem>>
          %dma_start3A_298 = tpu.memref_squeeze %dma_start3A_297 : memref<1x96xi32, #tpu.memory_space<vmem>> -> memref<96xi32, #tpu.memory_space<vmem>>
          %dma_start3A_299 = arith.constant 0 : i32
          %dma_start3A_300 = arith.constant 0 : i32
          %dma_start3A_301 = tpu.memref_slice %arg2[%dma_start3A_299, %dma_start3A_300] : memref<100000x64xf32, #tpu.memory_space<hbm>> -> memref<100000x64xf32, #tpu.memory_space<hbm>>
          tpu.enqueue_indirect_dma source(%dma_start3A_301 : memref<100000x64xf32, #tpu.memory_space<hbm>>) target(%arg19 : memref<96x64xf32, #tpu.memory_space<vmem>>) offsets(%dma_start3A_298 : memref<96xi32, #tpu.memory_space<vmem>>) semaphore(%arg25 : memref<!tpu.dma_semaphore, #tpu.memory_space<semaphore_mem>>)
        } else {
        }
        %eq3A_259 = arith.constant 1 : i32
        %eq3A_260 = arith.cmpi eq, %arg0, %eq3A_259 : i32
        %convert_element_type3A_261 = arith.extui %eq3A_260 : i1 to i32
        %cond3A_262 = arith.constant 0 : i32
        %cond3A_263 = arith.cmpi ne, %convert_element_type3A_261, %cond3A_262 : i32
        scf.if %cond3A_263 {
          %dma_start3A_296 = arith.constant 0 : i32
          %dma_start3A_297 = tpu.memref_slice %arg15[%add3A_245, %dma_start3A_296] : memref<24x96xi32, #tpu.memory_space<vmem>> -> memref<1x96xi32, #tpu.memory_space<vmem>>
          %dma_start3A_298 = tpu.memref_squeeze %dma_start3A_297 : memref<1x96xi32, #tpu.memory_space<vmem>> -> memref<96xi32, #tpu.memory_space<vmem>>
          %dma_start3A_299 = arith.constant 0 : i32
          %dma_start3A_300 = arith.constant 0 : i32
          %dma_start3A_301 = tpu.memref_slice %arg3[%dma_start3A_299, %dma_start3A_300] : memref<100000x64xf32, #tpu.memory_space<hbm>> -> memref<100000x64xf32, #tpu.memory_space<hbm>>
          tpu.enqueue_indirect_dma source(%dma_start3A_301 : memref<100000x64xf32, #tpu.memory_space<hbm>>) target(%arg19 : memref<96x64xf32, #tpu.memory_space<vmem>>) offsets(%dma_start3A_298 : memref<96xi32, #tpu.memory_space<vmem>>) semaphore(%arg25 : memref<!tpu.dma_semaphore, #tpu.memory_space<semaphore_mem>>)
        } else {
        }
        %ge3A_264 = arith.constant 3 : i32
        %ge3A_265 = arith.cmpi sge, %add3A_245, %ge3A_264 : i32
        %convert_element_type3A_266 = arith.extui %ge3A_265 : i1 to i32
        %cond3A_267 = arith.constant 0 : i32
        %cond3A_268 = arith.cmpi ne, %convert_element_type3A_266, %cond3A_267 : i32
        scf.if %cond3A_268 {
          %sub3A = arith.constant 3 : i32
          %sub3A_296 = arith.subi %add3A_245, %sub3A : i32
          %dma_wait3A_297 = arith.constant 0 : i32
          %dma_wait3A_298 = arith.constant 0 : i32
          %dma_wait3A_299 = tpu.memref_slice %arg15[%dma_wait3A_297, %dma_wait3A_298] : memref<24x96xi32, #tpu.memory_space<vmem>> -> memref<1x96xi32, #tpu.memory_space<vmem>>
          %dma_wait3A_300 = tpu.memref_squeeze %dma_wait3A_299 : memref<1x96xi32, #tpu.memory_space<vmem>> -> memref<96xi32, #tpu.memory_space<vmem>>
          %dma_wait3A_301 = arith.constant 0 : i32
          %dma_wait3A_302 = arith.constant 0 : i32
          %dma_wait3A_303 = tpu.memref_slice %arg2[%dma_wait3A_301, %dma_wait3A_302] : memref<100000x64xf32, #tpu.memory_space<hbm>> -> memref<100000x64xf32, #tpu.memory_space<hbm>>
          tpu.wait_indirect_dma semaphore(%arg26 : memref<!tpu.dma_semaphore, #tpu.memory_space<semaphore_mem>>) src(%dma_wait3A_303 : memref<100000x64xf32, #tpu.memory_space<hbm>>) dst(%arg20 : memref<96x64xf32, #tpu.memory_space<vmem>>)
          %dma_start3A_304 = arith.constant 0 : i32
          %dma_start3A_305 = tpu.memref_slice %arg16[%sub3A_296, %dma_start3A_304] : memref<24x96xi32, #tpu.memory_space<vmem>> -> memref<1x96xi32, #tpu.memory_space<vmem>>
          %dma_start3A_306 = tpu.memref_squeeze %dma_start3A_305 : memref<1x96xi32, #tpu.memory_space<vmem>> -> memref<96xi32, #tpu.memory_space<vmem>>
          %dma_start3A_307 = arith.constant 0 : i32
          %dma_start3A_308 = arith.constant 0 : i32
          %dma_start3A_309 = tpu.memref_slice %arg22[%dma_start3A_307, %dma_start3A_308] : memref<20008x64xf32, #tpu.memory_space<vmem_shared>> -> memref<20008x64xf32, #tpu.memory_space<vmem_shared>>
          tpu.enqueue_indirect_dma source(%arg20 : memref<96x64xf32, #tpu.memory_space<vmem>>) target(%dma_start3A_309 : memref<20008x64xf32, #tpu.memory_space<vmem_shared>>) offsets(%dma_start3A_306 : memref<96xi32, #tpu.memory_space<vmem>>) semaphore(%arg30 : memref<!tpu.dma_semaphore, #tpu.memory_space<semaphore_mem>>) {add = true}
          %eq3A_310 = arith.constant 0 : i32
          %eq3A_311 = arith.cmpi eq, %arg0, %eq3A_310 : i32
          %convert_element_type3A_312 = arith.extui %eq3A_311 : i1 to i32
          %cond3A_313 = arith.constant 0 : i32
          %cond3A_314 = arith.cmpi ne, %convert_element_type3A_312, %cond3A_313 : i32
          scf.if %cond3A_314 {
            %get3A = arith.index_cast %sub3A_296 : i32 to index
            %get3A_315 = arith.constant 0 : index
            %get3A_316 = tpu.vector_load %arg16[%get3A, %get3A_315] {strides = array<i32>} : memref<24x96xi32, #tpu.memory_space<vmem>>, vector<16xi32>,
            tpu.vector_store_idx %arg21[%get3A_316], %broadcast_in_dim3A_12 {add = true} : memref<20016xf32, #tpu.memory_space<vmem>>[vector<16xi32>], vector<16xf32>,
            %get3A_317 = arith.index_cast %sub3A_296 : i32 to index
            %get3A_318 = arith.constant 16 : index
            %get3A_319 = tpu.vector_load %arg16[%get3A_317, %get3A_318] {strides = array<i32>} : memref<24x96xi32, #tpu.memory_space<vmem>>, vector<16xi32>,
            tpu.vector_store_idx %arg21[%get3A_319], %broadcast_in_dim3A_12 {add = true} : memref<20016xf32, #tpu.memory_space<vmem>>[vector<16xi32>], vector<16xf32>,
            %get3A_320 = arith.index_cast %sub3A_296 : i32 to index
            %get3A_321 = arith.constant 32 : index
            %get3A_322 = tpu.vector_load %arg16[%get3A_320, %get3A_321] {strides = array<i32>} : memref<24x96xi32, #tpu.memory_space<vmem>>, vector<16xi32>,
            tpu.vector_store_idx %arg21[%get3A_322], %broadcast_in_dim3A_12 {add = true} : memref<20016xf32, #tpu.memory_space<vmem>>[vector<16xi32>], vector<16xf32>,
            %get3A_323 = arith.index_cast %sub3A_296 : i32 to index
            %get3A_324 = arith.constant 48 : index
            %get3A_325 = tpu.vector_load %arg16[%get3A_323, %get3A_324] {strides = array<i32>} : memref<24x96xi32, #tpu.memory_space<vmem>>, vector<16xi32>,
            tpu.vector_store_idx %arg21[%get3A_325], %broadcast_in_dim3A_12 {add = true} : memref<20016xf32, #tpu.memory_space<vmem>>[vector<16xi32>], vector<16xf32>,
            %get3A_326 = arith.index_cast %sub3A_296 : i32 to index
            %get3A_327 = arith.constant 64 : index
            %get3A_328 = tpu.vector_load %arg16[%get3A_326, %get3A_327] {strides = array<i32>} : memref<24x96xi32, #tpu.memory_space<vmem>>, vector<16xi32>,
            tpu.vector_store_idx %arg21[%get3A_328], %broadcast_in_dim3A_12 {add = true} : memref<20016xf32, #tpu.memory_space<vmem>>[vector<16xi32>], vector<16xf32>,
            %get3A_329 = arith.index_cast %sub3A_296 : i32 to index
            %get3A_330 = arith.constant 80 : index
            %get3A_331 = tpu.vector_load %arg16[%get3A_329, %get3A_330] {strides = array<i32>} : memref<24x96xi32, #tpu.memory_space<vmem>>, vector<16xi32>,
            tpu.vector_store_idx %arg21[%get3A_331], %broadcast_in_dim3A_12 {add = true} : memref<20016xf32, #tpu.memory_space<vmem>>[vector<16xi32>], vector<16xf32>,
          } else {
          }
        } else {
        }
        %mul3A_269 = arith.constant 4 : i32
        %mul3A_270 = arith.muli %mul3A_269, %scan3A_188 : i32
        %add3A_271 = arith.constant 3 : i32
        %add3A_272 = arith.addi %mul3A_270, %add3A_271 : i32
        %mul3A_273 = arith.constant 24 : i32
        %mul3A_274 = arith.muli %scan3A_121, %mul3A_273 : i32
        %add3A_275 = arith.addi %mul3A_274, %add3A_272 : i32
        %ge3A_276 = arith.constant 4 : i32
        %ge3A_277 = arith.cmpi sge, %add3A_275, %ge3A_276 : i32
        %convert_element_type3A_278 = arith.extui %ge3A_277 : i1 to i32
        %cond3A_279 = arith.constant 0 : i32
        %cond3A_280 = arith.cmpi ne, %convert_element_type3A_278, %cond3A_279 : i32
        scf.if %cond3A_280 {
          %dma_wait3A_296 = arith.constant 0 : i32
          %dma_wait3A_297 = arith.constant 0 : i32
          %dma_wait3A_298 = tpu.memref_slice %arg22[%dma_wait3A_296, %dma_wait3A_297] : memref<20008x64xf32, #tpu.memory_space<vmem_shared>> -> memref<96x64xf32, #tpu.memory_space<vmem_shared>>
          %dma_wait3A_299 = arith.constant 0 : i32
          %dma_wait3A_300 = arith.constant 0 : i32
          %dma_wait3A_301 = tpu.memref_slice %arg22[%dma_wait3A_299, %dma_wait3A_300] : memref<20008x64xf32, #tpu.memory_space<vmem_shared>> -> memref<96x64xf32, #tpu.memory_space<vmem_shared>>
          tpu.wait_dma2 semaphore(%arg30 : memref<!tpu.dma_semaphore, #tpu.memory_space<semaphore_mem>>) src(%arg20 : memref<96x64xf32, #tpu.memory_space<vmem>>) dst(%dma_wait3A_301 : memref<96x64xf32, #tpu.memory_space<vmem_shared>>)
        } else {
        }
        %eq3A_281 = arith.constant 0 : i32
        %eq3A_282 = arith.cmpi eq, %arg0, %eq3A_281 : i32
        %convert_element_type3A_283 = arith.extui %eq3A_282 : i1 to i32
        %cond3A_284 = arith.constant 0 : i32
        %cond3A_285 = arith.cmpi ne, %convert_element_type3A_283, %cond3A_284 : i32
        scf.if %cond3A_285 {
          %dma_start3A_296 = arith.constant 0 : i32
          %dma_start3A_297 = tpu.memref_slice %arg15[%add3A_272, %dma_start3A_296] : memref<24x96xi32, #tpu.memory_space<vmem>> -> memref<1x96xi32, #tpu.memory_space<vmem>>
          %dma_start3A_298 = tpu.memref_squeeze %dma_start3A_297 : memref<1x96xi32, #tpu.memory_space<vmem>> -> memref<96xi32, #tpu.memory_space<vmem>>
          %dma_start3A_299 = arith.constant 0 : i32
          %dma_start3A_300 = arith.constant 0 : i32
          %dma_start3A_301 = tpu.memref_slice %arg2[%dma_start3A_299, %dma_start3A_300] : memref<100000x64xf32, #tpu.memory_space<hbm>> -> memref<100000x64xf32, #tpu.memory_space<hbm>>
          tpu.enqueue_indirect_dma source(%dma_start3A_301 : memref<100000x64xf32, #tpu.memory_space<hbm>>) target(%arg20 : memref<96x64xf32, #tpu.memory_space<vmem>>) offsets(%dma_start3A_298 : memref<96xi32, #tpu.memory_space<vmem>>) semaphore(%arg26 : memref<!tpu.dma_semaphore, #tpu.memory_space<semaphore_mem>>)
        } else {
        }
        %eq3A_286 = arith.constant 1 : i32
        %eq3A_287 = arith.cmpi eq, %arg0, %eq3A_286 : i32
        %convert_element_type3A_288 = arith.extui %eq3A_287 : i1 to i32
        %cond3A_289 = arith.constant 0 : i32
        %cond3A_290 = arith.cmpi ne, %convert_element_type3A_288, %cond3A_289 : i32
        scf.if %cond3A_290 {
          %dma_start3A_296 = arith.constant 0 : i32
          %dma_start3A_297 = tpu.memref_slice %arg15[%add3A_272, %dma_start3A_296] : memref<24x96xi32, #tpu.memory_space<vmem>> -> memref<1x96xi32, #tpu.memory_space<vmem>>
          %dma_start3A_298 = tpu.memref_squeeze %dma_start3A_297 : memref<1x96xi32, #tpu.memory_space<vmem>> -> memref<96xi32, #tpu.memory_space<vmem>>
          %dma_start3A_299 = arith.constant 0 : i32
          %dma_start3A_300 = arith.constant 0 : i32
          %dma_start3A_301 = tpu.memref_slice %arg3[%dma_start3A_299, %dma_start3A_300] : memref<100000x64xf32, #tpu.memory_space<hbm>> -> memref<100000x64xf32, #tpu.memory_space<hbm>>
          tpu.enqueue_indirect_dma source(%dma_start3A_301 : memref<100000x64xf32, #tpu.memory_space<hbm>>) target(%arg20 : memref<96x64xf32, #tpu.memory_space<vmem>>) offsets(%dma_start3A_298 : memref<96xi32, #tpu.memory_space<vmem>>) semaphore(%arg26 : memref<!tpu.dma_semaphore, #tpu.memory_space<semaphore_mem>>)
        } else {
        }
        %ge3A_291 = arith.constant 3 : i32
        %ge3A_292 = arith.cmpi sge, %add3A_272, %ge3A_291 : i32
        %convert_element_type3A_293 = arith.extui %ge3A_292 : i1 to i32
        %cond3A_294 = arith.constant 0 : i32
        %cond3A_295 = arith.cmpi ne, %convert_element_type3A_293, %cond3A_294 : i32
        scf.if %cond3A_295 {
          %sub3A = arith.constant 3 : i32
          %sub3A_296 = arith.subi %add3A_272, %sub3A : i32
          %dma_wait3A_297 = arith.constant 0 : i32
          %dma_wait3A_298 = arith.constant 0 : i32
          %dma_wait3A_299 = tpu.memref_slice %arg15[%dma_wait3A_297, %dma_wait3A_298] : memref<24x96xi32, #tpu.memory_space<vmem>> -> memref<1x96xi32, #tpu.memory_space<vmem>>
          %dma_wait3A_300 = tpu.memref_squeeze %dma_wait3A_299 : memref<1x96xi32, #tpu.memory_space<vmem>> -> memref<96xi32, #tpu.memory_space<vmem>>
          %dma_wait3A_301 = arith.constant 0 : i32
          %dma_wait3A_302 = arith.constant 0 : i32
          %dma_wait3A_303 = tpu.memref_slice %arg2[%dma_wait3A_301, %dma_wait3A_302] : memref<100000x64xf32, #tpu.memory_space<hbm>> -> memref<100000x64xf32, #tpu.memory_space<hbm>>
          tpu.wait_indirect_dma semaphore(%arg23 : memref<!tpu.dma_semaphore, #tpu.memory_space<semaphore_mem>>) src(%dma_wait3A_303 : memref<100000x64xf32, #tpu.memory_space<hbm>>) dst(%arg17 : memref<96x64xf32, #tpu.memory_space<vmem>>)
          %dma_start3A_304 = arith.constant 0 : i32
          %dma_start3A_305 = tpu.memref_slice %arg16[%sub3A_296, %dma_start3A_304] : memref<24x96xi32, #tpu.memory_space<vmem>> -> memref<1x96xi32, #tpu.memory_space<vmem>>
          %dma_start3A_306 = tpu.memref_squeeze %dma_start3A_305 : memref<1x96xi32, #tpu.memory_space<vmem>> -> memref<96xi32, #tpu.memory_space<vmem>>
          %dma_start3A_307 = arith.constant 0 : i32
          %dma_start3A_308 = arith.constant 0 : i32
          %dma_start3A_309 = tpu.memref_slice %arg22[%dma_start3A_307, %dma_start3A_308] : memref<20008x64xf32, #tpu.memory_space<vmem_shared>> -> memref<20008x64xf32, #tpu.memory_space<vmem_shared>>
          tpu.enqueue_indirect_dma source(%arg17 : memref<96x64xf32, #tpu.memory_space<vmem>>) target(%dma_start3A_309 : memref<20008x64xf32, #tpu.memory_space<vmem_shared>>) offsets(%dma_start3A_306 : memref<96xi32, #tpu.memory_space<vmem>>) semaphore(%arg27 : memref<!tpu.dma_semaphore, #tpu.memory_space<semaphore_mem>>) {add = true}
          %eq3A_310 = arith.constant 0 : i32
          %eq3A_311 = arith.cmpi eq, %arg0, %eq3A_310 : i32
          %convert_element_type3A_312 = arith.extui %eq3A_311 : i1 to i32
          %cond3A_313 = arith.constant 0 : i32
          %cond3A_314 = arith.cmpi ne, %convert_element_type3A_312, %cond3A_313 : i32
          scf.if %cond3A_314 {
            %get3A = arith.index_cast %sub3A_296 : i32 to index
            %get3A_315 = arith.constant 0 : index
            %get3A_316 = tpu.vector_load %arg16[%get3A, %get3A_315] {strides = array<i32>} : memref<24x96xi32, #tpu.memory_space<vmem>>, vector<16xi32>,
            tpu.vector_store_idx %arg21[%get3A_316], %broadcast_in_dim3A_12 {add = true} : memref<20016xf32, #tpu.memory_space<vmem>>[vector<16xi32>], vector<16xf32>,
            %get3A_317 = arith.index_cast %sub3A_296 : i32 to index
            %get3A_318 = arith.constant 16 : index
            %get3A_319 = tpu.vector_load %arg16[%get3A_317, %get3A_318] {strides = array<i32>} : memref<24x96xi32, #tpu.memory_space<vmem>>, vector<16xi32>,
            tpu.vector_store_idx %arg21[%get3A_319], %broadcast_in_dim3A_12 {add = true} : memref<20016xf32, #tpu.memory_space<vmem>>[vector<16xi32>], vector<16xf32>,
            %get3A_320 = arith.index_cast %sub3A_296 : i32 to index
            %get3A_321 = arith.constant 32 : index
            %get3A_322 = tpu.vector_load %arg16[%get3A_320, %get3A_321] {strides = array<i32>} : memref<24x96xi32, #tpu.memory_space<vmem>>, vector<16xi32>,
            tpu.vector_store_idx %arg21[%get3A_322], %broadcast_in_dim3A_12 {add = true} : memref<20016xf32, #tpu.memory_space<vmem>>[vector<16xi32>], vector<16xf32>,
            %get3A_323 = arith.index_cast %sub3A_296 : i32 to index
            %get3A_324 = arith.constant 48 : index
            %get3A_325 = tpu.vector_load %arg16[%get3A_323, %get3A_324] {strides = array<i32>} : memref<24x96xi32, #tpu.memory_space<vmem>>, vector<16xi32>,
            tpu.vector_store_idx %arg21[%get3A_325], %broadcast_in_dim3A_12 {add = true} : memref<20016xf32, #tpu.memory_space<vmem>>[vector<16xi32>], vector<16xf32>,
            %get3A_326 = arith.index_cast %sub3A_296 : i32 to index
            %get3A_327 = arith.constant 64 : index
            %get3A_328 = tpu.vector_load %arg16[%get3A_326, %get3A_327] {strides = array<i32>} : memref<24x96xi32, #tpu.memory_space<vmem>>, vector<16xi32>,
            tpu.vector_store_idx %arg21[%get3A_328], %broadcast_in_dim3A_12 {add = true} : memref<20016xf32, #tpu.memory_space<vmem>>[vector<16xi32>], vector<16xf32>,
            %get3A_329 = arith.index_cast %sub3A_296 : i32 to index
            %get3A_330 = arith.constant 80 : index
            %get3A_331 = tpu.vector_load %arg16[%get3A_329, %get3A_330] {strides = array<i32>} : memref<24x96xi32, #tpu.memory_space<vmem>>, vector<16xi32>,
            tpu.vector_store_idx %arg21[%get3A_331], %broadcast_in_dim3A_12 {add = true} : memref<20016xf32, #tpu.memory_space<vmem>>[vector<16xi32>], vector<16xf32>,
          } else {
          }
        } else {
        }
      }
      %scan3A_131 = arith.constant 6 : i32
      %dma_wait3A_132 = arith.constant 0 : i32
      %dma_wait3A_133 = arith.constant 0 : i32
      %dma_wait3A_134 = tpu.memref_slice %arg15[%dma_wait3A_132, %dma_wait3A_133] : memref<24x96xi32, #tpu.memory_space<vmem>> -> memref<1x96xi32, #tpu.memory_space<vmem>>
      %dma_wait3A_135 = tpu.memref_squeeze %dma_wait3A_134 : memref<1x96xi32, #tpu.memory_space<vmem>> -> memref<96xi32, #tpu.memory_space<vmem>>
      %dma_wait3A_136 = arith.constant 0 : i32
      %dma_wait3A_137 = arith.constant 0 : i32
      %dma_wait3A_138 = tpu.memref_slice %arg2[%dma_wait3A_136, %dma_wait3A_137] : memref<100000x64xf32, #tpu.memory_space<hbm>> -> memref<100000x64xf32, #tpu.memory_space<hbm>>
      tpu.wait_indirect_dma semaphore(%arg24 : memref<!tpu.dma_semaphore, #tpu.memory_space<semaphore_mem>>) src(%dma_wait3A_138 : memref<100000x64xf32, #tpu.memory_space<hbm>>) dst(%arg18 : memref<96x64xf32, #tpu.memory_space<vmem>>)
      %dma_start3A = arith.constant 21 : i32
      %dma_start3A_139 = arith.constant 0 : i32
      %dma_start3A_140 = tpu.memref_slice %arg16[%dma_start3A, %dma_start3A_139] : memref<24x96xi32, #tpu.memory_space<vmem>> -> memref<1x96xi32, #tpu.memory_space<vmem>>
      %dma_start3A_141 = tpu.memref_squeeze %dma_start3A_140 : memref<1x96xi32, #tpu.memory_space<vmem>> -> memref<96xi32, #tpu.memory_space<vmem>>
      %dma_start3A_142 = arith.constant 0 : i32
      %dma_start3A_143 = arith.constant 0 : i32
      %dma_start3A_144 = tpu.memref_slice %arg22[%dma_start3A_142, %dma_start3A_143] : memref<20008x64xf32, #tpu.memory_space<vmem_shared>> -> memref<20008x64xf32, #tpu.memory_space<vmem_shared>>
      tpu.enqueue_indirect_dma source(%arg18 : memref<96x64xf32, #tpu.memory_space<vmem>>) target(%dma_start3A_144 : memref<20008x64xf32, #tpu.memory_space<vmem_shared>>) offsets(%dma_start3A_141 : memref<96xi32, #tpu.memory_space<vmem>>) semaphore(%arg28 : memref<!tpu.dma_semaphore, #tpu.memory_space<semaphore_mem>>) {add = true}
      %eq3A_145 = arith.constant 0 : i32
      %eq3A_146 = arith.cmpi eq, %arg0, %eq3A_145 : i32
      %convert_element_type3A_147 = arith.extui %eq3A_146 : i1 to i32
      %cond3A_148 = arith.constant 0 : i32
      %cond3A_149 = arith.cmpi ne, %convert_element_type3A_147, %cond3A_148 : i32
      scf.if %cond3A_149 {
        %get3A = arith.constant 21 : i32
        %get3A_188 = arith.index_cast %get3A : i32 to index
        %get3A_189 = arith.constant 0 : index
        %get3A_190 = tpu.vector_load %arg16[%get3A_188, %get3A_189] {strides = array<i32>} : memref<24x96xi32, #tpu.memory_space<vmem>>, vector<16xi32>,
        tpu.vector_store_idx %arg21[%get3A_190], %broadcast_in_dim3A_12 {add = true} : memref<20016xf32, #tpu.memory_space<vmem>>[vector<16xi32>], vector<16xf32>,
        %get3A_191 = arith.constant 21 : i32
        %get3A_192 = arith.index_cast %get3A_191 : i32 to index
        %get3A_193 = arith.constant 16 : index
        %get3A_194 = tpu.vector_load %arg16[%get3A_192, %get3A_193] {strides = array<i32>} : memref<24x96xi32, #tpu.memory_space<vmem>>, vector<16xi32>,
        tpu.vector_store_idx %arg21[%get3A_194], %broadcast_in_dim3A_12 {add = true} : memref<20016xf32, #tpu.memory_space<vmem>>[vector<16xi32>], vector<16xf32>,
        %get3A_195 = arith.constant 21 : i32
        %get3A_196 = arith.index_cast %get3A_195 : i32 to index
        %get3A_197 = arith.constant 32 : index
        %get3A_198 = tpu.vector_load %arg16[%get3A_196, %get3A_197] {strides = array<i32>} : memref<24x96xi32, #tpu.memory_space<vmem>>, vector<16xi32>,
        tpu.vector_store_idx %arg21[%get3A_198], %broadcast_in_dim3A_12 {add = true} : memref<20016xf32, #tpu.memory_space<vmem>>[vector<16xi32>], vector<16xf32>,
        %get3A_199 = arith.constant 21 : i32
        %get3A_200 = arith.index_cast %get3A_199 : i32 to index
        %get3A_201 = arith.constant 48 : index
        %get3A_202 = tpu.vector_load %arg16[%get3A_200, %get3A_201] {strides = array<i32>} : memref<24x96xi32, #tpu.memory_space<vmem>>, vector<16xi32>,
        tpu.vector_store_idx %arg21[%get3A_202], %broadcast_in_dim3A_12 {add = true} : memref<20016xf32, #tpu.memory_space<vmem>>[vector<16xi32>], vector<16xf32>,
        %get3A_203 = arith.constant 21 : i32
        %get3A_204 = arith.index_cast %get3A_203 : i32 to index
        %get3A_205 = arith.constant 64 : index
        %get3A_206 = tpu.vector_load %arg16[%get3A_204, %get3A_205] {strides = array<i32>} : memref<24x96xi32, #tpu.memory_space<vmem>>, vector<16xi32>,
        tpu.vector_store_idx %arg21[%get3A_206], %broadcast_in_dim3A_12 {add = true} : memref<20016xf32, #tpu.memory_space<vmem>>[vector<16xi32>], vector<16xf32>,
        %get3A_207 = arith.constant 21 : i32
        %get3A_208 = arith.index_cast %get3A_207 : i32 to index
        %get3A_209 = arith.constant 80 : index
        %get3A_210 = tpu.vector_load %arg16[%get3A_208, %get3A_209] {strides = array<i32>} : memref<24x96xi32, #tpu.memory_space<vmem>>, vector<16xi32>,
        tpu.vector_store_idx %arg21[%get3A_210], %broadcast_in_dim3A_12 {add = true} : memref<20016xf32, #tpu.memory_space<vmem>>[vector<16xi32>], vector<16xf32>,
      } else {
      }
      %dma_wait3A_150 = arith.constant 0 : i32
      %dma_wait3A_151 = arith.constant 0 : i32
      %dma_wait3A_152 = tpu.memref_slice %arg15[%dma_wait3A_150, %dma_wait3A_151] : memref<24x96xi32, #tpu.memory_space<vmem>> -> memref<1x96xi32, #tpu.memory_space<vmem>>
      %dma_wait3A_153 = tpu.memref_squeeze %dma_wait3A_152 : memref<1x96xi32, #tpu.memory_space<vmem>> -> memref<96xi32, #tpu.memory_space<vmem>>
      %dma_wait3A_154 = arith.constant 0 : i32
      %dma_wait3A_155 = arith.constant 0 : i32
      %dma_wait3A_156 = tpu.memref_slice %arg2[%dma_wait3A_154, %dma_wait3A_155] : memref<100000x64xf32, #tpu.memory_space<hbm>> -> memref<100000x64xf32, #tpu.memory_space<hbm>>
      tpu.wait_indirect_dma semaphore(%arg25 : memref<!tpu.dma_semaphore, #tpu.memory_space<semaphore_mem>>) src(%dma_wait3A_156 : memref<100000x64xf32, #tpu.memory_space<hbm>>) dst(%arg19 : memref<96x64xf32, #tpu.memory_space<vmem>>)
      %dma_start3A_157 = arith.constant 22 : i32
      %dma_start3A_158 = arith.constant 0 : i32
      %dma_start3A_159 = tpu.memref_slice %arg16[%dma_start3A_157, %dma_start3A_158] : memref<24x96xi32, #tpu.memory_space<vmem>> -> memref<1x96xi32, #tpu.memory_space<vmem>>
      %dma_start3A_160 = tpu.memref_squeeze %dma_start3A_159 : memref<1x96xi32, #tpu.memory_space<vmem>> -> memref<96xi32, #tpu.memory_space<vmem>>
      %dma_start3A_161 = arith.constant 0 : i32
      %dma_start3A_162 = arith.constant 0 : i32
      %dma_start3A_163 = tpu.memref_slice %arg22[%dma_start3A_161, %dma_start3A_162] : memref<20008x64xf32, #tpu.memory_space<vmem_shared>> -> memref<20008x64xf32, #tpu.memory_space<vmem_shared>>
      tpu.enqueue_indirect_dma source(%arg19 : memref<96x64xf32, #tpu.memory_space<vmem>>) target(%dma_start3A_163 : memref<20008x64xf32, #tpu.memory_space<vmem_shared>>) offsets(%dma_start3A_160 : memref<96xi32, #tpu.memory_space<vmem>>) semaphore(%arg29 : memref<!tpu.dma_semaphore, #tpu.memory_space<semaphore_mem>>) {add = true}
      %eq3A_164 = arith.constant 0 : i32
      %eq3A_165 = arith.cmpi eq, %arg0, %eq3A_164 : i32
      %convert_element_type3A_166 = arith.extui %eq3A_165 : i1 to i32
      %cond3A_167 = arith.constant 0 : i32
      %cond3A_168 = arith.cmpi ne, %convert_element_type3A_166, %cond3A_167 : i32
      scf.if %cond3A_168 {
        %get3A = arith.constant 22 : i32
        %get3A_188 = arith.index_cast %get3A : i32 to index
        %get3A_189 = arith.constant 0 : index
        %get3A_190 = tpu.vector_load %arg16[%get3A_188, %get3A_189] {strides = array<i32>} : memref<24x96xi32, #tpu.memory_space<vmem>>, vector<16xi32>,
        tpu.vector_store_idx %arg21[%get3A_190], %broadcast_in_dim3A_12 {add = true} : memref<20016xf32, #tpu.memory_space<vmem>>[vector<16xi32>], vector<16xf32>,
        %get3A_191 = arith.constant 22 : i32
        %get3A_192 = arith.index_cast %get3A_191 : i32 to index
        %get3A_193 = arith.constant 16 : index
        %get3A_194 = tpu.vector_load %arg16[%get3A_192, %get3A_193] {strides = array<i32>} : memref<24x96xi32, #tpu.memory_space<vmem>>, vector<16xi32>,
        tpu.vector_store_idx %arg21[%get3A_194], %broadcast_in_dim3A_12 {add = true} : memref<20016xf32, #tpu.memory_space<vmem>>[vector<16xi32>], vector<16xf32>,
        %get3A_195 = arith.constant 22 : i32
        %get3A_196 = arith.index_cast %get3A_195 : i32 to index
        %get3A_197 = arith.constant 32 : index
        %get3A_198 = tpu.vector_load %arg16[%get3A_196, %get3A_197] {strides = array<i32>} : memref<24x96xi32, #tpu.memory_space<vmem>>, vector<16xi32>,
        tpu.vector_store_idx %arg21[%get3A_198], %broadcast_in_dim3A_12 {add = true} : memref<20016xf32, #tpu.memory_space<vmem>>[vector<16xi32>], vector<16xf32>,
        %get3A_199 = arith.constant 22 : i32
        %get3A_200 = arith.index_cast %get3A_199 : i32 to index
        %get3A_201 = arith.constant 48 : index
        %get3A_202 = tpu.vector_load %arg16[%get3A_200, %get3A_201] {strides = array<i32>} : memref<24x96xi32, #tpu.memory_space<vmem>>, vector<16xi32>,
        tpu.vector_store_idx %arg21[%get3A_202], %broadcast_in_dim3A_12 {add = true} : memref<20016xf32, #tpu.memory_space<vmem>>[vector<16xi32>], vector<16xf32>,
        %get3A_203 = arith.constant 22 : i32
        %get3A_204 = arith.index_cast %get3A_203 : i32 to index
        %get3A_205 = arith.constant 64 : index
        %get3A_206 = tpu.vector_load %arg16[%get3A_204, %get3A_205] {strides = array<i32>} : memref<24x96xi32, #tpu.memory_space<vmem>>, vector<16xi32>,
        tpu.vector_store_idx %arg21[%get3A_206], %broadcast_in_dim3A_12 {add = true} : memref<20016xf32, #tpu.memory_space<vmem>>[vector<16xi32>], vector<16xf32>,
        %get3A_207 = arith.constant 22 : i32
        %get3A_208 = arith.index_cast %get3A_207 : i32 to index
        %get3A_209 = arith.constant 80 : index
        %get3A_210 = tpu.vector_load %arg16[%get3A_208, %get3A_209] {strides = array<i32>} : memref<24x96xi32, #tpu.memory_space<vmem>>, vector<16xi32>,
        tpu.vector_store_idx %arg21[%get3A_210], %broadcast_in_dim3A_12 {add = true} : memref<20016xf32, #tpu.memory_space<vmem>>[vector<16xi32>], vector<16xf32>,
      } else {
      }
      %dma_wait3A_169 = arith.constant 0 : i32
      %dma_wait3A_170 = arith.constant 0 : i32
      %dma_wait3A_171 = tpu.memref_slice %arg15[%dma_wait3A_169, %dma_wait3A_170] : memref<24x96xi32, #tpu.memory_space<vmem>> -> memref<1x96xi32, #tpu.memory_space<vmem>>
      %dma_wait3A_172 = tpu.memref_squeeze %dma_wait3A_171 : memref<1x96xi32, #tpu.memory_space<vmem>> -> memref<96xi32, #tpu.memory_space<vmem>>
      %dma_wait3A_173 = arith.constant 0 : i32
      %dma_wait3A_174 = arith.constant 0 : i32
      %dma_wait3A_175 = tpu.memref_slice %arg2[%dma_wait3A_173, %dma_wait3A_174] : memref<100000x64xf32, #tpu.memory_space<hbm>> -> memref<100000x64xf32, #tpu.memory_space<hbm>>
      tpu.wait_indirect_dma semaphore(%arg26 : memref<!tpu.dma_semaphore, #tpu.memory_space<semaphore_mem>>) src(%dma_wait3A_175 : memref<100000x64xf32, #tpu.memory_space<hbm>>) dst(%arg20 : memref<96x64xf32, #tpu.memory_space<vmem>>)
      %dma_start3A_176 = arith.constant 23 : i32
      %dma_start3A_177 = arith.constant 0 : i32
      %dma_start3A_178 = tpu.memref_slice %arg16[%dma_start3A_176, %dma_start3A_177] : memref<24x96xi32, #tpu.memory_space<vmem>> -> memref<1x96xi32, #tpu.memory_space<vmem>>
      %dma_start3A_179 = tpu.memref_squeeze %dma_start3A_178 : memref<1x96xi32, #tpu.memory_space<vmem>> -> memref<96xi32, #tpu.memory_space<vmem>>
      %dma_start3A_180 = arith.constant 0 : i32
      %dma_start3A_181 = arith.constant 0 : i32
      %dma_start3A_182 = tpu.memref_slice %arg22[%dma_start3A_180, %dma_start3A_181] : memref<20008x64xf32, #tpu.memory_space<vmem_shared>> -> memref<20008x64xf32, #tpu.memory_space<vmem_shared>>
      tpu.enqueue_indirect_dma source(%arg20 : memref<96x64xf32, #tpu.memory_space<vmem>>) target(%dma_start3A_182 : memref<20008x64xf32, #tpu.memory_space<vmem_shared>>) offsets(%dma_start3A_179 : memref<96xi32, #tpu.memory_space<vmem>>) semaphore(%arg30 : memref<!tpu.dma_semaphore, #tpu.memory_space<semaphore_mem>>) {add = true}
      %eq3A_183 = arith.constant 0 : i32
      %eq3A_184 = arith.cmpi eq, %arg0, %eq3A_183 : i32
      %convert_element_type3A_185 = arith.extui %eq3A_184 : i1 to i32
      %cond3A_186 = arith.constant 0 : i32
      %cond3A_187 = arith.cmpi ne, %convert_element_type3A_185, %cond3A_186 : i32
      scf.if %cond3A_187 {
        %get3A = arith.constant 23 : i32
        %get3A_188 = arith.index_cast %get3A : i32 to index
        %get3A_189 = arith.constant 0 : index
        %get3A_190 = tpu.vector_load %arg16[%get3A_188, %get3A_189] {strides = array<i32>} : memref<24x96xi32, #tpu.memory_space<vmem>>, vector<16xi32>,
        tpu.vector_store_idx %arg21[%get3A_190], %broadcast_in_dim3A_12 {add = true} : memref<20016xf32, #tpu.memory_space<vmem>>[vector<16xi32>], vector<16xf32>,
        %get3A_191 = arith.constant 23 : i32
        %get3A_192 = arith.index_cast %get3A_191 : i32 to index
        %get3A_193 = arith.constant 16 : index
        %get3A_194 = tpu.vector_load %arg16[%get3A_192, %get3A_193] {strides = array<i32>} : memref<24x96xi32, #tpu.memory_space<vmem>>, vector<16xi32>,
        tpu.vector_store_idx %arg21[%get3A_194], %broadcast_in_dim3A_12 {add = true} : memref<20016xf32, #tpu.memory_space<vmem>>[vector<16xi32>], vector<16xf32>,
        %get3A_195 = arith.constant 23 : i32
        %get3A_196 = arith.index_cast %get3A_195 : i32 to index
        %get3A_197 = arith.constant 32 : index
        %get3A_198 = tpu.vector_load %arg16[%get3A_196, %get3A_197] {strides = array<i32>} : memref<24x96xi32, #tpu.memory_space<vmem>>, vector<16xi32>,
        tpu.vector_store_idx %arg21[%get3A_198], %broadcast_in_dim3A_12 {add = true} : memref<20016xf32, #tpu.memory_space<vmem>>[vector<16xi32>], vector<16xf32>,
        %get3A_199 = arith.constant 23 : i32
        %get3A_200 = arith.index_cast %get3A_199 : i32 to index
        %get3A_201 = arith.constant 48 : index
        %get3A_202 = tpu.vector_load %arg16[%get3A_200, %get3A_201] {strides = array<i32>} : memref<24x96xi32, #tpu.memory_space<vmem>>, vector<16xi32>,
        tpu.vector_store_idx %arg21[%get3A_202], %broadcast_in_dim3A_12 {add = true} : memref<20016xf32, #tpu.memory_space<vmem>>[vector<16xi32>], vector<16xf32>,
        %get3A_203 = arith.constant 23 : i32
        %get3A_204 = arith.index_cast %get3A_203 : i32 to index
        %get3A_205 = arith.constant 64 : index
        %get3A_206 = tpu.vector_load %arg16[%get3A_204, %get3A_205] {strides = array<i32>} : memref<24x96xi32, #tpu.memory_space<vmem>>, vector<16xi32>,
        tpu.vector_store_idx %arg21[%get3A_206], %broadcast_in_dim3A_12 {add = true} : memref<20016xf32, #tpu.memory_space<vmem>>[vector<16xi32>], vector<16xf32>,
        %get3A_207 = arith.constant 23 : i32
        %get3A_208 = arith.index_cast %get3A_207 : i32 to index
        %get3A_209 = arith.constant 80 : index
        %get3A_210 = tpu.vector_load %arg16[%get3A_208, %get3A_209] {strides = array<i32>} : memref<24x96xi32, #tpu.memory_space<vmem>>, vector<16xi32>,
        tpu.vector_store_idx %arg21[%get3A_210], %broadcast_in_dim3A_12 {add = true} : memref<20016xf32, #tpu.memory_space<vmem>>[vector<16xi32>], vector<16xf32>,
      } else {
      }
    }
    %scan3A_17 = arith.constant 9 : i32
    %dma_wait3A = arith.constant 0 : i32
    %dma_wait3A_18 = arith.constant 0 : i32
    %dma_wait3A_19 = tpu.memref_slice %arg22[%dma_wait3A, %dma_wait3A_18] : memref<20008x64xf32, #tpu.memory_space<vmem_shared>> -> memref<96x64xf32, #tpu.memory_space<vmem_shared>>
    %dma_wait3A_20 = arith.constant 0 : i32
    %dma_wait3A_21 = arith.constant 0 : i32
    %dma_wait3A_22 = tpu.memref_slice %arg22[%dma_wait3A_20, %dma_wait3A_21] : memref<20008x64xf32, #tpu.memory_space<vmem_shared>> -> memref<96x64xf32, #tpu.memory_space<vmem_shared>>
    tpu.wait_dma2 semaphore(%arg27 : memref<!tpu.dma_semaphore, #tpu.memory_space<semaphore_mem>>) src(%arg17 : memref<96x64xf32, #tpu.memory_space<vmem>>) dst(%dma_wait3A_22 : memref<96x64xf32, #tpu.memory_space<vmem_shared>>)
    %dma_wait3A_23 = arith.constant 0 : i32
    %dma_wait3A_24 = arith.constant 0 : i32
    %dma_wait3A_25 = tpu.memref_slice %arg22[%dma_wait3A_23, %dma_wait3A_24] : memref<20008x64xf32, #tpu.memory_space<vmem_shared>> -> memref<96x64xf32, #tpu.memory_space<vmem_shared>>
    %dma_wait3A_26 = arith.constant 0 : i32
    %dma_wait3A_27 = arith.constant 0 : i32
    %dma_wait3A_28 = tpu.memref_slice %arg22[%dma_wait3A_26, %dma_wait3A_27] : memref<20008x64xf32, #tpu.memory_space<vmem_shared>> -> memref<96x64xf32, #tpu.memory_space<vmem_shared>>
    tpu.wait_dma2 semaphore(%arg28 : memref<!tpu.dma_semaphore, #tpu.memory_space<semaphore_mem>>) src(%arg18 : memref<96x64xf32, #tpu.memory_space<vmem>>) dst(%dma_wait3A_28 : memref<96x64xf32, #tpu.memory_space<vmem_shared>>)
    %dma_wait3A_29 = arith.constant 0 : i32
    %dma_wait3A_30 = arith.constant 0 : i32
    %dma_wait3A_31 = tpu.memref_slice %arg22[%dma_wait3A_29, %dma_wait3A_30] : memref<20008x64xf32, #tpu.memory_space<vmem_shared>> -> memref<96x64xf32, #tpu.memory_space<vmem_shared>>
    %dma_wait3A_32 = arith.constant 0 : i32
    %dma_wait3A_33 = arith.constant 0 : i32
    %dma_wait3A_34 = tpu.memref_slice %arg22[%dma_wait3A_32, %dma_wait3A_33] : memref<20008x64xf32, #tpu.memory_space<vmem_shared>> -> memref<96x64xf32, #tpu.memory_space<vmem_shared>>
    tpu.wait_dma2 semaphore(%arg29 : memref<!tpu.dma_semaphore, #tpu.memory_space<semaphore_mem>>) src(%arg19 : memref<96x64xf32, #tpu.memory_space<vmem>>) dst(%dma_wait3A_34 : memref<96x64xf32, #tpu.memory_space<vmem_shared>>)
    %dma_wait3A_35 = arith.constant 0 : i32
    %dma_wait3A_36 = arith.constant 0 : i32
    %dma_wait3A_37 = tpu.memref_slice %arg22[%dma_wait3A_35, %dma_wait3A_36] : memref<20008x64xf32, #tpu.memory_space<vmem_shared>> -> memref<96x64xf32, #tpu.memory_space<vmem_shared>>
    %dma_wait3A_38 = arith.constant 0 : i32
    %dma_wait3A_39 = arith.constant 0 : i32
    %dma_wait3A_40 = tpu.memref_slice %arg22[%dma_wait3A_38, %dma_wait3A_39] : memref<20008x64xf32, #tpu.memory_space<vmem_shared>> -> memref<96x64xf32, #tpu.memory_space<vmem_shared>>
    tpu.wait_dma2 semaphore(%arg30 : memref<!tpu.dma_semaphore, #tpu.memory_space<semaphore_mem>>) src(%arg20 : memref<96x64xf32, #tpu.memory_space<vmem>>) dst(%dma_wait3A_40 : memref<96x64xf32, #tpu.memory_space<vmem_shared>>)
    %eq3A_41 = arith.constant 0 : i32
    %eq3A_42 = arith.cmpi eq, %arg0, %eq3A_41 : i32
    %convert_element_type3A_43 = arith.extui %eq3A_42 : i1 to i32
    %cond3A_44 = arith.constant 0 : i32
    %cond3A_45 = arith.cmpi ne, %convert_element_type3A_43, %cond3A_44 : i32
    scf.if %cond3A_45 {
      %scan3A_121 = arith.constant 0 : i32
      %scan3A_122 = arith.constant 0 : i32
      %scan3A_123 = arith.constant 10 : i32
      %scan3A_124 = arith.addi %scan3A_122, %scan3A_123 : i32
      %scan3A_125 = arith.constant 1 : i32
      scf.for %scan3A_127 = %scan3A_122 to %scan3A_124 step %scan3A_125  : i32 {
        %mul3A_128 = arith.constant 2000 : i32
        %mul3A_129 = arith.muli %scan3A_127, %mul3A_128 : i32
        "tpu.region"() ({
          %run_scoped3A = tpu.sem_alloc : memref<!tpu.dma_semaphore, #tpu.memory_space<semaphore_mem>>
          %dma_start3A = tpu.memref_slice %arg21[%mul3A_129] : memref<20016xf32, #tpu.memory_space<vmem>> -> memref<2000xf32, #tpu.memory_space<vmem>>
          %dma_start3A_130 = tpu.memref_slice %arg13[%arg1, %mul3A_129] : memref<16x20480xf32, #tpu.memory_space<hbm>> -> memref<1x2000xf32, #tpu.memory_space<hbm>>
          %dma_start3A_131 = tpu.memref_squeeze %dma_start3A_130 : memref<1x2000xf32, #tpu.memory_space<hbm>> -> memref<2000xf32, #tpu.memory_space<hbm>>
          %dma_start3A_132 = tpu.memref_slice %arg13[%arg1, %mul3A_129] : memref<16x20480xf32, #tpu.memory_space<hbm>> -> memref<1x2000xf32, #tpu.memory_space<hbm>>
          %dma_start3A_133 = tpu.memref_squeeze %dma_start3A_132 : memref<1x2000xf32, #tpu.memory_space<hbm>> -> memref<2000xf32, #tpu.memory_space<hbm>>
          %dma_start3A_134 = tpu.memref_slice %arg21[%mul3A_129] : memref<20016xf32, #tpu.memory_space<vmem>> -> memref<2000xf32, #tpu.memory_space<vmem>>
          tpu.enqueue_dma source(%dma_start3A_134 : memref<2000xf32, #tpu.memory_space<vmem>>) target(%dma_start3A_133 : memref<2000xf32, #tpu.memory_space<hbm>>) target_semaphore(%run_scoped3A : memref<!tpu.dma_semaphore, #tpu.memory_space<semaphore_mem>>)
          %dma_wait3A_135 = tpu.memref_slice %arg21[%mul3A_129] : memref<20016xf32, #tpu.memory_space<vmem>> -> memref<2000xf32, #tpu.memory_space<vmem>>
          %dma_wait3A_136 = tpu.memref_slice %arg13[%arg1, %mul3A_129] : memref<16x20480xf32, #tpu.memory_space<hbm>> -> memref<1x2000xf32, #tpu.memory_space<hbm>>
          %dma_wait3A_137 = tpu.memref_squeeze %dma_wait3A_136 : memref<1x2000xf32, #tpu.memory_space<hbm>> -> memref<2000xf32, #tpu.memory_space<hbm>>
          %dma_wait3A_138 = tpu.memref_slice %arg13[%arg1, %mul3A_129] : memref<16x20480xf32, #tpu.memory_space<hbm>> -> memref<1x2000xf32, #tpu.memory_space<hbm>>
          %dma_wait3A_139 = tpu.memref_squeeze %dma_wait3A_138 : memref<1x2000xf32, #tpu.memory_space<hbm>> -> memref<2000xf32, #tpu.memory_space<hbm>>
          %dma_wait3A_140 = tpu.memref_slice %arg21[%mul3A_129] : memref<20016xf32, #tpu.memory_space<vmem>> -> memref<2000xf32, #tpu.memory_space<vmem>>
          tpu.wait_dma2 semaphore(%run_scoped3A : memref<!tpu.dma_semaphore, #tpu.memory_space<semaphore_mem>>) src(%dma_wait3A_140 : memref<2000xf32, #tpu.memory_space<vmem>>) dst(%dma_wait3A_139 : memref<2000xf32, #tpu.memory_space<hbm>>)
          tpu.yield
        }) : () -> ()
      }
      %scan3A_126 = arith.constant 10 : i32
    } else {
    }
    %barrier3A_46 = arith.constant 0 : index
    tpu.barrier barrier_id(%barrier3A_46)
    %lt3A_47 = arith.constant 15 : i32
    %lt3A_48 = arith.cmpi slt, %arg1, %lt3A_47 : i32
    %convert_element_type3A_49 = arith.extui %lt3A_48 : i1 to i32
    %cond3A_50 = arith.constant 0 : i32
    %cond3A_51 = arith.cmpi ne, %convert_element_type3A_49, %cond3A_50 : i32
    scf.if %cond3A_51 {
      %eq3A_121 = arith.constant 0 : i32
      %eq3A_122 = arith.cmpi eq, %arg0, %eq3A_121 : i32
      %convert_element_type3A_123 = arith.extui %eq3A_122 : i1 to i32
      %cond3A_124 = arith.constant 0 : i32
      %cond3A_125 = arith.cmpi ne, %convert_element_type3A_123, %cond3A_124 : i32
      scf.if %cond3A_125 {
        "tpu.region"() ({
          %run_scoped3A = tpu.sem_alloc : memref<!tpu.dma_semaphore, #tpu.memory_space<semaphore_mem>>
          %dma_start3A = arith.constant 0 : i32
          %dma_start3A_131 = tpu.memref_slice %arg9[%mul3A_0, %dma_start3A] : memref<20480x64xf32, #tpu.memory_space<hbm>> -> memref<1256x64xf32, #tpu.memory_space<hbm>>
          %dma_start3A_132 = arith.constant 0 : i32
          %dma_start3A_133 = tpu.memref_slice %arg22[%mul3A_0, %dma_start3A_132] : memref<20008x64xf32, #tpu.memory_space<vmem_shared>> -> memref<1256x64xf32, #tpu.memory_space<vmem_shared>>
          tpu.enqueue_dma source(%dma_start3A_133 : memref<1256x64xf32, #tpu.memory_space<vmem_shared>>) target(%dma_start3A_131 : memref<1256x64xf32, #tpu.memory_space<hbm>>) target_semaphore(%run_scoped3A : memref<!tpu.dma_semaphore, #tpu.memory_space<semaphore_mem>>)
          %dma_wait3A_134 = arith.constant 0 : i32
          %dma_wait3A_135 = tpu.memref_slice %arg9[%mul3A_0, %dma_wait3A_134] : memref<20480x64xf32, #tpu.memory_space<hbm>> -> memref<1256x64xf32, #tpu.memory_space<hbm>>
          %dma_wait3A_136 = arith.constant 0 : i32
          %dma_wait3A_137 = tpu.memref_slice %arg22[%mul3A_0, %dma_wait3A_136] : memref<20008x64xf32, #tpu.memory_space<vmem_shared>> -> memref<1256x64xf32, #tpu.memory_space<vmem_shared>>
          tpu.wait_dma2 semaphore(%run_scoped3A : memref<!tpu.dma_semaphore, #tpu.memory_space<semaphore_mem>>) src(%dma_wait3A_137 : memref<1256x64xf32, #tpu.memory_space<vmem_shared>>) dst(%dma_wait3A_135 : memref<1256x64xf32, #tpu.memory_space<hbm>>)
          tpu.yield
        }) : () -> ()
      } else {
      }
      %eq3A_126 = arith.constant 1 : i32
      %eq3A_127 = arith.cmpi eq, %arg0, %eq3A_126 : i32
      %convert_element_type3A_128 = arith.extui %eq3A_127 : i1 to i32
      %cond3A_129 = arith.constant 0 : i32
      %cond3A_130 = arith.cmpi ne, %convert_element_type3A_128, %cond3A_129 : i32
      scf.if %cond3A_130 {
        "tpu.region"() ({
          %run_scoped3A = tpu.sem_alloc : memref<!tpu.dma_semaphore, #tpu.memory_space<semaphore_mem>>
          %dma_start3A = arith.constant 0 : i32
          %dma_start3A_131 = tpu.memref_slice %arg10[%mul3A_0, %dma_start3A] : memref<20480x64xf32, #tpu.memory_space<hbm>> -> memref<1256x64xf32, #tpu.memory_space<hbm>>
          %dma_start3A_132 = arith.constant 0 : i32
          %dma_start3A_133 = tpu.memref_slice %arg22[%mul3A_0, %dma_start3A_132] : memref<20008x64xf32, #tpu.memory_space<vmem_shared>> -> memref<1256x64xf32, #tpu.memory_space<vmem_shared>>
          tpu.enqueue_dma source(%dma_start3A_133 : memref<1256x64xf32, #tpu.memory_space<vmem_shared>>) target(%dma_start3A_131 : memref<1256x64xf32, #tpu.memory_space<hbm>>) target_semaphore(%run_scoped3A : memref<!tpu.dma_semaphore, #tpu.memory_space<semaphore_mem>>)
          %dma_wait3A_134 = arith.constant 0 : i32
          %dma_wait3A_135 = tpu.memref_slice %arg10[%mul3A_0, %dma_wait3A_134] : memref<20480x64xf32, #tpu.memory_space<hbm>> -> memref<1256x64xf32, #tpu.memory_space<hbm>>
          %dma_wait3A_136 = arith.constant 0 : i32
          %dma_wait3A_137 = tpu.memref_slice %arg22[%mul3A_0, %dma_wait3A_136] : memref<20008x64xf32, #tpu.memory_space<vmem_shared>> -> memref<1256x64xf32, #tpu.memory_space<vmem_shared>>
          tpu.wait_dma2 semaphore(%run_scoped3A : memref<!tpu.dma_semaphore, #tpu.memory_space<semaphore_mem>>) src(%dma_wait3A_137 : memref<1256x64xf32, #tpu.memory_space<vmem_shared>>) dst(%dma_wait3A_135 : memref<1256x64xf32, #tpu.memory_space<hbm>>)
          tpu.yield
        }) : () -> ()
      } else {
      }
    } else {
    }
    %eq3A_52 = arith.constant 15 : i32
    %eq3A_53 = arith.cmpi eq, %arg1, %eq3A_52 : i32
    %convert_element_type3A_54 = arith.extui %eq3A_53 : i1 to i32
    %cond3A_55 = arith.constant 0 : i32
    %cond3A_56 = arith.cmpi ne, %convert_element_type3A_54, %cond3A_55 : i32
    scf.if %cond3A_56 {
      %eq3A_121 = arith.constant 0 : i32
      %eq3A_122 = arith.cmpi eq, %arg0, %eq3A_121 : i32
      %convert_element_type3A_123 = arith.extui %eq3A_122 : i1 to i32
      %cond3A_124 = arith.constant 0 : i32
      %cond3A_125 = arith.cmpi ne, %convert_element_type3A_123, %cond3A_124 : i32
      scf.if %cond3A_125 {
        "tpu.region"() ({
          %run_scoped3A = tpu.sem_alloc : memref<!tpu.dma_semaphore, #tpu.memory_space<semaphore_mem>>
          %dma_start3A = arith.constant 0 : i32
          %dma_start3A_131 = tpu.memref_slice %arg9[%mul3A_0, %dma_start3A] : memref<20480x64xf32, #tpu.memory_space<hbm>> -> memref<1160x64xf32, #tpu.memory_space<hbm>>
          %dma_start3A_132 = arith.constant 0 : i32
          %dma_start3A_133 = tpu.memref_slice %arg22[%mul3A_0, %dma_start3A_132] : memref<20008x64xf32, #tpu.memory_space<vmem_shared>> -> memref<1160x64xf32, #tpu.memory_space<vmem_shared>>
          tpu.enqueue_dma source(%dma_start3A_133 : memref<1160x64xf32, #tpu.memory_space<vmem_shared>>) target(%dma_start3A_131 : memref<1160x64xf32, #tpu.memory_space<hbm>>) target_semaphore(%run_scoped3A : memref<!tpu.dma_semaphore, #tpu.memory_space<semaphore_mem>>)
          %dma_wait3A_134 = arith.constant 0 : i32
          %dma_wait3A_135 = tpu.memref_slice %arg9[%mul3A_0, %dma_wait3A_134] : memref<20480x64xf32, #tpu.memory_space<hbm>> -> memref<1160x64xf32, #tpu.memory_space<hbm>>
          %dma_wait3A_136 = arith.constant 0 : i32
          %dma_wait3A_137 = tpu.memref_slice %arg22[%mul3A_0, %dma_wait3A_136] : memref<20008x64xf32, #tpu.memory_space<vmem_shared>> -> memref<1160x64xf32, #tpu.memory_space<vmem_shared>>
          tpu.wait_dma2 semaphore(%run_scoped3A : memref<!tpu.dma_semaphore, #tpu.memory_space<semaphore_mem>>) src(%dma_wait3A_137 : memref<1160x64xf32, #tpu.memory_space<vmem_shared>>) dst(%dma_wait3A_135 : memref<1160x64xf32, #tpu.memory_space<hbm>>)
          tpu.yield
        }) : () -> ()
      } else {
      }
      %eq3A_126 = arith.constant 1 : i32
      %eq3A_127 = arith.cmpi eq, %arg0, %eq3A_126 : i32
      %convert_element_type3A_128 = arith.extui %eq3A_127 : i1 to i32
      %cond3A_129 = arith.constant 0 : i32
      %cond3A_130 = arith.cmpi ne, %convert_element_type3A_128, %cond3A_129 : i32
      scf.if %cond3A_130 {
        "tpu.region"() ({
          %run_scoped3A = tpu.sem_alloc : memref<!tpu.dma_semaphore, #tpu.memory_space<semaphore_mem>>
          %dma_start3A = arith.constant 0 : i32
          %dma_start3A_131 = tpu.memref_slice %arg10[%mul3A_0, %dma_start3A] : memref<20480x64xf32, #tpu.memory_space<hbm>> -> memref<1160x64xf32, #tpu.memory_space<hbm>>
          %dma_start3A_132 = arith.constant 0 : i32
          %dma_start3A_133 = tpu.memref_slice %arg22[%mul3A_0, %dma_start3A_132] : memref<20008x64xf32, #tpu.memory_space<vmem_shared>> -> memref<1160x64xf32, #tpu.memory_space<vmem_shared>>
          tpu.enqueue_dma source(%dma_start3A_133 : memref<1160x64xf32, #tpu.memory_space<vmem_shared>>) target(%dma_start3A_131 : memref<1160x64xf32, #tpu.memory_space<hbm>>) target_semaphore(%run_scoped3A : memref<!tpu.dma_semaphore, #tpu.memory_space<semaphore_mem>>)
          %dma_wait3A_134 = arith.constant 0 : i32
          %dma_wait3A_135 = tpu.memref_slice %arg10[%mul3A_0, %dma_wait3A_134] : memref<20480x64xf32, #tpu.memory_space<hbm>> -> memref<1160x64xf32, #tpu.memory_space<hbm>>
          %dma_wait3A_136 = arith.constant 0 : i32
          %dma_wait3A_137 = tpu.memref_slice %arg22[%mul3A_0, %dma_wait3A_136] : memref<20008x64xf32, #tpu.memory_space<vmem_shared>> -> memref<1160x64xf32, #tpu.memory_space<vmem_shared>>
          tpu.wait_dma2 semaphore(%run_scoped3A : memref<!tpu.dma_semaphore, #tpu.memory_space<semaphore_mem>>) src(%dma_wait3A_137 : memref<1160x64xf32, #tpu.memory_space<vmem_shared>>) dst(%dma_wait3A_135 : memref<1160x64xf32, #tpu.memory_space<hbm>>)
          tpu.yield
        }) : () -> ()
      } else {
      }
    } else {
    }
    %lt3A_57 = arith.constant 15 : i32
    %lt3A_58 = arith.cmpi slt, %arg1, %lt3A_57 : i32
    %convert_element_type3A_59 = arith.extui %lt3A_58 : i1 to i32
    %cond3A_60 = arith.constant 0 : i32
    %cond3A_61 = arith.cmpi ne, %convert_element_type3A_59, %cond3A_60 : i32
    scf.if %cond3A_61 {
      "tpu.region"() ({
        %run_scoped3A = tpu.sem_alloc : memref<!tpu.dma_semaphore, #tpu.memory_space<semaphore_mem>>
        %dma_start3A = arith.constant 0 : i32
        %dma_start3A_121 = tpu.memref_slice %arg22[%mul3A_0, %dma_start3A] : memref<20008x64xf32, #tpu.memory_space<vmem_shared>> -> memref<1256x64xf32, #tpu.memory_space<vmem_shared>>
        %dma_start3A_122 = arith.constant 0 : i32
        %dma_start3A_123 = arith.constant 0 : i32
        %dma_start3A_124 = tpu.memref_slice %arg8[%dma_start3A_122, %dma_start3A_123] : memref<1256x64xf32, #tpu.memory_space<hbm>> -> memref<1256x64xf32, #tpu.memory_space<hbm>>
        tpu.enqueue_dma source(%dma_start3A_124 : memref<1256x64xf32, #tpu.memory_space<hbm>>) target(%dma_start3A_121 : memref<1256x64xf32, #tpu.memory_space<vmem_shared>>) target_semaphore(%run_scoped3A : memref<!tpu.dma_semaphore, #tpu.memory_space<semaphore_mem>>)
        %dma_wait3A_125 = arith.constant 0 : i32
        %dma_wait3A_126 = tpu.memref_slice %arg22[%mul3A_0, %dma_wait3A_125] : memref<20008x64xf32, #tpu.memory_space<vmem_shared>> -> memref<1256x64xf32, #tpu.memory_space<vmem_shared>>
        %dma_wait3A_127 = arith.constant 0 : i32
        %dma_wait3A_128 = arith.constant 0 : i32
        %dma_wait3A_129 = tpu.memref_slice %arg8[%dma_wait3A_127, %dma_wait3A_128] : memref<1256x64xf32, #tpu.memory_space<hbm>> -> memref<1256x64xf32, #tpu.memory_space<hbm>>
        tpu.wait_dma2 semaphore(%run_scoped3A : memref<!tpu.dma_semaphore, #tpu.memory_space<semaphore_mem>>) src(%dma_wait3A_129 : memref<1256x64xf32, #tpu.memory_space<hbm>>) dst(%dma_wait3A_126 : memref<1256x64xf32, #tpu.memory_space<vmem_shared>>)
        tpu.yield
      }) : () -> ()
    } else {
    }
    %eq3A_62 = arith.constant 15 : i32
    %eq3A_63 = arith.cmpi eq, %arg1, %eq3A_62 : i32
    %convert_element_type3A_64 = arith.extui %eq3A_63 : i1 to i32
    %cond3A_65 = arith.constant 0 : i32
    %cond3A_66 = arith.cmpi ne, %convert_element_type3A_64, %cond3A_65 : i32
    scf.if %cond3A_66 {
      "tpu.region"() ({
        %run_scoped3A = tpu.sem_alloc : memref<!tpu.dma_semaphore, #tpu.memory_space<semaphore_mem>>
        %dma_start3A = arith.constant 0 : i32
        %dma_start3A_121 = tpu.memref_slice %arg22[%mul3A_0, %dma_start3A] : memref<20008x64xf32, #tpu.memory_space<vmem_shared>> -> memref<1160x64xf32, #tpu.memory_space<vmem_shared>>
        %dma_start3A_122 = arith.constant 0 : i32
        %dma_start3A_123 = arith.constant 0 : i32
        %dma_start3A_124 = tpu.memref_slice %arg8[%dma_start3A_122, %dma_start3A_123] : memref<1256x64xf32, #tpu.memory_space<hbm>> -> memref<1160x64xf32, #tpu.memory_space<hbm>>
        tpu.enqueue_dma source(%dma_start3A_124 : memref<1160x64xf32, #tpu.memory_space<hbm>>) target(%dma_start3A_121 : memref<1160x64xf32, #tpu.memory_space<vmem_shared>>) target_semaphore(%run_scoped3A : memref<!tpu.dma_semaphore, #tpu.memory_space<semaphore_mem>>)
        %dma_wait3A_125 = arith.constant 0 : i32
        %dma_wait3A_126 = tpu.memref_slice %arg22[%mul3A_0, %dma_wait3A_125] : memref<20008x64xf32, #tpu.memory_space<vmem_shared>> -> memref<1160x64xf32, #tpu.memory_space<vmem_shared>>
        %dma_wait3A_127 = arith.constant 0 : i32
        %dma_wait3A_128 = arith.constant 0 : i32
        %dma_wait3A_129 = tpu.memref_slice %arg8[%dma_wait3A_127, %dma_wait3A_128] : memref<1256x64xf32, #tpu.memory_space<hbm>> -> memref<1160x64xf32, #tpu.memory_space<hbm>>
        tpu.wait_dma2 semaphore(%run_scoped3A : memref<!tpu.dma_semaphore, #tpu.memory_space<semaphore_mem>>) src(%dma_wait3A_129 : memref<1160x64xf32, #tpu.memory_space<hbm>>) dst(%dma_wait3A_126 : memref<1160x64xf32, #tpu.memory_space<vmem_shared>>)
        tpu.yield
      }) : () -> ()
    } else {
    }
    %barrier3A_67 = arith.constant 0 : index
    tpu.barrier barrier_id(%barrier3A_67)
    %eq3A_68 = arith.constant 1 : i32
    %eq3A_69 = arith.cmpi eq, %arg0, %eq3A_68 : i32
    %convert_element_type3A_70 = arith.extui %eq3A_69 : i1 to i32
    %cond3A_71 = arith.constant 0 : i32
    %cond3A_72 = arith.cmpi ne, %convert_element_type3A_70, %cond3A_71 : i32
    scf.if %cond3A_72 {
      %scan3A_121 = arith.constant 0 : i32
      %scan3A_122 = arith.constant 0 : i32
      %scan3A_123 = arith.constant 1251 : i32
      %scan3A_124 = arith.addi %scan3A_122, %scan3A_123 : i32
      %scan3A_125 = arith.constant 1 : i32
      scf.for %scan3A_127 = %scan3A_122 to %scan3A_124 step %scan3A_125  : i32 {
        %broadcast_in_dim3A_128 = arith.constant 0.000000e+00 : f32
        %broadcast_in_dim3A_129 = vector.broadcast %broadcast_in_dim3A_128 : f32 to vector<16xf32>
        %mul3A_130 = arith.constant 16 : i32
        %mul3A_131 = arith.muli %scan3A_127, %mul3A_130 : i32
        %swap3A = arith.index_cast %mul3A_131 : i32 to index
        %swap3A_132 = tpu.vector_load %arg21[%swap3A] {strides = array<i32>} : memref<20016xf32, #tpu.memory_space<vmem>>, vector<16xf32>,
        tpu.vector_store %arg21[%swap3A], %broadcast_in_dim3A_129 {strides = array<i32>} : memref<20016xf32, #tpu.memory_space<vmem>>, vector<16xf32>,
      }
      %scan3A_126 = arith.constant 1251 : i32
    } else {
    }
    %broadcast_in_dim3A_73 = arith.constant 1.000000e+00 : f32
    %broadcast_in_dim3A_74 = vector.broadcast %broadcast_in_dim3A_73 : f32 to vector<16xf32>
    %scan3A_75 = arith.constant 0 : i32
    %scan3A_76 = arith.constant 0 : i32
    %scan3A_77 = arith.constant 9 : i32
    %scan3A_78 = arith.addi %scan3A_76, %scan3A_77 : i32
    %scan3A_79 = arith.constant 1 : i32
    scf.for %scan3A_121 = %scan3A_76 to %scan3A_78 step %scan3A_79  : i32 {
      %mul3A_122 = arith.constant 216 : i32
      %mul3A_123 = arith.muli %arg1, %mul3A_122 : i32
      %mul3A_124 = arith.constant 24 : i32
      %mul3A_125 = arith.muli %scan3A_121, %mul3A_124 : i32
      %add3A = arith.addi %mul3A_123, %mul3A_125 : i32
      "tpu.region"() ({
        %run_scoped3A = tpu.sem_alloc : memref<!tpu.dma_semaphore, #tpu.memory_space<semaphore_mem>>
        %dma_start3A_188 = arith.constant 0 : i32
        %dma_start3A_189 = tpu.memref_slice %arg6[%add3A, %dma_start3A_188] : memref<3456x96xi32, #tpu.memory_space<hbm>> -> memref<24x96xi32, #tpu.memory_space<hbm>>
        %dma_start3A_190 = arith.constant 0 : i32
        %dma_start3A_191 = tpu.memref_slice %arg6[%add3A, %dma_start3A_190] : memref<3456x96xi32, #tpu.memory_space<hbm>> -> memref<24x96xi32, #tpu.memory_space<hbm>>
        tpu.enqueue_dma source(%dma_start3A_191 : memref<24x96xi32, #tpu.memory_space<hbm>>) target(%arg15 : memref<24x96xi32, #tpu.memory_space<vmem>>) target_semaphore(%run_scoped3A : memref<!tpu.dma_semaphore, #tpu.memory_space<semaphore_mem>>)
        %dma_wait3A_192 = arith.constant 0 : i32
        %dma_wait3A_193 = tpu.memref_slice %arg6[%add3A, %dma_wait3A_192] : memref<3456x96xi32, #tpu.memory_space<hbm>> -> memref<24x96xi32, #tpu.memory_space<hbm>>
        %dma_wait3A_194 = arith.constant 0 : i32
        %dma_wait3A_195 = tpu.memref_slice %arg6[%add3A, %dma_wait3A_194] : memref<3456x96xi32, #tpu.memory_space<hbm>> -> memref<24x96xi32, #tpu.memory_space<hbm>>
        tpu.wait_dma2 semaphore(%run_scoped3A : memref<!tpu.dma_semaphore, #tpu.memory_space<semaphore_mem>>) src(%dma_wait3A_195 : memref<24x96xi32, #tpu.memory_space<hbm>>) dst(%arg15 : memref<24x96xi32, #tpu.memory_space<vmem>>)
        tpu.yield
      }) : () -> ()
      "tpu.region"() ({
        %run_scoped3A = tpu.sem_alloc : memref<!tpu.dma_semaphore, #tpu.memory_space<semaphore_mem>>
        %dma_start3A_188 = arith.constant 0 : i32
        %dma_start3A_189 = tpu.memref_slice %arg7[%add3A, %dma_start3A_188] : memref<3456x96xi32, #tpu.memory_space<hbm>> -> memref<24x96xi32, #tpu.memory_space<hbm>>
        %dma_start3A_190 = arith.constant 0 : i32
        %dma_start3A_191 = tpu.memref_slice %arg7[%add3A, %dma_start3A_190] : memref<3456x96xi32, #tpu.memory_space<hbm>> -> memref<24x96xi32, #tpu.memory_space<hbm>>
        tpu.enqueue_dma source(%dma_start3A_191 : memref<24x96xi32, #tpu.memory_space<hbm>>) target(%arg16 : memref<24x96xi32, #tpu.memory_space<vmem>>) target_semaphore(%run_scoped3A : memref<!tpu.dma_semaphore, #tpu.memory_space<semaphore_mem>>)
        %dma_wait3A_192 = arith.constant 0 : i32
        %dma_wait3A_193 = tpu.memref_slice %arg7[%add3A, %dma_wait3A_192] : memref<3456x96xi32, #tpu.memory_space<hbm>> -> memref<24x96xi32, #tpu.memory_space<hbm>>
        %dma_wait3A_194 = arith.constant 0 : i32
        %dma_wait3A_195 = tpu.memref_slice %arg7[%add3A, %dma_wait3A_194] : memref<3456x96xi32, #tpu.memory_space<hbm>> -> memref<24x96xi32, #tpu.memory_space<hbm>>
        tpu.wait_dma2 semaphore(%run_scoped3A : memref<!tpu.dma_semaphore, #tpu.memory_space<semaphore_mem>>) src(%dma_wait3A_195 : memref<24x96xi32, #tpu.memory_space<hbm>>) dst(%arg16 : memref<24x96xi32, #tpu.memory_space<vmem>>)
        tpu.yield
      }) : () -> ()
      %scan3A_126 = arith.constant 0 : i32
      %scan3A_127 = arith.constant 0 : i32
      %scan3A_128 = arith.constant 6 : i32
      %scan3A_129 = arith.addi %scan3A_127, %scan3A_128 : i32
      %scan3A_130 = arith.constant 1 : i32
      scf.for %scan3A_188 = %scan3A_127 to %scan3A_129 step %scan3A_130  : i32 {
        %mul3A_189 = arith.constant 4 : i32
        %mul3A_190 = arith.muli %mul3A_189, %scan3A_188 : i32
        %add3A_191 = arith.constant 0 : i32
        %add3A_192 = arith.addi %mul3A_190, %add3A_191 : i32
        %mul3A_193 = arith.constant 24 : i32
        %mul3A_194 = arith.muli %scan3A_121, %mul3A_193 : i32
        %add3A_195 = arith.addi %mul3A_194, %add3A_192 : i32
        %ge3A = arith.constant 4 : i32
        %ge3A_196 = arith.cmpi sge, %add3A_195, %ge3A : i32
        %convert_element_type3A_197 = arith.extui %ge3A_196 : i1 to i32
        %cond3A_198 = arith.constant 0 : i32
        %cond3A_199 = arith.cmpi ne, %convert_element_type3A_197, %cond3A_198 : i32
        scf.if %cond3A_199 {
          %dma_wait3A_296 = arith.constant 0 : i32
          %dma_wait3A_297 = arith.constant 0 : i32
          %dma_wait3A_298 = tpu.memref_slice %arg22[%dma_wait3A_296, %dma_wait3A_297] : memref<20008x64xf32, #tpu.memory_space<vmem_shared>> -> memref<96x64xf32, #tpu.memory_space<vmem_shared>>
          %dma_wait3A_299 = arith.constant 0 : i32
          %dma_wait3A_300 = arith.constant 0 : i32
          %dma_wait3A_301 = tpu.memref_slice %arg22[%dma_wait3A_299, %dma_wait3A_300] : memref<20008x64xf32, #tpu.memory_space<vmem_shared>> -> memref<96x64xf32, #tpu.memory_space<vmem_shared>>
          tpu.wait_dma2 semaphore(%arg27 : memref<!tpu.dma_semaphore, #tpu.memory_space<semaphore_mem>>) src(%arg17 : memref<96x64xf32, #tpu.memory_space<vmem>>) dst(%dma_wait3A_301 : memref<96x64xf32, #tpu.memory_space<vmem_shared>>)
        } else {
        }
        %eq3A_200 = arith.constant 0 : i32
        %eq3A_201 = arith.cmpi eq, %arg0, %eq3A_200 : i32
        %convert_element_type3A_202 = arith.extui %eq3A_201 : i1 to i32
        %cond3A_203 = arith.constant 0 : i32
        %cond3A_204 = arith.cmpi ne, %convert_element_type3A_202, %cond3A_203 : i32
        scf.if %cond3A_204 {
          %dma_start3A_296 = arith.constant 0 : i32
          %dma_start3A_297 = tpu.memref_slice %arg15[%add3A_192, %dma_start3A_296] : memref<24x96xi32, #tpu.memory_space<vmem>> -> memref<1x96xi32, #tpu.memory_space<vmem>>
          %dma_start3A_298 = tpu.memref_squeeze %dma_start3A_297 : memref<1x96xi32, #tpu.memory_space<vmem>> -> memref<96xi32, #tpu.memory_space<vmem>>
          %dma_start3A_299 = arith.constant 0 : i32
          %dma_start3A_300 = arith.constant 0 : i32
          %dma_start3A_301 = tpu.memref_slice %arg2[%dma_start3A_299, %dma_start3A_300] : memref<100000x64xf32, #tpu.memory_space<hbm>> -> memref<100000x64xf32, #tpu.memory_space<hbm>>
          tpu.enqueue_indirect_dma source(%dma_start3A_301 : memref<100000x64xf32, #tpu.memory_space<hbm>>) target(%arg17 : memref<96x64xf32, #tpu.memory_space<vmem>>) offsets(%dma_start3A_298 : memref<96xi32, #tpu.memory_space<vmem>>) semaphore(%arg23 : memref<!tpu.dma_semaphore, #tpu.memory_space<semaphore_mem>>)
        } else {
        }
        %eq3A_205 = arith.constant 1 : i32
        %eq3A_206 = arith.cmpi eq, %arg0, %eq3A_205 : i32
        %convert_element_type3A_207 = arith.extui %eq3A_206 : i1 to i32
        %cond3A_208 = arith.constant 0 : i32
        %cond3A_209 = arith.cmpi ne, %convert_element_type3A_207, %cond3A_208 : i32
        scf.if %cond3A_209 {
          %dma_start3A_296 = arith.constant 0 : i32
          %dma_start3A_297 = tpu.memref_slice %arg15[%add3A_192, %dma_start3A_296] : memref<24x96xi32, #tpu.memory_space<vmem>> -> memref<1x96xi32, #tpu.memory_space<vmem>>
          %dma_start3A_298 = tpu.memref_squeeze %dma_start3A_297 : memref<1x96xi32, #tpu.memory_space<vmem>> -> memref<96xi32, #tpu.memory_space<vmem>>
          %dma_start3A_299 = arith.constant 0 : i32
          %dma_start3A_300 = arith.constant 0 : i32
          %dma_start3A_301 = tpu.memref_slice %arg3[%dma_start3A_299, %dma_start3A_300] : memref<100000x64xf32, #tpu.memory_space<hbm>> -> memref<100000x64xf32, #tpu.memory_space<hbm>>
          tpu.enqueue_indirect_dma source(%dma_start3A_301 : memref<100000x64xf32, #tpu.memory_space<hbm>>) target(%arg17 : memref<96x64xf32, #tpu.memory_space<vmem>>) offsets(%dma_start3A_298 : memref<96xi32, #tpu.memory_space<vmem>>) semaphore(%arg23 : memref<!tpu.dma_semaphore, #tpu.memory_space<semaphore_mem>>)
        } else {
        }
        %ge3A_210 = arith.constant 3 : i32
        %ge3A_211 = arith.cmpi sge, %add3A_192, %ge3A_210 : i32
        %convert_element_type3A_212 = arith.extui %ge3A_211 : i1 to i32
        %cond3A_213 = arith.constant 0 : i32
        %cond3A_214 = arith.cmpi ne, %convert_element_type3A_212, %cond3A_213 : i32
        scf.if %cond3A_214 {
          %sub3A = arith.constant 3 : i32
          %sub3A_296 = arith.subi %add3A_192, %sub3A : i32
          %dma_wait3A_297 = arith.constant 0 : i32
          %dma_wait3A_298 = arith.constant 0 : i32
          %dma_wait3A_299 = tpu.memref_slice %arg15[%dma_wait3A_297, %dma_wait3A_298] : memref<24x96xi32, #tpu.memory_space<vmem>> -> memref<1x96xi32, #tpu.memory_space<vmem>>
          %dma_wait3A_300 = tpu.memref_squeeze %dma_wait3A_299 : memref<1x96xi32, #tpu.memory_space<vmem>> -> memref<96xi32, #tpu.memory_space<vmem>>
          %dma_wait3A_301 = arith.constant 0 : i32
          %dma_wait3A_302 = arith.constant 0 : i32
          %dma_wait3A_303 = tpu.memref_slice %arg2[%dma_wait3A_301, %dma_wait3A_302] : memref<100000x64xf32, #tpu.memory_space<hbm>> -> memref<100000x64xf32, #tpu.memory_space<hbm>>
          tpu.wait_indirect_dma semaphore(%arg24 : memref<!tpu.dma_semaphore, #tpu.memory_space<semaphore_mem>>) src(%dma_wait3A_303 : memref<100000x64xf32, #tpu.memory_space<hbm>>) dst(%arg18 : memref<96x64xf32, #tpu.memory_space<vmem>>)
          %dma_start3A_304 = arith.constant 0 : i32
          %dma_start3A_305 = tpu.memref_slice %arg16[%sub3A_296, %dma_start3A_304] : memref<24x96xi32, #tpu.memory_space<vmem>> -> memref<1x96xi32, #tpu.memory_space<vmem>>
          %dma_start3A_306 = tpu.memref_squeeze %dma_start3A_305 : memref<1x96xi32, #tpu.memory_space<vmem>> -> memref<96xi32, #tpu.memory_space<vmem>>
          %dma_start3A_307 = arith.constant 0 : i32
          %dma_start3A_308 = arith.constant 0 : i32
          %dma_start3A_309 = tpu.memref_slice %arg22[%dma_start3A_307, %dma_start3A_308] : memref<20008x64xf32, #tpu.memory_space<vmem_shared>> -> memref<20008x64xf32, #tpu.memory_space<vmem_shared>>
          tpu.enqueue_indirect_dma source(%arg18 : memref<96x64xf32, #tpu.memory_space<vmem>>) target(%dma_start3A_309 : memref<20008x64xf32, #tpu.memory_space<vmem_shared>>) offsets(%dma_start3A_306 : memref<96xi32, #tpu.memory_space<vmem>>) semaphore(%arg28 : memref<!tpu.dma_semaphore, #tpu.memory_space<semaphore_mem>>) {add = true}
          %eq3A_310 = arith.constant 1 : i32
          %eq3A_311 = arith.cmpi eq, %arg0, %eq3A_310 : i32
          %convert_element_type3A_312 = arith.extui %eq3A_311 : i1 to i32
          %cond3A_313 = arith.constant 0 : i32
          %cond3A_314 = arith.cmpi ne, %convert_element_type3A_312, %cond3A_313 : i32
          scf.if %cond3A_314 {
            %get3A = arith.index_cast %sub3A_296 : i32 to index
            %get3A_315 = arith.constant 0 : index
            %get3A_316 = tpu.vector_load %arg16[%get3A, %get3A_315] {strides = array<i32>} : memref<24x96xi32, #tpu.memory_space<vmem>>, vector<16xi32>,
            tpu.vector_store_idx %arg21[%get3A_316], %broadcast_in_dim3A_74 {add = true} : memref<20016xf32, #tpu.memory_space<vmem>>[vector<16xi32>], vector<16xf32>,
            %get3A_317 = arith.index_cast %sub3A_296 : i32 to index
            %get3A_318 = arith.constant 16 : index
            %get3A_319 = tpu.vector_load %arg16[%get3A_317, %get3A_318] {strides = array<i32>} : memref<24x96xi32, #tpu.memory_space<vmem>>, vector<16xi32>,
            tpu.vector_store_idx %arg21[%get3A_319], %broadcast_in_dim3A_74 {add = true} : memref<20016xf32, #tpu.memory_space<vmem>>[vector<16xi32>], vector<16xf32>,
            %get3A_320 = arith.index_cast %sub3A_296 : i32 to index
            %get3A_321 = arith.constant 32 : index
            %get3A_322 = tpu.vector_load %arg16[%get3A_320, %get3A_321] {strides = array<i32>} : memref<24x96xi32, #tpu.memory_space<vmem>>, vector<16xi32>,
            tpu.vector_store_idx %arg21[%get3A_322], %broadcast_in_dim3A_74 {add = true} : memref<20016xf32, #tpu.memory_space<vmem>>[vector<16xi32>], vector<16xf32>,
            %get3A_323 = arith.index_cast %sub3A_296 : i32 to index
            %get3A_324 = arith.constant 48 : index
            %get3A_325 = tpu.vector_load %arg16[%get3A_323, %get3A_324] {strides = array<i32>} : memref<24x96xi32, #tpu.memory_space<vmem>>, vector<16xi32>,
            tpu.vector_store_idx %arg21[%get3A_325], %broadcast_in_dim3A_74 {add = true} : memref<20016xf32, #tpu.memory_space<vmem>>[vector<16xi32>], vector<16xf32>,
            %get3A_326 = arith.index_cast %sub3A_296 : i32 to index
            %get3A_327 = arith.constant 64 : index
            %get3A_328 = tpu.vector_load %arg16[%get3A_326, %get3A_327] {strides = array<i32>} : memref<24x96xi32, #tpu.memory_space<vmem>>, vector<16xi32>,
            tpu.vector_store_idx %arg21[%get3A_328], %broadcast_in_dim3A_74 {add = true} : memref<20016xf32, #tpu.memory_space<vmem>>[vector<16xi32>], vector<16xf32>,
            %get3A_329 = arith.index_cast %sub3A_296 : i32 to index
            %get3A_330 = arith.constant 80 : index
            %get3A_331 = tpu.vector_load %arg16[%get3A_329, %get3A_330] {strides = array<i32>} : memref<24x96xi32, #tpu.memory_space<vmem>>, vector<16xi32>,
            tpu.vector_store_idx %arg21[%get3A_331], %broadcast_in_dim3A_74 {add = true} : memref<20016xf32, #tpu.memory_space<vmem>>[vector<16xi32>], vector<16xf32>,
          } else {
          }
        } else {
        }
        %mul3A_215 = arith.constant 4 : i32
        %mul3A_216 = arith.muli %mul3A_215, %scan3A_188 : i32
        %add3A_217 = arith.constant 1 : i32
        %add3A_218 = arith.addi %mul3A_216, %add3A_217 : i32
        %mul3A_219 = arith.constant 24 : i32
        %mul3A_220 = arith.muli %scan3A_121, %mul3A_219 : i32
        %add3A_221 = arith.addi %mul3A_220, %add3A_218 : i32
        %ge3A_222 = arith.constant 4 : i32
        %ge3A_223 = arith.cmpi sge, %add3A_221, %ge3A_222 : i32
        %convert_element_type3A_224 = arith.extui %ge3A_223 : i1 to i32
        %cond3A_225 = arith.constant 0 : i32
        %cond3A_226 = arith.cmpi ne, %convert_element_type3A_224, %cond3A_225 : i32
        scf.if %cond3A_226 {
          %dma_wait3A_296 = arith.constant 0 : i32
          %dma_wait3A_297 = arith.constant 0 : i32
          %dma_wait3A_298 = tpu.memref_slice %arg22[%dma_wait3A_296, %dma_wait3A_297] : memref<20008x64xf32, #tpu.memory_space<vmem_shared>> -> memref<96x64xf32, #tpu.memory_space<vmem_shared>>
          %dma_wait3A_299 = arith.constant 0 : i32
          %dma_wait3A_300 = arith.constant 0 : i32
          %dma_wait3A_301 = tpu.memref_slice %arg22[%dma_wait3A_299, %dma_wait3A_300] : memref<20008x64xf32, #tpu.memory_space<vmem_shared>> -> memref<96x64xf32, #tpu.memory_space<vmem_shared>>
          tpu.wait_dma2 semaphore(%arg28 : memref<!tpu.dma_semaphore, #tpu.memory_space<semaphore_mem>>) src(%arg18 : memref<96x64xf32, #tpu.memory_space<vmem>>) dst(%dma_wait3A_301 : memref<96x64xf32, #tpu.memory_space<vmem_shared>>)
        } else {
        }
        %eq3A_227 = arith.constant 0 : i32
        %eq3A_228 = arith.cmpi eq, %arg0, %eq3A_227 : i32
        %convert_element_type3A_229 = arith.extui %eq3A_228 : i1 to i32
        %cond3A_230 = arith.constant 0 : i32
        %cond3A_231 = arith.cmpi ne, %convert_element_type3A_229, %cond3A_230 : i32
        scf.if %cond3A_231 {
          %dma_start3A_296 = arith.constant 0 : i32
          %dma_start3A_297 = tpu.memref_slice %arg15[%add3A_218, %dma_start3A_296] : memref<24x96xi32, #tpu.memory_space<vmem>> -> memref<1x96xi32, #tpu.memory_space<vmem>>
          %dma_start3A_298 = tpu.memref_squeeze %dma_start3A_297 : memref<1x96xi32, #tpu.memory_space<vmem>> -> memref<96xi32, #tpu.memory_space<vmem>>
          %dma_start3A_299 = arith.constant 0 : i32
          %dma_start3A_300 = arith.constant 0 : i32
          %dma_start3A_301 = tpu.memref_slice %arg2[%dma_start3A_299, %dma_start3A_300] : memref<100000x64xf32, #tpu.memory_space<hbm>> -> memref<100000x64xf32, #tpu.memory_space<hbm>>
          tpu.enqueue_indirect_dma source(%dma_start3A_301 : memref<100000x64xf32, #tpu.memory_space<hbm>>) target(%arg18 : memref<96x64xf32, #tpu.memory_space<vmem>>) offsets(%dma_start3A_298 : memref<96xi32, #tpu.memory_space<vmem>>) semaphore(%arg24 : memref<!tpu.dma_semaphore, #tpu.memory_space<semaphore_mem>>)
        } else {
        }
        %eq3A_232 = arith.constant 1 : i32
        %eq3A_233 = arith.cmpi eq, %arg0, %eq3A_232 : i32
        %convert_element_type3A_234 = arith.extui %eq3A_233 : i1 to i32
        %cond3A_235 = arith.constant 0 : i32
        %cond3A_236 = arith.cmpi ne, %convert_element_type3A_234, %cond3A_235 : i32
        scf.if %cond3A_236 {
          %dma_start3A_296 = arith.constant 0 : i32
          %dma_start3A_297 = tpu.memref_slice %arg15[%add3A_218, %dma_start3A_296] : memref<24x96xi32, #tpu.memory_space<vmem>> -> memref<1x96xi32, #tpu.memory_space<vmem>>
          %dma_start3A_298 = tpu.memref_squeeze %dma_start3A_297 : memref<1x96xi32, #tpu.memory_space<vmem>> -> memref<96xi32, #tpu.memory_space<vmem>>
          %dma_start3A_299 = arith.constant 0 : i32
          %dma_start3A_300 = arith.constant 0 : i32
          %dma_start3A_301 = tpu.memref_slice %arg3[%dma_start3A_299, %dma_start3A_300] : memref<100000x64xf32, #tpu.memory_space<hbm>> -> memref<100000x64xf32, #tpu.memory_space<hbm>>
          tpu.enqueue_indirect_dma source(%dma_start3A_301 : memref<100000x64xf32, #tpu.memory_space<hbm>>) target(%arg18 : memref<96x64xf32, #tpu.memory_space<vmem>>) offsets(%dma_start3A_298 : memref<96xi32, #tpu.memory_space<vmem>>) semaphore(%arg24 : memref<!tpu.dma_semaphore, #tpu.memory_space<semaphore_mem>>)
        } else {
        }
        %ge3A_237 = arith.constant 3 : i32
        %ge3A_238 = arith.cmpi sge, %add3A_218, %ge3A_237 : i32
        %convert_element_type3A_239 = arith.extui %ge3A_238 : i1 to i32
        %cond3A_240 = arith.constant 0 : i32
        %cond3A_241 = arith.cmpi ne, %convert_element_type3A_239, %cond3A_240 : i32
        scf.if %cond3A_241 {
          %sub3A = arith.constant 3 : i32
          %sub3A_296 = arith.subi %add3A_218, %sub3A : i32
          %dma_wait3A_297 = arith.constant 0 : i32
          %dma_wait3A_298 = arith.constant 0 : i32
          %dma_wait3A_299 = tpu.memref_slice %arg15[%dma_wait3A_297, %dma_wait3A_298] : memref<24x96xi32, #tpu.memory_space<vmem>> -> memref<1x96xi32, #tpu.memory_space<vmem>>
          %dma_wait3A_300 = tpu.memref_squeeze %dma_wait3A_299 : memref<1x96xi32, #tpu.memory_space<vmem>> -> memref<96xi32, #tpu.memory_space<vmem>>
          %dma_wait3A_301 = arith.constant 0 : i32
          %dma_wait3A_302 = arith.constant 0 : i32
          %dma_wait3A_303 = tpu.memref_slice %arg2[%dma_wait3A_301, %dma_wait3A_302] : memref<100000x64xf32, #tpu.memory_space<hbm>> -> memref<100000x64xf32, #tpu.memory_space<hbm>>
          tpu.wait_indirect_dma semaphore(%arg25 : memref<!tpu.dma_semaphore, #tpu.memory_space<semaphore_mem>>) src(%dma_wait3A_303 : memref<100000x64xf32, #tpu.memory_space<hbm>>) dst(%arg19 : memref<96x64xf32, #tpu.memory_space<vmem>>)
          %dma_start3A_304 = arith.constant 0 : i32
          %dma_start3A_305 = tpu.memref_slice %arg16[%sub3A_296, %dma_start3A_304] : memref<24x96xi32, #tpu.memory_space<vmem>> -> memref<1x96xi32, #tpu.memory_space<vmem>>
          %dma_start3A_306 = tpu.memref_squeeze %dma_start3A_305 : memref<1x96xi32, #tpu.memory_space<vmem>> -> memref<96xi32, #tpu.memory_space<vmem>>
          %dma_start3A_307 = arith.constant 0 : i32
          %dma_start3A_308 = arith.constant 0 : i32
          %dma_start3A_309 = tpu.memref_slice %arg22[%dma_start3A_307, %dma_start3A_308] : memref<20008x64xf32, #tpu.memory_space<vmem_shared>> -> memref<20008x64xf32, #tpu.memory_space<vmem_shared>>
          tpu.enqueue_indirect_dma source(%arg19 : memref<96x64xf32, #tpu.memory_space<vmem>>) target(%dma_start3A_309 : memref<20008x64xf32, #tpu.memory_space<vmem_shared>>) offsets(%dma_start3A_306 : memref<96xi32, #tpu.memory_space<vmem>>) semaphore(%arg29 : memref<!tpu.dma_semaphore, #tpu.memory_space<semaphore_mem>>) {add = true}
          %eq3A_310 = arith.constant 1 : i32
          %eq3A_311 = arith.cmpi eq, %arg0, %eq3A_310 : i32
          %convert_element_type3A_312 = arith.extui %eq3A_311 : i1 to i32
          %cond3A_313 = arith.constant 0 : i32
          %cond3A_314 = arith.cmpi ne, %convert_element_type3A_312, %cond3A_313 : i32
          scf.if %cond3A_314 {
            %get3A = arith.index_cast %sub3A_296 : i32 to index
            %get3A_315 = arith.constant 0 : index
            %get3A_316 = tpu.vector_load %arg16[%get3A, %get3A_315] {strides = array<i32>} : memref<24x96xi32, #tpu.memory_space<vmem>>, vector<16xi32>,
            tpu.vector_store_idx %arg21[%get3A_316], %broadcast_in_dim3A_74 {add = true} : memref<20016xf32, #tpu.memory_space<vmem>>[vector<16xi32>], vector<16xf32>,
            %get3A_317 = arith.index_cast %sub3A_296 : i32 to index
            %get3A_318 = arith.constant 16 : index
            %get3A_319 = tpu.vector_load %arg16[%get3A_317, %get3A_318] {strides = array<i32>} : memref<24x96xi32, #tpu.memory_space<vmem>>, vector<16xi32>,
            tpu.vector_store_idx %arg21[%get3A_319], %broadcast_in_dim3A_74 {add = true} : memref<20016xf32, #tpu.memory_space<vmem>>[vector<16xi32>], vector<16xf32>,
            %get3A_320 = arith.index_cast %sub3A_296 : i32 to index
            %get3A_321 = arith.constant 32 : index
            %get3A_322 = tpu.vector_load %arg16[%get3A_320, %get3A_321] {strides = array<i32>} : memref<24x96xi32, #tpu.memory_space<vmem>>, vector<16xi32>,
            tpu.vector_store_idx %arg21[%get3A_322], %broadcast_in_dim3A_74 {add = true} : memref<20016xf32, #tpu.memory_space<vmem>>[vector<16xi32>], vector<16xf32>,
            %get3A_323 = arith.index_cast %sub3A_296 : i32 to index
            %get3A_324 = arith.constant 48 : index
            %get3A_325 = tpu.vector_load %arg16[%get3A_323, %get3A_324] {strides = array<i32>} : memref<24x96xi32, #tpu.memory_space<vmem>>, vector<16xi32>,
            tpu.vector_store_idx %arg21[%get3A_325], %broadcast_in_dim3A_74 {add = true} : memref<20016xf32, #tpu.memory_space<vmem>>[vector<16xi32>], vector<16xf32>,
            %get3A_326 = arith.index_cast %sub3A_296 : i32 to index
            %get3A_327 = arith.constant 64 : index
            %get3A_328 = tpu.vector_load %arg16[%get3A_326, %get3A_327] {strides = array<i32>} : memref<24x96xi32, #tpu.memory_space<vmem>>, vector<16xi32>,
            tpu.vector_store_idx %arg21[%get3A_328], %broadcast_in_dim3A_74 {add = true} : memref<20016xf32, #tpu.memory_space<vmem>>[vector<16xi32>], vector<16xf32>,
            %get3A_329 = arith.index_cast %sub3A_296 : i32 to index
            %get3A_330 = arith.constant 80 : index
            %get3A_331 = tpu.vector_load %arg16[%get3A_329, %get3A_330] {strides = array<i32>} : memref<24x96xi32, #tpu.memory_space<vmem>>, vector<16xi32>,
            tpu.vector_store_idx %arg21[%get3A_331], %broadcast_in_dim3A_74 {add = true} : memref<20016xf32, #tpu.memory_space<vmem>>[vector<16xi32>], vector<16xf32>,
          } else {
          }
        } else {
        }
        %mul3A_242 = arith.constant 4 : i32
        %mul3A_243 = arith.muli %mul3A_242, %scan3A_188 : i32
        %add3A_244 = arith.constant 2 : i32
        %add3A_245 = arith.addi %mul3A_243, %add3A_244 : i32
        %mul3A_246 = arith.constant 24 : i32
        %mul3A_247 = arith.muli %scan3A_121, %mul3A_246 : i32
        %add3A_248 = arith.addi %mul3A_247, %add3A_245 : i32
        %ge3A_249 = arith.constant 4 : i32
        %ge3A_250 = arith.cmpi sge, %add3A_248, %ge3A_249 : i32
        %convert_element_type3A_251 = arith.extui %ge3A_250 : i1 to i32
        %cond3A_252 = arith.constant 0 : i32
        %cond3A_253 = arith.cmpi ne, %convert_element_type3A_251, %cond3A_252 : i32
        scf.if %cond3A_253 {
          %dma_wait3A_296 = arith.constant 0 : i32
          %dma_wait3A_297 = arith.constant 0 : i32
          %dma_wait3A_298 = tpu.memref_slice %arg22[%dma_wait3A_296, %dma_wait3A_297] : memref<20008x64xf32, #tpu.memory_space<vmem_shared>> -> memref<96x64xf32, #tpu.memory_space<vmem_shared>>
          %dma_wait3A_299 = arith.constant 0 : i32
          %dma_wait3A_300 = arith.constant 0 : i32
          %dma_wait3A_301 = tpu.memref_slice %arg22[%dma_wait3A_299, %dma_wait3A_300] : memref<20008x64xf32, #tpu.memory_space<vmem_shared>> -> memref<96x64xf32, #tpu.memory_space<vmem_shared>>
          tpu.wait_dma2 semaphore(%arg29 : memref<!tpu.dma_semaphore, #tpu.memory_space<semaphore_mem>>) src(%arg19 : memref<96x64xf32, #tpu.memory_space<vmem>>) dst(%dma_wait3A_301 : memref<96x64xf32, #tpu.memory_space<vmem_shared>>)
        } else {
        }
        %eq3A_254 = arith.constant 0 : i32
        %eq3A_255 = arith.cmpi eq, %arg0, %eq3A_254 : i32
        %convert_element_type3A_256 = arith.extui %eq3A_255 : i1 to i32
        %cond3A_257 = arith.constant 0 : i32
        %cond3A_258 = arith.cmpi ne, %convert_element_type3A_256, %cond3A_257 : i32
        scf.if %cond3A_258 {
          %dma_start3A_296 = arith.constant 0 : i32
          %dma_start3A_297 = tpu.memref_slice %arg15[%add3A_245, %dma_start3A_296] : memref<24x96xi32, #tpu.memory_space<vmem>> -> memref<1x96xi32, #tpu.memory_space<vmem>>
          %dma_start3A_298 = tpu.memref_squeeze %dma_start3A_297 : memref<1x96xi32, #tpu.memory_space<vmem>> -> memref<96xi32, #tpu.memory_space<vmem>>
          %dma_start3A_299 = arith.constant 0 : i32
          %dma_start3A_300 = arith.constant 0 : i32
          %dma_start3A_301 = tpu.memref_slice %arg2[%dma_start3A_299, %dma_start3A_300] : memref<100000x64xf32, #tpu.memory_space<hbm>> -> memref<100000x64xf32, #tpu.memory_space<hbm>>
          tpu.enqueue_indirect_dma source(%dma_start3A_301 : memref<100000x64xf32, #tpu.memory_space<hbm>>) target(%arg19 : memref<96x64xf32, #tpu.memory_space<vmem>>) offsets(%dma_start3A_298 : memref<96xi32, #tpu.memory_space<vmem>>) semaphore(%arg25 : memref<!tpu.dma_semaphore, #tpu.memory_space<semaphore_mem>>)
        } else {
        }
        %eq3A_259 = arith.constant 1 : i32
        %eq3A_260 = arith.cmpi eq, %arg0, %eq3A_259 : i32
        %convert_element_type3A_261 = arith.extui %eq3A_260 : i1 to i32
        %cond3A_262 = arith.constant 0 : i32
        %cond3A_263 = arith.cmpi ne, %convert_element_type3A_261, %cond3A_262 : i32
        scf.if %cond3A_263 {
          %dma_start3A_296 = arith.constant 0 : i32
          %dma_start3A_297 = tpu.memref_slice %arg15[%add3A_245, %dma_start3A_296] : memref<24x96xi32, #tpu.memory_space<vmem>> -> memref<1x96xi32, #tpu.memory_space<vmem>>
          %dma_start3A_298 = tpu.memref_squeeze %dma_start3A_297 : memref<1x96xi32, #tpu.memory_space<vmem>> -> memref<96xi32, #tpu.memory_space<vmem>>
          %dma_start3A_299 = arith.constant 0 : i32
          %dma_start3A_300 = arith.constant 0 : i32
          %dma_start3A_301 = tpu.memref_slice %arg3[%dma_start3A_299, %dma_start3A_300] : memref<100000x64xf32, #tpu.memory_space<hbm>> -> memref<100000x64xf32, #tpu.memory_space<hbm>>
          tpu.enqueue_indirect_dma source(%dma_start3A_301 : memref<100000x64xf32, #tpu.memory_space<hbm>>) target(%arg19 : memref<96x64xf32, #tpu.memory_space<vmem>>) offsets(%dma_start3A_298 : memref<96xi32, #tpu.memory_space<vmem>>) semaphore(%arg25 : memref<!tpu.dma_semaphore, #tpu.memory_space<semaphore_mem>>)
        } else {
        }
        %ge3A_264 = arith.constant 3 : i32
        %ge3A_265 = arith.cmpi sge, %add3A_245, %ge3A_264 : i32
        %convert_element_type3A_266 = arith.extui %ge3A_265 : i1 to i32
        %cond3A_267 = arith.constant 0 : i32
        %cond3A_268 = arith.cmpi ne, %convert_element_type3A_266, %cond3A_267 : i32
        scf.if %cond3A_268 {
          %sub3A = arith.constant 3 : i32
          %sub3A_296 = arith.subi %add3A_245, %sub3A : i32
          %dma_wait3A_297 = arith.constant 0 : i32
          %dma_wait3A_298 = arith.constant 0 : i32
          %dma_wait3A_299 = tpu.memref_slice %arg15[%dma_wait3A_297, %dma_wait3A_298] : memref<24x96xi32, #tpu.memory_space<vmem>> -> memref<1x96xi32, #tpu.memory_space<vmem>>
          %dma_wait3A_300 = tpu.memref_squeeze %dma_wait3A_299 : memref<1x96xi32, #tpu.memory_space<vmem>> -> memref<96xi32, #tpu.memory_space<vmem>>
          %dma_wait3A_301 = arith.constant 0 : i32
          %dma_wait3A_302 = arith.constant 0 : i32
          %dma_wait3A_303 = tpu.memref_slice %arg2[%dma_wait3A_301, %dma_wait3A_302] : memref<100000x64xf32, #tpu.memory_space<hbm>> -> memref<100000x64xf32, #tpu.memory_space<hbm>>
          tpu.wait_indirect_dma semaphore(%arg26 : memref<!tpu.dma_semaphore, #tpu.memory_space<semaphore_mem>>) src(%dma_wait3A_303 : memref<100000x64xf32, #tpu.memory_space<hbm>>) dst(%arg20 : memref<96x64xf32, #tpu.memory_space<vmem>>)
          %dma_start3A_304 = arith.constant 0 : i32
          %dma_start3A_305 = tpu.memref_slice %arg16[%sub3A_296, %dma_start3A_304] : memref<24x96xi32, #tpu.memory_space<vmem>> -> memref<1x96xi32, #tpu.memory_space<vmem>>
          %dma_start3A_306 = tpu.memref_squeeze %dma_start3A_305 : memref<1x96xi32, #tpu.memory_space<vmem>> -> memref<96xi32, #tpu.memory_space<vmem>>
          %dma_start3A_307 = arith.constant 0 : i32
          %dma_start3A_308 = arith.constant 0 : i32
          %dma_start3A_309 = tpu.memref_slice %arg22[%dma_start3A_307, %dma_start3A_308] : memref<20008x64xf32, #tpu.memory_space<vmem_shared>> -> memref<20008x64xf32, #tpu.memory_space<vmem_shared>>
          tpu.enqueue_indirect_dma source(%arg20 : memref<96x64xf32, #tpu.memory_space<vmem>>) target(%dma_start3A_309 : memref<20008x64xf32, #tpu.memory_space<vmem_shared>>) offsets(%dma_start3A_306 : memref<96xi32, #tpu.memory_space<vmem>>) semaphore(%arg30 : memref<!tpu.dma_semaphore, #tpu.memory_space<semaphore_mem>>) {add = true}
          %eq3A_310 = arith.constant 1 : i32
          %eq3A_311 = arith.cmpi eq, %arg0, %eq3A_310 : i32
          %convert_element_type3A_312 = arith.extui %eq3A_311 : i1 to i32
          %cond3A_313 = arith.constant 0 : i32
          %cond3A_314 = arith.cmpi ne, %convert_element_type3A_312, %cond3A_313 : i32
          scf.if %cond3A_314 {
            %get3A = arith.index_cast %sub3A_296 : i32 to index
            %get3A_315 = arith.constant 0 : index
            %get3A_316 = tpu.vector_load %arg16[%get3A, %get3A_315] {strides = array<i32>} : memref<24x96xi32, #tpu.memory_space<vmem>>, vector<16xi32>,
            tpu.vector_store_idx %arg21[%get3A_316], %broadcast_in_dim3A_74 {add = true} : memref<20016xf32, #tpu.memory_space<vmem>>[vector<16xi32>], vector<16xf32>,
            %get3A_317 = arith.index_cast %sub3A_296 : i32 to index
            %get3A_318 = arith.constant 16 : index
            %get3A_319 = tpu.vector_load %arg16[%get3A_317, %get3A_318] {strides = array<i32>} : memref<24x96xi32, #tpu.memory_space<vmem>>, vector<16xi32>,
            tpu.vector_store_idx %arg21[%get3A_319], %broadcast_in_dim3A_74 {add = true} : memref<20016xf32, #tpu.memory_space<vmem>>[vector<16xi32>], vector<16xf32>,
            %get3A_320 = arith.index_cast %sub3A_296 : i32 to index
            %get3A_321 = arith.constant 32 : index
            %get3A_322 = tpu.vector_load %arg16[%get3A_320, %get3A_321] {strides = array<i32>} : memref<24x96xi32, #tpu.memory_space<vmem>>, vector<16xi32>,
            tpu.vector_store_idx %arg21[%get3A_322], %broadcast_in_dim3A_74 {add = true} : memref<20016xf32, #tpu.memory_space<vmem>>[vector<16xi32>], vector<16xf32>,
            %get3A_323 = arith.index_cast %sub3A_296 : i32 to index
            %get3A_324 = arith.constant 48 : index
            %get3A_325 = tpu.vector_load %arg16[%get3A_323, %get3A_324] {strides = array<i32>} : memref<24x96xi32, #tpu.memory_space<vmem>>, vector<16xi32>,
            tpu.vector_store_idx %arg21[%get3A_325], %broadcast_in_dim3A_74 {add = true} : memref<20016xf32, #tpu.memory_space<vmem>>[vector<16xi32>], vector<16xf32>,
            %get3A_326 = arith.index_cast %sub3A_296 : i32 to index
            %get3A_327 = arith.constant 64 : index
            %get3A_328 = tpu.vector_load %arg16[%get3A_326, %get3A_327] {strides = array<i32>} : memref<24x96xi32, #tpu.memory_space<vmem>>, vector<16xi32>,
            tpu.vector_store_idx %arg21[%get3A_328], %broadcast_in_dim3A_74 {add = true} : memref<20016xf32, #tpu.memory_space<vmem>>[vector<16xi32>], vector<16xf32>,
            %get3A_329 = arith.index_cast %sub3A_296 : i32 to index
            %get3A_330 = arith.constant 80 : index
            %get3A_331 = tpu.vector_load %arg16[%get3A_329, %get3A_330] {strides = array<i32>} : memref<24x96xi32, #tpu.memory_space<vmem>>, vector<16xi32>,
            tpu.vector_store_idx %arg21[%get3A_331], %broadcast_in_dim3A_74 {add = true} : memref<20016xf32, #tpu.memory_space<vmem>>[vector<16xi32>], vector<16xf32>,
          } else {
          }
        } else {
        }
        %mul3A_269 = arith.constant 4 : i32
        %mul3A_270 = arith.muli %mul3A_269, %scan3A_188 : i32
        %add3A_271 = arith.constant 3 : i32
        %add3A_272 = arith.addi %mul3A_270, %add3A_271 : i32
        %mul3A_273 = arith.constant 24 : i32
        %mul3A_274 = arith.muli %scan3A_121, %mul3A_273 : i32
        %add3A_275 = arith.addi %mul3A_274, %add3A_272 : i32
        %ge3A_276 = arith.constant 4 : i32
        %ge3A_277 = arith.cmpi sge, %add3A_275, %ge3A_276 : i32
        %convert_element_type3A_278 = arith.extui %ge3A_277 : i1 to i32
        %cond3A_279 = arith.constant 0 : i32
        %cond3A_280 = arith.cmpi ne, %convert_element_type3A_278, %cond3A_279 : i32
        scf.if %cond3A_280 {
          %dma_wait3A_296 = arith.constant 0 : i32
          %dma_wait3A_297 = arith.constant 0 : i32
          %dma_wait3A_298 = tpu.memref_slice %arg22[%dma_wait3A_296, %dma_wait3A_297] : memref<20008x64xf32, #tpu.memory_space<vmem_shared>> -> memref<96x64xf32, #tpu.memory_space<vmem_shared>>
          %dma_wait3A_299 = arith.constant 0 : i32
          %dma_wait3A_300 = arith.constant 0 : i32
          %dma_wait3A_301 = tpu.memref_slice %arg22[%dma_wait3A_299, %dma_wait3A_300] : memref<20008x64xf32, #tpu.memory_space<vmem_shared>> -> memref<96x64xf32, #tpu.memory_space<vmem_shared>>
          tpu.wait_dma2 semaphore(%arg30 : memref<!tpu.dma_semaphore, #tpu.memory_space<semaphore_mem>>) src(%arg20 : memref<96x64xf32, #tpu.memory_space<vmem>>) dst(%dma_wait3A_301 : memref<96x64xf32, #tpu.memory_space<vmem_shared>>)
        } else {
        }
        %eq3A_281 = arith.constant 0 : i32
        %eq3A_282 = arith.cmpi eq, %arg0, %eq3A_281 : i32
        %convert_element_type3A_283 = arith.extui %eq3A_282 : i1 to i32
        %cond3A_284 = arith.constant 0 : i32
        %cond3A_285 = arith.cmpi ne, %convert_element_type3A_283, %cond3A_284 : i32
        scf.if %cond3A_285 {
          %dma_start3A_296 = arith.constant 0 : i32
          %dma_start3A_297 = tpu.memref_slice %arg15[%add3A_272, %dma_start3A_296] : memref<24x96xi32, #tpu.memory_space<vmem>> -> memref<1x96xi32, #tpu.memory_space<vmem>>
          %dma_start3A_298 = tpu.memref_squeeze %dma_start3A_297 : memref<1x96xi32, #tpu.memory_space<vmem>> -> memref<96xi32, #tpu.memory_space<vmem>>
          %dma_start3A_299 = arith.constant 0 : i32
          %dma_start3A_300 = arith.constant 0 : i32
          %dma_start3A_301 = tpu.memref_slice %arg2[%dma_start3A_299, %dma_start3A_300] : memref<100000x64xf32, #tpu.memory_space<hbm>> -> memref<100000x64xf32, #tpu.memory_space<hbm>>
          tpu.enqueue_indirect_dma source(%dma_start3A_301 : memref<100000x64xf32, #tpu.memory_space<hbm>>) target(%arg20 : memref<96x64xf32, #tpu.memory_space<vmem>>) offsets(%dma_start3A_298 : memref<96xi32, #tpu.memory_space<vmem>>) semaphore(%arg26 : memref<!tpu.dma_semaphore, #tpu.memory_space<semaphore_mem>>)
        } else {
        }
        %eq3A_286 = arith.constant 1 : i32
        %eq3A_287 = arith.cmpi eq, %arg0, %eq3A_286 : i32
        %convert_element_type3A_288 = arith.extui %eq3A_287 : i1 to i32
        %cond3A_289 = arith.constant 0 : i32
        %cond3A_290 = arith.cmpi ne, %convert_element_type3A_288, %cond3A_289 : i32
        scf.if %cond3A_290 {
          %dma_start3A_296 = arith.constant 0 : i32
          %dma_start3A_297 = tpu.memref_slice %arg15[%add3A_272, %dma_start3A_296] : memref<24x96xi32, #tpu.memory_space<vmem>> -> memref<1x96xi32, #tpu.memory_space<vmem>>
          %dma_start3A_298 = tpu.memref_squeeze %dma_start3A_297 : memref<1x96xi32, #tpu.memory_space<vmem>> -> memref<96xi32, #tpu.memory_space<vmem>>
          %dma_start3A_299 = arith.constant 0 : i32
          %dma_start3A_300 = arith.constant 0 : i32
          %dma_start3A_301 = tpu.memref_slice %arg3[%dma_start3A_299, %dma_start3A_300] : memref<100000x64xf32, #tpu.memory_space<hbm>> -> memref<100000x64xf32, #tpu.memory_space<hbm>>
          tpu.enqueue_indirect_dma source(%dma_start3A_301 : memref<100000x64xf32, #tpu.memory_space<hbm>>) target(%arg20 : memref<96x64xf32, #tpu.memory_space<vmem>>) offsets(%dma_start3A_298 : memref<96xi32, #tpu.memory_space<vmem>>) semaphore(%arg26 : memref<!tpu.dma_semaphore, #tpu.memory_space<semaphore_mem>>)
        } else {
        }
        %ge3A_291 = arith.constant 3 : i32
        %ge3A_292 = arith.cmpi sge, %add3A_272, %ge3A_291 : i32
        %convert_element_type3A_293 = arith.extui %ge3A_292 : i1 to i32
        %cond3A_294 = arith.constant 0 : i32
        %cond3A_295 = arith.cmpi ne, %convert_element_type3A_293, %cond3A_294 : i32
        scf.if %cond3A_295 {
          %sub3A = arith.constant 3 : i32
          %sub3A_296 = arith.subi %add3A_272, %sub3A : i32
          %dma_wait3A_297 = arith.constant 0 : i32
          %dma_wait3A_298 = arith.constant 0 : i32
          %dma_wait3A_299 = tpu.memref_slice %arg15[%dma_wait3A_297, %dma_wait3A_298] : memref<24x96xi32, #tpu.memory_space<vmem>> -> memref<1x96xi32, #tpu.memory_space<vmem>>
          %dma_wait3A_300 = tpu.memref_squeeze %dma_wait3A_299 : memref<1x96xi32, #tpu.memory_space<vmem>> -> memref<96xi32, #tpu.memory_space<vmem>>
          %dma_wait3A_301 = arith.constant 0 : i32
          %dma_wait3A_302 = arith.constant 0 : i32
          %dma_wait3A_303 = tpu.memref_slice %arg2[%dma_wait3A_301, %dma_wait3A_302] : memref<100000x64xf32, #tpu.memory_space<hbm>> -> memref<100000x64xf32, #tpu.memory_space<hbm>>
          tpu.wait_indirect_dma semaphore(%arg23 : memref<!tpu.dma_semaphore, #tpu.memory_space<semaphore_mem>>) src(%dma_wait3A_303 : memref<100000x64xf32, #tpu.memory_space<hbm>>) dst(%arg17 : memref<96x64xf32, #tpu.memory_space<vmem>>)
          %dma_start3A_304 = arith.constant 0 : i32
          %dma_start3A_305 = tpu.memref_slice %arg16[%sub3A_296, %dma_start3A_304] : memref<24x96xi32, #tpu.memory_space<vmem>> -> memref<1x96xi32, #tpu.memory_space<vmem>>
          %dma_start3A_306 = tpu.memref_squeeze %dma_start3A_305 : memref<1x96xi32, #tpu.memory_space<vmem>> -> memref<96xi32, #tpu.memory_space<vmem>>
          %dma_start3A_307 = arith.constant 0 : i32
          %dma_start3A_308 = arith.constant 0 : i32
          %dma_start3A_309 = tpu.memref_slice %arg22[%dma_start3A_307, %dma_start3A_308] : memref<20008x64xf32, #tpu.memory_space<vmem_shared>> -> memref<20008x64xf32, #tpu.memory_space<vmem_shared>>
          tpu.enqueue_indirect_dma source(%arg17 : memref<96x64xf32, #tpu.memory_space<vmem>>) target(%dma_start3A_309 : memref<20008x64xf32, #tpu.memory_space<vmem_shared>>) offsets(%dma_start3A_306 : memref<96xi32, #tpu.memory_space<vmem>>) semaphore(%arg27 : memref<!tpu.dma_semaphore, #tpu.memory_space<semaphore_mem>>) {add = true}
          %eq3A_310 = arith.constant 1 : i32
          %eq3A_311 = arith.cmpi eq, %arg0, %eq3A_310 : i32
          %convert_element_type3A_312 = arith.extui %eq3A_311 : i1 to i32
          %cond3A_313 = arith.constant 0 : i32
          %cond3A_314 = arith.cmpi ne, %convert_element_type3A_312, %cond3A_313 : i32
          scf.if %cond3A_314 {
            %get3A = arith.index_cast %sub3A_296 : i32 to index
            %get3A_315 = arith.constant 0 : index
            %get3A_316 = tpu.vector_load %arg16[%get3A, %get3A_315] {strides = array<i32>} : memref<24x96xi32, #tpu.memory_space<vmem>>, vector<16xi32>,
            tpu.vector_store_idx %arg21[%get3A_316], %broadcast_in_dim3A_74 {add = true} : memref<20016xf32, #tpu.memory_space<vmem>>[vector<16xi32>], vector<16xf32>,
            %get3A_317 = arith.index_cast %sub3A_296 : i32 to index
            %get3A_318 = arith.constant 16 : index
            %get3A_319 = tpu.vector_load %arg16[%get3A_317, %get3A_318] {strides = array<i32>} : memref<24x96xi32, #tpu.memory_space<vmem>>, vector<16xi32>,
            tpu.vector_store_idx %arg21[%get3A_319], %broadcast_in_dim3A_74 {add = true} : memref<20016xf32, #tpu.memory_space<vmem>>[vector<16xi32>], vector<16xf32>,
            %get3A_320 = arith.index_cast %sub3A_296 : i32 to index
            %get3A_321 = arith.constant 32 : index
            %get3A_322 = tpu.vector_load %arg16[%get3A_320, %get3A_321] {strides = array<i32>} : memref<24x96xi32, #tpu.memory_space<vmem>>, vector<16xi32>,
            tpu.vector_store_idx %arg21[%get3A_322], %broadcast_in_dim3A_74 {add = true} : memref<20016xf32, #tpu.memory_space<vmem>>[vector<16xi32>], vector<16xf32>,
            %get3A_323 = arith.index_cast %sub3A_296 : i32 to index
            %get3A_324 = arith.constant 48 : index
            %get3A_325 = tpu.vector_load %arg16[%get3A_323, %get3A_324] {strides = array<i32>} : memref<24x96xi32, #tpu.memory_space<vmem>>, vector<16xi32>,
            tpu.vector_store_idx %arg21[%get3A_325], %broadcast_in_dim3A_74 {add = true} : memref<20016xf32, #tpu.memory_space<vmem>>[vector<16xi32>], vector<16xf32>,
            %get3A_326 = arith.index_cast %sub3A_296 : i32 to index
            %get3A_327 = arith.constant 64 : index
            %get3A_328 = tpu.vector_load %arg16[%get3A_326, %get3A_327] {strides = array<i32>} : memref<24x96xi32, #tpu.memory_space<vmem>>, vector<16xi32>,
            tpu.vector_store_idx %arg21[%get3A_328], %broadcast_in_dim3A_74 {add = true} : memref<20016xf32, #tpu.memory_space<vmem>>[vector<16xi32>], vector<16xf32>,
            %get3A_329 = arith.index_cast %sub3A_296 : i32 to index
            %get3A_330 = arith.constant 80 : index
            %get3A_331 = tpu.vector_load %arg16[%get3A_329, %get3A_330] {strides = array<i32>} : memref<24x96xi32, #tpu.memory_space<vmem>>, vector<16xi32>,
            tpu.vector_store_idx %arg21[%get3A_331], %broadcast_in_dim3A_74 {add = true} : memref<20016xf32, #tpu.memory_space<vmem>>[vector<16xi32>], vector<16xf32>,
          } else {
          }
        } else {
        }
      }
      %scan3A_131 = arith.constant 6 : i32
      %dma_wait3A_132 = arith.constant 0 : i32
      %dma_wait3A_133 = arith.constant 0 : i32
      %dma_wait3A_134 = tpu.memref_slice %arg15[%dma_wait3A_132, %dma_wait3A_133] : memref<24x96xi32, #tpu.memory_space<vmem>> -> memref<1x96xi32, #tpu.memory_space<vmem>>
      %dma_wait3A_135 = tpu.memref_squeeze %dma_wait3A_134 : memref<1x96xi32, #tpu.memory_space<vmem>> -> memref<96xi32, #tpu.memory_space<vmem>>
      %dma_wait3A_136 = arith.constant 0 : i32
      %dma_wait3A_137 = arith.constant 0 : i32
      %dma_wait3A_138 = tpu.memref_slice %arg2[%dma_wait3A_136, %dma_wait3A_137] : memref<100000x64xf32, #tpu.memory_space<hbm>> -> memref<100000x64xf32, #tpu.memory_space<hbm>>
      tpu.wait_indirect_dma semaphore(%arg24 : memref<!tpu.dma_semaphore, #tpu.memory_space<semaphore_mem>>) src(%dma_wait3A_138 : memref<100000x64xf32, #tpu.memory_space<hbm>>) dst(%arg18 : memref<96x64xf32, #tpu.memory_space<vmem>>)
      %dma_start3A = arith.constant 21 : i32
      %dma_start3A_139 = arith.constant 0 : i32
      %dma_start3A_140 = tpu.memref_slice %arg16[%dma_start3A, %dma_start3A_139] : memref<24x96xi32, #tpu.memory_space<vmem>> -> memref<1x96xi32, #tpu.memory_space<vmem>>
      %dma_start3A_141 = tpu.memref_squeeze %dma_start3A_140 : memref<1x96xi32, #tpu.memory_space<vmem>> -> memref<96xi32, #tpu.memory_space<vmem>>
      %dma_start3A_142 = arith.constant 0 : i32
      %dma_start3A_143 = arith.constant 0 : i32
      %dma_start3A_144 = tpu.memref_slice %arg22[%dma_start3A_142, %dma_start3A_143] : memref<20008x64xf32, #tpu.memory_space<vmem_shared>> -> memref<20008x64xf32, #tpu.memory_space<vmem_shared>>
      tpu.enqueue_indirect_dma source(%arg18 : memref<96x64xf32, #tpu.memory_space<vmem>>) target(%dma_start3A_144 : memref<20008x64xf32, #tpu.memory_space<vmem_shared>>) offsets(%dma_start3A_141 : memref<96xi32, #tpu.memory_space<vmem>>) semaphore(%arg28 : memref<!tpu.dma_semaphore, #tpu.memory_space<semaphore_mem>>) {add = true}
      %eq3A_145 = arith.constant 1 : i32
      %eq3A_146 = arith.cmpi eq, %arg0, %eq3A_145 : i32
      %convert_element_type3A_147 = arith.extui %eq3A_146 : i1 to i32
      %cond3A_148 = arith.constant 0 : i32
      %cond3A_149 = arith.cmpi ne, %convert_element_type3A_147, %cond3A_148 : i32
      scf.if %cond3A_149 {
        %get3A = arith.constant 21 : i32
        %get3A_188 = arith.index_cast %get3A : i32 to index
        %get3A_189 = arith.constant 0 : index
        %get3A_190 = tpu.vector_load %arg16[%get3A_188, %get3A_189] {strides = array<i32>} : memref<24x96xi32, #tpu.memory_space<vmem>>, vector<16xi32>,
        tpu.vector_store_idx %arg21[%get3A_190], %broadcast_in_dim3A_74 {add = true} : memref<20016xf32, #tpu.memory_space<vmem>>[vector<16xi32>], vector<16xf32>,
        %get3A_191 = arith.constant 21 : i32
        %get3A_192 = arith.index_cast %get3A_191 : i32 to index
        %get3A_193 = arith.constant 16 : index
        %get3A_194 = tpu.vector_load %arg16[%get3A_192, %get3A_193] {strides = array<i32>} : memref<24x96xi32, #tpu.memory_space<vmem>>, vector<16xi32>,
        tpu.vector_store_idx %arg21[%get3A_194], %broadcast_in_dim3A_74 {add = true} : memref<20016xf32, #tpu.memory_space<vmem>>[vector<16xi32>], vector<16xf32>,
        %get3A_195 = arith.constant 21 : i32
        %get3A_196 = arith.index_cast %get3A_195 : i32 to index
        %get3A_197 = arith.constant 32 : index
        %get3A_198 = tpu.vector_load %arg16[%get3A_196, %get3A_197] {strides = array<i32>} : memref<24x96xi32, #tpu.memory_space<vmem>>, vector<16xi32>,
        tpu.vector_store_idx %arg21[%get3A_198], %broadcast_in_dim3A_74 {add = true} : memref<20016xf32, #tpu.memory_space<vmem>>[vector<16xi32>], vector<16xf32>,
        %get3A_199 = arith.constant 21 : i32
        %get3A_200 = arith.index_cast %get3A_199 : i32 to index
        %get3A_201 = arith.constant 48 : index
        %get3A_202 = tpu.vector_load %arg16[%get3A_200, %get3A_201] {strides = array<i32>} : memref<24x96xi32, #tpu.memory_space<vmem>>, vector<16xi32>,
        tpu.vector_store_idx %arg21[%get3A_202], %broadcast_in_dim3A_74 {add = true} : memref<20016xf32, #tpu.memory_space<vmem>>[vector<16xi32>], vector<16xf32>,
        %get3A_203 = arith.constant 21 : i32
        %get3A_204 = arith.index_cast %get3A_203 : i32 to index
        %get3A_205 = arith.constant 64 : index
        %get3A_206 = tpu.vector_load %arg16[%get3A_204, %get3A_205] {strides = array<i32>} : memref<24x96xi32, #tpu.memory_space<vmem>>, vector<16xi32>,
        tpu.vector_store_idx %arg21[%get3A_206], %broadcast_in_dim3A_74 {add = true} : memref<20016xf32, #tpu.memory_space<vmem>>[vector<16xi32>], vector<16xf32>,
        %get3A_207 = arith.constant 21 : i32
        %get3A_208 = arith.index_cast %get3A_207 : i32 to index
        %get3A_209 = arith.constant 80 : index
        %get3A_210 = tpu.vector_load %arg16[%get3A_208, %get3A_209] {strides = array<i32>} : memref<24x96xi32, #tpu.memory_space<vmem>>, vector<16xi32>,
        tpu.vector_store_idx %arg21[%get3A_210], %broadcast_in_dim3A_74 {add = true} : memref<20016xf32, #tpu.memory_space<vmem>>[vector<16xi32>], vector<16xf32>,
      } else {
      }
      %dma_wait3A_150 = arith.constant 0 : i32
      %dma_wait3A_151 = arith.constant 0 : i32
      %dma_wait3A_152 = tpu.memref_slice %arg15[%dma_wait3A_150, %dma_wait3A_151] : memref<24x96xi32, #tpu.memory_space<vmem>> -> memref<1x96xi32, #tpu.memory_space<vmem>>
      %dma_wait3A_153 = tpu.memref_squeeze %dma_wait3A_152 : memref<1x96xi32, #tpu.memory_space<vmem>> -> memref<96xi32, #tpu.memory_space<vmem>>
      %dma_wait3A_154 = arith.constant 0 : i32
      %dma_wait3A_155 = arith.constant 0 : i32
      %dma_wait3A_156 = tpu.memref_slice %arg2[%dma_wait3A_154, %dma_wait3A_155] : memref<100000x64xf32, #tpu.memory_space<hbm>> -> memref<100000x64xf32, #tpu.memory_space<hbm>>
      tpu.wait_indirect_dma semaphore(%arg25 : memref<!tpu.dma_semaphore, #tpu.memory_space<semaphore_mem>>) src(%dma_wait3A_156 : memref<100000x64xf32, #tpu.memory_space<hbm>>) dst(%arg19 : memref<96x64xf32, #tpu.memory_space<vmem>>)
      %dma_start3A_157 = arith.constant 22 : i32
      %dma_start3A_158 = arith.constant 0 : i32
      %dma_start3A_159 = tpu.memref_slice %arg16[%dma_start3A_157, %dma_start3A_158] : memref<24x96xi32, #tpu.memory_space<vmem>> -> memref<1x96xi32, #tpu.memory_space<vmem>>
      %dma_start3A_160 = tpu.memref_squeeze %dma_start3A_159 : memref<1x96xi32, #tpu.memory_space<vmem>> -> memref<96xi32, #tpu.memory_space<vmem>>
      %dma_start3A_161 = arith.constant 0 : i32
      %dma_start3A_162 = arith.constant 0 : i32
      %dma_start3A_163 = tpu.memref_slice %arg22[%dma_start3A_161, %dma_start3A_162] : memref<20008x64xf32, #tpu.memory_space<vmem_shared>> -> memref<20008x64xf32, #tpu.memory_space<vmem_shared>>
      tpu.enqueue_indirect_dma source(%arg19 : memref<96x64xf32, #tpu.memory_space<vmem>>) target(%dma_start3A_163 : memref<20008x64xf32, #tpu.memory_space<vmem_shared>>) offsets(%dma_start3A_160 : memref<96xi32, #tpu.memory_space<vmem>>) semaphore(%arg29 : memref<!tpu.dma_semaphore, #tpu.memory_space<semaphore_mem>>) {add = true}
      %eq3A_164 = arith.constant 1 : i32
      %eq3A_165 = arith.cmpi eq, %arg0, %eq3A_164 : i32
      %convert_element_type3A_166 = arith.extui %eq3A_165 : i1 to i32
      %cond3A_167 = arith.constant 0 : i32
      %cond3A_168 = arith.cmpi ne, %convert_element_type3A_166, %cond3A_167 : i32
      scf.if %cond3A_168 {
        %get3A = arith.constant 22 : i32
        %get3A_188 = arith.index_cast %get3A : i32 to index
        %get3A_189 = arith.constant 0 : index
        %get3A_190 = tpu.vector_load %arg16[%get3A_188, %get3A_189] {strides = array<i32>} : memref<24x96xi32, #tpu.memory_space<vmem>>, vector<16xi32>,
        tpu.vector_store_idx %arg21[%get3A_190], %broadcast_in_dim3A_74 {add = true} : memref<20016xf32, #tpu.memory_space<vmem>>[vector<16xi32>], vector<16xf32>,
        %get3A_191 = arith.constant 22 : i32
        %get3A_192 = arith.index_cast %get3A_191 : i32 to index
        %get3A_193 = arith.constant 16 : index
        %get3A_194 = tpu.vector_load %arg16[%get3A_192, %get3A_193] {strides = array<i32>} : memref<24x96xi32, #tpu.memory_space<vmem>>, vector<16xi32>,
        tpu.vector_store_idx %arg21[%get3A_194], %broadcast_in_dim3A_74 {add = true} : memref<20016xf32, #tpu.memory_space<vmem>>[vector<16xi32>], vector<16xf32>,
        %get3A_195 = arith.constant 22 : i32
        %get3A_196 = arith.index_cast %get3A_195 : i32 to index
        %get3A_197 = arith.constant 32 : index
        %get3A_198 = tpu.vector_load %arg16[%get3A_196, %get3A_197] {strides = array<i32>} : memref<24x96xi32, #tpu.memory_space<vmem>>, vector<16xi32>,
        tpu.vector_store_idx %arg21[%get3A_198], %broadcast_in_dim3A_74 {add = true} : memref<20016xf32, #tpu.memory_space<vmem>>[vector<16xi32>], vector<16xf32>,
        %get3A_199 = arith.constant 22 : i32
        %get3A_200 = arith.index_cast %get3A_199 : i32 to index
        %get3A_201 = arith.constant 48 : index
        %get3A_202 = tpu.vector_load %arg16[%get3A_200, %get3A_201] {strides = array<i32>} : memref<24x96xi32, #tpu.memory_space<vmem>>, vector<16xi32>,
        tpu.vector_store_idx %arg21[%get3A_202], %broadcast_in_dim3A_74 {add = true} : memref<20016xf32, #tpu.memory_space<vmem>>[vector<16xi32>], vector<16xf32>,
        %get3A_203 = arith.constant 22 : i32
        %get3A_204 = arith.index_cast %get3A_203 : i32 to index
        %get3A_205 = arith.constant 64 : index
        %get3A_206 = tpu.vector_load %arg16[%get3A_204, %get3A_205] {strides = array<i32>} : memref<24x96xi32, #tpu.memory_space<vmem>>, vector<16xi32>,
        tpu.vector_store_idx %arg21[%get3A_206], %broadcast_in_dim3A_74 {add = true} : memref<20016xf32, #tpu.memory_space<vmem>>[vector<16xi32>], vector<16xf32>,
        %get3A_207 = arith.constant 22 : i32
        %get3A_208 = arith.index_cast %get3A_207 : i32 to index
        %get3A_209 = arith.constant 80 : index
        %get3A_210 = tpu.vector_load %arg16[%get3A_208, %get3A_209] {strides = array<i32>} : memref<24x96xi32, #tpu.memory_space<vmem>>, vector<16xi32>,
        tpu.vector_store_idx %arg21[%get3A_210], %broadcast_in_dim3A_74 {add = true} : memref<20016xf32, #tpu.memory_space<vmem>>[vector<16xi32>], vector<16xf32>,
      } else {
      }
      %dma_wait3A_169 = arith.constant 0 : i32
      %dma_wait3A_170 = arith.constant 0 : i32
      %dma_wait3A_171 = tpu.memref_slice %arg15[%dma_wait3A_169, %dma_wait3A_170] : memref<24x96xi32, #tpu.memory_space<vmem>> -> memref<1x96xi32, #tpu.memory_space<vmem>>
      %dma_wait3A_172 = tpu.memref_squeeze %dma_wait3A_171 : memref<1x96xi32, #tpu.memory_space<vmem>> -> memref<96xi32, #tpu.memory_space<vmem>>
      %dma_wait3A_173 = arith.constant 0 : i32
      %dma_wait3A_174 = arith.constant 0 : i32
      %dma_wait3A_175 = tpu.memref_slice %arg2[%dma_wait3A_173, %dma_wait3A_174] : memref<100000x64xf32, #tpu.memory_space<hbm>> -> memref<100000x64xf32, #tpu.memory_space<hbm>>
      tpu.wait_indirect_dma semaphore(%arg26 : memref<!tpu.dma_semaphore, #tpu.memory_space<semaphore_mem>>) src(%dma_wait3A_175 : memref<100000x64xf32, #tpu.memory_space<hbm>>) dst(%arg20 : memref<96x64xf32, #tpu.memory_space<vmem>>)
      %dma_start3A_176 = arith.constant 23 : i32
      %dma_start3A_177 = arith.constant 0 : i32
      %dma_start3A_178 = tpu.memref_slice %arg16[%dma_start3A_176, %dma_start3A_177] : memref<24x96xi32, #tpu.memory_space<vmem>> -> memref<1x96xi32, #tpu.memory_space<vmem>>
      %dma_start3A_179 = tpu.memref_squeeze %dma_start3A_178 : memref<1x96xi32, #tpu.memory_space<vmem>> -> memref<96xi32, #tpu.memory_space<vmem>>
      %dma_start3A_180 = arith.constant 0 : i32
      %dma_start3A_181 = arith.constant 0 : i32
      %dma_start3A_182 = tpu.memref_slice %arg22[%dma_start3A_180, %dma_start3A_181] : memref<20008x64xf32, #tpu.memory_space<vmem_shared>> -> memref<20008x64xf32, #tpu.memory_space<vmem_shared>>
      tpu.enqueue_indirect_dma source(%arg20 : memref<96x64xf32, #tpu.memory_space<vmem>>) target(%dma_start3A_182 : memref<20008x64xf32, #tpu.memory_space<vmem_shared>>) offsets(%dma_start3A_179 : memref<96xi32, #tpu.memory_space<vmem>>) semaphore(%arg30 : memref<!tpu.dma_semaphore, #tpu.memory_space<semaphore_mem>>) {add = true}
      %eq3A_183 = arith.constant 1 : i32
      %eq3A_184 = arith.cmpi eq, %arg0, %eq3A_183 : i32
      %convert_element_type3A_185 = arith.extui %eq3A_184 : i1 to i32
      %cond3A_186 = arith.constant 0 : i32
      %cond3A_187 = arith.cmpi ne, %convert_element_type3A_185, %cond3A_186 : i32
      scf.if %cond3A_187 {
        %get3A = arith.constant 23 : i32
        %get3A_188 = arith.index_cast %get3A : i32 to index
        %get3A_189 = arith.constant 0 : index
        %get3A_190 = tpu.vector_load %arg16[%get3A_188, %get3A_189] {strides = array<i32>} : memref<24x96xi32, #tpu.memory_space<vmem>>, vector<16xi32>,
        tpu.vector_store_idx %arg21[%get3A_190], %broadcast_in_dim3A_74 {add = true} : memref<20016xf32, #tpu.memory_space<vmem>>[vector<16xi32>], vector<16xf32>,
        %get3A_191 = arith.constant 23 : i32
        %get3A_192 = arith.index_cast %get3A_191 : i32 to index
        %get3A_193 = arith.constant 16 : index
        %get3A_194 = tpu.vector_load %arg16[%get3A_192, %get3A_193] {strides = array<i32>} : memref<24x96xi32, #tpu.memory_space<vmem>>, vector<16xi32>,
        tpu.vector_store_idx %arg21[%get3A_194], %broadcast_in_dim3A_74 {add = true} : memref<20016xf32, #tpu.memory_space<vmem>>[vector<16xi32>], vector<16xf32>,
        %get3A_195 = arith.constant 23 : i32
        %get3A_196 = arith.index_cast %get3A_195 : i32 to index
        %get3A_197 = arith.constant 32 : index
        %get3A_198 = tpu.vector_load %arg16[%get3A_196, %get3A_197] {strides = array<i32>} : memref<24x96xi32, #tpu.memory_space<vmem>>, vector<16xi32>,
        tpu.vector_store_idx %arg21[%get3A_198], %broadcast_in_dim3A_74 {add = true} : memref<20016xf32, #tpu.memory_space<vmem>>[vector<16xi32>], vector<16xf32>,
        %get3A_199 = arith.constant 23 : i32
        %get3A_200 = arith.index_cast %get3A_199 : i32 to index
        %get3A_201 = arith.constant 48 : index
        %get3A_202 = tpu.vector_load %arg16[%get3A_200, %get3A_201] {strides = array<i32>} : memref<24x96xi32, #tpu.memory_space<vmem>>, vector<16xi32>,
        tpu.vector_store_idx %arg21[%get3A_202], %broadcast_in_dim3A_74 {add = true} : memref<20016xf32, #tpu.memory_space<vmem>>[vector<16xi32>], vector<16xf32>,
        %get3A_203 = arith.constant 23 : i32
        %get3A_204 = arith.index_cast %get3A_203 : i32 to index
        %get3A_205 = arith.constant 64 : index
        %get3A_206 = tpu.vector_load %arg16[%get3A_204, %get3A_205] {strides = array<i32>} : memref<24x96xi32, #tpu.memory_space<vmem>>, vector<16xi32>,
        tpu.vector_store_idx %arg21[%get3A_206], %broadcast_in_dim3A_74 {add = true} : memref<20016xf32, #tpu.memory_space<vmem>>[vector<16xi32>], vector<16xf32>,
        %get3A_207 = arith.constant 23 : i32
        %get3A_208 = arith.index_cast %get3A_207 : i32 to index
        %get3A_209 = arith.constant 80 : index
        %get3A_210 = tpu.vector_load %arg16[%get3A_208, %get3A_209] {strides = array<i32>} : memref<24x96xi32, #tpu.memory_space<vmem>>, vector<16xi32>,
        tpu.vector_store_idx %arg21[%get3A_210], %broadcast_in_dim3A_74 {add = true} : memref<20016xf32, #tpu.memory_space<vmem>>[vector<16xi32>], vector<16xf32>,
      } else {
      }
    }
    %scan3A_80 = arith.constant 9 : i32
    %dma_wait3A_81 = arith.constant 0 : i32
    %dma_wait3A_82 = arith.constant 0 : i32
    %dma_wait3A_83 = tpu.memref_slice %arg22[%dma_wait3A_81, %dma_wait3A_82] : memref<20008x64xf32, #tpu.memory_space<vmem_shared>> -> memref<96x64xf32, #tpu.memory_space<vmem_shared>>
    %dma_wait3A_84 = arith.constant 0 : i32
    %dma_wait3A_85 = arith.constant 0 : i32
    %dma_wait3A_86 = tpu.memref_slice %arg22[%dma_wait3A_84, %dma_wait3A_85] : memref<20008x64xf32, #tpu.memory_space<vmem_shared>> -> memref<96x64xf32, #tpu.memory_space<vmem_shared>>
    tpu.wait_dma2 semaphore(%arg27 : memref<!tpu.dma_semaphore, #tpu.memory_space<semaphore_mem>>) src(%arg17 : memref<96x64xf32, #tpu.memory_space<vmem>>) dst(%dma_wait3A_86 : memref<96x64xf32, #tpu.memory_space<vmem_shared>>)
    %dma_wait3A_87 = arith.constant 0 : i32
    %dma_wait3A_88 = arith.constant 0 : i32
    %dma_wait3A_89 = tpu.memref_slice %arg22[%dma_wait3A_87, %dma_wait3A_88] : memref<20008x64xf32, #tpu.memory_space<vmem_shared>> -> memref<96x64xf32, #tpu.memory_space<vmem_shared>>
    %dma_wait3A_90 = arith.constant 0 : i32
    %dma_wait3A_91 = arith.constant 0 : i32
    %dma_wait3A_92 = tpu.memref_slice %arg22[%dma_wait3A_90, %dma_wait3A_91] : memref<20008x64xf32, #tpu.memory_space<vmem_shared>> -> memref<96x64xf32, #tpu.memory_space<vmem_shared>>
    tpu.wait_dma2 semaphore(%arg28 : memref<!tpu.dma_semaphore, #tpu.memory_space<semaphore_mem>>) src(%arg18 : memref<96x64xf32, #tpu.memory_space<vmem>>) dst(%dma_wait3A_92 : memref<96x64xf32, #tpu.memory_space<vmem_shared>>)
    %dma_wait3A_93 = arith.constant 0 : i32
    %dma_wait3A_94 = arith.constant 0 : i32
    %dma_wait3A_95 = tpu.memref_slice %arg22[%dma_wait3A_93, %dma_wait3A_94] : memref<20008x64xf32, #tpu.memory_space<vmem_shared>> -> memref<96x64xf32, #tpu.memory_space<vmem_shared>>
    %dma_wait3A_96 = arith.constant 0 : i32
    %dma_wait3A_97 = arith.constant 0 : i32
    %dma_wait3A_98 = tpu.memref_slice %arg22[%dma_wait3A_96, %dma_wait3A_97] : memref<20008x64xf32, #tpu.memory_space<vmem_shared>> -> memref<96x64xf32, #tpu.memory_space<vmem_shared>>
    tpu.wait_dma2 semaphore(%arg29 : memref<!tpu.dma_semaphore, #tpu.memory_space<semaphore_mem>>) src(%arg19 : memref<96x64xf32, #tpu.memory_space<vmem>>) dst(%dma_wait3A_98 : memref<96x64xf32, #tpu.memory_space<vmem_shared>>)
    %dma_wait3A_99 = arith.constant 0 : i32
    %dma_wait3A_100 = arith.constant 0 : i32
    %dma_wait3A_101 = tpu.memref_slice %arg22[%dma_wait3A_99, %dma_wait3A_100] : memref<20008x64xf32, #tpu.memory_space<vmem_shared>> -> memref<96x64xf32, #tpu.memory_space<vmem_shared>>
    %dma_wait3A_102 = arith.constant 0 : i32
    %dma_wait3A_103 = arith.constant 0 : i32
    %dma_wait3A_104 = tpu.memref_slice %arg22[%dma_wait3A_102, %dma_wait3A_103] : memref<20008x64xf32, #tpu.memory_space<vmem_shared>> -> memref<96x64xf32, #tpu.memory_space<vmem_shared>>
    tpu.wait_dma2 semaphore(%arg30 : memref<!tpu.dma_semaphore, #tpu.memory_space<semaphore_mem>>) src(%arg20 : memref<96x64xf32, #tpu.memory_space<vmem>>) dst(%dma_wait3A_104 : memref<96x64xf32, #tpu.memory_space<vmem_shared>>)
    %eq3A_105 = arith.constant 1 : i32
    %eq3A_106 = arith.cmpi eq, %arg0, %eq3A_105 : i32
    %convert_element_type3A_107 = arith.extui %eq3A_106 : i1 to i32
    %cond3A_108 = arith.constant 0 : i32
    %cond3A_109 = arith.cmpi ne, %convert_element_type3A_107, %cond3A_108 : i32
    scf.if %cond3A_109 {
      %scan3A_121 = arith.constant 0 : i32
      %scan3A_122 = arith.constant 0 : i32
      %scan3A_123 = arith.constant 10 : i32
      %scan3A_124 = arith.addi %scan3A_122, %scan3A_123 : i32
      %scan3A_125 = arith.constant 1 : i32
      scf.for %scan3A_127 = %scan3A_122 to %scan3A_124 step %scan3A_125  : i32 {
        %mul3A_128 = arith.constant 2000 : i32
        %mul3A_129 = arith.muli %scan3A_127, %mul3A_128 : i32
        "tpu.region"() ({
          %run_scoped3A = tpu.sem_alloc : memref<!tpu.dma_semaphore, #tpu.memory_space<semaphore_mem>>
          %dma_start3A = tpu.memref_slice %arg21[%mul3A_129] : memref<20016xf32, #tpu.memory_space<vmem>> -> memref<2000xf32, #tpu.memory_space<vmem>>
          %dma_start3A_130 = tpu.memref_slice %arg14[%arg1, %mul3A_129] : memref<16x20480xf32, #tpu.memory_space<hbm>> -> memref<1x2000xf32, #tpu.memory_space<hbm>>
          %dma_start3A_131 = tpu.memref_squeeze %dma_start3A_130 : memref<1x2000xf32, #tpu.memory_space<hbm>> -> memref<2000xf32, #tpu.memory_space<hbm>>
          %dma_start3A_132 = tpu.memref_slice %arg14[%arg1, %mul3A_129] : memref<16x20480xf32, #tpu.memory_space<hbm>> -> memref<1x2000xf32, #tpu.memory_space<hbm>>
          %dma_start3A_133 = tpu.memref_squeeze %dma_start3A_132 : memref<1x2000xf32, #tpu.memory_space<hbm>> -> memref<2000xf32, #tpu.memory_space<hbm>>
          %dma_start3A_134 = tpu.memref_slice %arg21[%mul3A_129] : memref<20016xf32, #tpu.memory_space<vmem>> -> memref<2000xf32, #tpu.memory_space<vmem>>
          tpu.enqueue_dma source(%dma_start3A_134 : memref<2000xf32, #tpu.memory_space<vmem>>) target(%dma_start3A_133 : memref<2000xf32, #tpu.memory_space<hbm>>) target_semaphore(%run_scoped3A : memref<!tpu.dma_semaphore, #tpu.memory_space<semaphore_mem>>)
          %dma_wait3A_135 = tpu.memref_slice %arg21[%mul3A_129] : memref<20016xf32, #tpu.memory_space<vmem>> -> memref<2000xf32, #tpu.memory_space<vmem>>
          %dma_wait3A_136 = tpu.memref_slice %arg14[%arg1, %mul3A_129] : memref<16x20480xf32, #tpu.memory_space<hbm>> -> memref<1x2000xf32, #tpu.memory_space<hbm>>
          %dma_wait3A_137 = tpu.memref_squeeze %dma_wait3A_136 : memref<1x2000xf32, #tpu.memory_space<hbm>> -> memref<2000xf32, #tpu.memory_space<hbm>>
          %dma_wait3A_138 = tpu.memref_slice %arg14[%arg1, %mul3A_129] : memref<16x20480xf32, #tpu.memory_space<hbm>> -> memref<1x2000xf32, #tpu.memory_space<hbm>>
          %dma_wait3A_139 = tpu.memref_squeeze %dma_wait3A_138 : memref<1x2000xf32, #tpu.memory_space<hbm>> -> memref<2000xf32, #tpu.memory_space<hbm>>
          %dma_wait3A_140 = tpu.memref_slice %arg21[%mul3A_129] : memref<20016xf32, #tpu.memory_space<vmem>> -> memref<2000xf32, #tpu.memory_space<vmem>>
          tpu.wait_dma2 semaphore(%run_scoped3A : memref<!tpu.dma_semaphore, #tpu.memory_space<semaphore_mem>>) src(%dma_wait3A_140 : memref<2000xf32, #tpu.memory_space<vmem>>) dst(%dma_wait3A_139 : memref<2000xf32, #tpu.memory_space<hbm>>)
          tpu.yield
        }) : () -> ()
      }
      %scan3A_126 = arith.constant 10 : i32
    } else {
    }
    %barrier3A_110 = arith.constant 0 : index
    tpu.barrier barrier_id(%barrier3A_110)
    %lt3A_111 = arith.constant 15 : i32
    %lt3A_112 = arith.cmpi slt, %arg1, %lt3A_111 : i32
    %convert_element_type3A_113 = arith.extui %lt3A_112 : i1 to i32
    %cond3A_114 = arith.constant 0 : i32
    %cond3A_115 = arith.cmpi ne, %convert_element_type3A_113, %cond3A_114 : i32
    scf.if %cond3A_115 {
      %eq3A_121 = arith.constant 0 : i32
      %eq3A_122 = arith.cmpi eq, %arg0, %eq3A_121 : i32
      %convert_element_type3A_123 = arith.extui %eq3A_122 : i1 to i32
      %cond3A_124 = arith.constant 0 : i32
      %cond3A_125 = arith.cmpi ne, %convert_element_type3A_123, %cond3A_124 : i32
      scf.if %cond3A_125 {
        "tpu.region"() ({
          %run_scoped3A = tpu.sem_alloc : memref<!tpu.dma_semaphore, #tpu.memory_space<semaphore_mem>>
          %dma_start3A = arith.constant 0 : i32
          %dma_start3A_131 = tpu.memref_slice %arg11[%mul3A_0, %dma_start3A] : memref<20480x64xf32, #tpu.memory_space<hbm>> -> memref<1256x64xf32, #tpu.memory_space<hbm>>
          %dma_start3A_132 = arith.constant 0 : i32
          %dma_start3A_133 = tpu.memref_slice %arg22[%mul3A_0, %dma_start3A_132] : memref<20008x64xf32, #tpu.memory_space<vmem_shared>> -> memref<1256x64xf32, #tpu.memory_space<vmem_shared>>
          tpu.enqueue_dma source(%dma_start3A_133 : memref<1256x64xf32, #tpu.memory_space<vmem_shared>>) target(%dma_start3A_131 : memref<1256x64xf32, #tpu.memory_space<hbm>>) target_semaphore(%run_scoped3A : memref<!tpu.dma_semaphore, #tpu.memory_space<semaphore_mem>>)
          %dma_wait3A_134 = arith.constant 0 : i32
          %dma_wait3A_135 = tpu.memref_slice %arg11[%mul3A_0, %dma_wait3A_134] : memref<20480x64xf32, #tpu.memory_space<hbm>> -> memref<1256x64xf32, #tpu.memory_space<hbm>>
          %dma_wait3A_136 = arith.constant 0 : i32
          %dma_wait3A_137 = tpu.memref_slice %arg22[%mul3A_0, %dma_wait3A_136] : memref<20008x64xf32, #tpu.memory_space<vmem_shared>> -> memref<1256x64xf32, #tpu.memory_space<vmem_shared>>
          tpu.wait_dma2 semaphore(%run_scoped3A : memref<!tpu.dma_semaphore, #tpu.memory_space<semaphore_mem>>) src(%dma_wait3A_137 : memref<1256x64xf32, #tpu.memory_space<vmem_shared>>) dst(%dma_wait3A_135 : memref<1256x64xf32, #tpu.memory_space<hbm>>)
          tpu.yield
        }) : () -> ()
      } else {
      }
      %eq3A_126 = arith.constant 1 : i32
      %eq3A_127 = arith.cmpi eq, %arg0, %eq3A_126 : i32
      %convert_element_type3A_128 = arith.extui %eq3A_127 : i1 to i32
      %cond3A_129 = arith.constant 0 : i32
      %cond3A_130 = arith.cmpi ne, %convert_element_type3A_128, %cond3A_129 : i32
      scf.if %cond3A_130 {
        "tpu.region"() ({
          %run_scoped3A = tpu.sem_alloc : memref<!tpu.dma_semaphore, #tpu.memory_space<semaphore_mem>>
          %dma_start3A = arith.constant 0 : i32
          %dma_start3A_131 = tpu.memref_slice %arg12[%mul3A_0, %dma_start3A] : memref<20480x64xf32, #tpu.memory_space<hbm>> -> memref<1256x64xf32, #tpu.memory_space<hbm>>
          %dma_start3A_132 = arith.constant 0 : i32
          %dma_start3A_133 = tpu.memref_slice %arg22[%mul3A_0, %dma_start3A_132] : memref<20008x64xf32, #tpu.memory_space<vmem_shared>> -> memref<1256x64xf32, #tpu.memory_space<vmem_shared>>
          tpu.enqueue_dma source(%dma_start3A_133 : memref<1256x64xf32, #tpu.memory_space<vmem_shared>>) target(%dma_start3A_131 : memref<1256x64xf32, #tpu.memory_space<hbm>>) target_semaphore(%run_scoped3A : memref<!tpu.dma_semaphore, #tpu.memory_space<semaphore_mem>>)
          %dma_wait3A_134 = arith.constant 0 : i32
          %dma_wait3A_135 = tpu.memref_slice %arg12[%mul3A_0, %dma_wait3A_134] : memref<20480x64xf32, #tpu.memory_space<hbm>> -> memref<1256x64xf32, #tpu.memory_space<hbm>>
          %dma_wait3A_136 = arith.constant 0 : i32
          %dma_wait3A_137 = tpu.memref_slice %arg22[%mul3A_0, %dma_wait3A_136] : memref<20008x64xf32, #tpu.memory_space<vmem_shared>> -> memref<1256x64xf32, #tpu.memory_space<vmem_shared>>
          tpu.wait_dma2 semaphore(%run_scoped3A : memref<!tpu.dma_semaphore, #tpu.memory_space<semaphore_mem>>) src(%dma_wait3A_137 : memref<1256x64xf32, #tpu.memory_space<vmem_shared>>) dst(%dma_wait3A_135 : memref<1256x64xf32, #tpu.memory_space<hbm>>)
          tpu.yield
        }) : () -> ()
      } else {
      }
    } else {
    }
    %eq3A_116 = arith.constant 15 : i32
    %eq3A_117 = arith.cmpi eq, %arg1, %eq3A_116 : i32
    %convert_element_type3A_118 = arith.extui %eq3A_117 : i1 to i32
    %cond3A_119 = arith.constant 0 : i32
    %cond3A_120 = arith.cmpi ne, %convert_element_type3A_118, %cond3A_119 : i32
    scf.if %cond3A_120 {
      %eq3A_121 = arith.constant 0 : i32
      %eq3A_122 = arith.cmpi eq, %arg0, %eq3A_121 : i32
      %convert_element_type3A_123 = arith.extui %eq3A_122 : i1 to i32
      %cond3A_124 = arith.constant 0 : i32
      %cond3A_125 = arith.cmpi ne, %convert_element_type3A_123, %cond3A_124 : i32
      scf.if %cond3A_125 {
        "tpu.region"() ({
          %run_scoped3A = tpu.sem_alloc : memref<!tpu.dma_semaphore, #tpu.memory_space<semaphore_mem>>
          %dma_start3A = arith.constant 0 : i32
          %dma_start3A_131 = tpu.memref_slice %arg11[%mul3A_0, %dma_start3A] : memref<20480x64xf32, #tpu.memory_space<hbm>> -> memref<1160x64xf32, #tpu.memory_space<hbm>>
          %dma_start3A_132 = arith.constant 0 : i32
          %dma_start3A_133 = tpu.memref_slice %arg22[%mul3A_0, %dma_start3A_132] : memref<20008x64xf32, #tpu.memory_space<vmem_shared>> -> memref<1160x64xf32, #tpu.memory_space<vmem_shared>>
          tpu.enqueue_dma source(%dma_start3A_133 : memref<1160x64xf32, #tpu.memory_space<vmem_shared>>) target(%dma_start3A_131 : memref<1160x64xf32, #tpu.memory_space<hbm>>) target_semaphore(%run_scoped3A : memref<!tpu.dma_semaphore, #tpu.memory_space<semaphore_mem>>)
          %dma_wait3A_134 = arith.constant 0 : i32
          %dma_wait3A_135 = tpu.memref_slice %arg11[%mul3A_0, %dma_wait3A_134] : memref<20480x64xf32, #tpu.memory_space<hbm>> -> memref<1160x64xf32, #tpu.memory_space<hbm>>
          %dma_wait3A_136 = arith.constant 0 : i32
          %dma_wait3A_137 = tpu.memref_slice %arg22[%mul3A_0, %dma_wait3A_136] : memref<20008x64xf32, #tpu.memory_space<vmem_shared>> -> memref<1160x64xf32, #tpu.memory_space<vmem_shared>>
          tpu.wait_dma2 semaphore(%run_scoped3A : memref<!tpu.dma_semaphore, #tpu.memory_space<semaphore_mem>>) src(%dma_wait3A_137 : memref<1160x64xf32, #tpu.memory_space<vmem_shared>>) dst(%dma_wait3A_135 : memref<1160x64xf32, #tpu.memory_space<hbm>>)
          tpu.yield
        }) : () -> ()
      } else {
      }
      %eq3A_126 = arith.constant 1 : i32
      %eq3A_127 = arith.cmpi eq, %arg0, %eq3A_126 : i32
      %convert_element_type3A_128 = arith.extui %eq3A_127 : i1 to i32
      %cond3A_129 = arith.constant 0 : i32
      %cond3A_130 = arith.cmpi ne, %convert_element_type3A_128, %cond3A_129 : i32
      scf.if %cond3A_130 {
        "tpu.region"() ({
          %run_scoped3A = tpu.sem_alloc : memref<!tpu.dma_semaphore, #tpu.memory_space<semaphore_mem>>
          %dma_start3A = arith.constant 0 : i32
          %dma_start3A_131 = tpu.memref_slice %arg12[%mul3A_0, %dma_start3A] : memref<20480x64xf32, #tpu.memory_space<hbm>> -> memref<1160x64xf32, #tpu.memory_space<hbm>>
          %dma_start3A_132 = arith.constant 0 : i32
          %dma_start3A_133 = tpu.memref_slice %arg22[%mul3A_0, %dma_start3A_132] : memref<20008x64xf32, #tpu.memory_space<vmem_shared>> -> memref<1160x64xf32, #tpu.memory_space<vmem_shared>>
          tpu.enqueue_dma source(%dma_start3A_133 : memref<1160x64xf32, #tpu.memory_space<vmem_shared>>) target(%dma_start3A_131 : memref<1160x64xf32, #tpu.memory_space<hbm>>) target_semaphore(%run_scoped3A : memref<!tpu.dma_semaphore, #tpu.memory_space<semaphore_mem>>)
          %dma_wait3A_134 = arith.constant 0 : i32
          %dma_wait3A_135 = tpu.memref_slice %arg12[%mul3A_0, %dma_wait3A_134] : memref<20480x64xf32, #tpu.memory_space<hbm>> -> memref<1160x64xf32, #tpu.memory_space<hbm>>
          %dma_wait3A_136 = arith.constant 0 : i32
          %dma_wait3A_137 = tpu.memref_slice %arg22[%mul3A_0, %dma_wait3A_136] : memref<20008x64xf32, #tpu.memory_space<vmem_shared>> -> memref<1160x64xf32, #tpu.memory_space<vmem_shared>>
          tpu.wait_dma2 semaphore(%run_scoped3A : memref<!tpu.dma_semaphore, #tpu.memory_space<semaphore_mem>>) src(%dma_wait3A_137 : memref<1160x64xf32, #tpu.memory_space<vmem_shared>>) dst(%dma_wait3A_135 : memref<1160x64xf32, #tpu.memory_space<hbm>>)
          tpu.yield
        }) : () -> ()
      } else {
      }
    } else {
    }
    return
  }
}

module attributes {stable_mosaic.version = 14 : i64} {
  func.func @_tc_body(%arg0: i32, %arg1: memref<1024x64xf32, #tpu.memory_space<vmem>>, %arg2: memref<1024x64xf32, #tpu.memory_space<vmem>>, %arg3: memref<1024x64xf32, #tpu.memory_space<vmem>>, %arg4: memref<1024x64xf32, #tpu.memory_space<vmem>>, %arg5: memref<16x1024xf32, #tpu.memory_space<vmem>>, %arg6: memref<16x1024xf32, #tpu.memory_space<vmem>>, %arg7: memref<128x128xf32, #tpu.memory_space<vmem>>, %arg8: memref<128x128xf32, #tpu.memory_space<vmem>>, %arg9: memref<1x128xf32, #tpu.memory_space<vmem>>, %arg10: memref<128x128xf32, #tpu.memory_space<vmem>>, %arg11: memref<1x128xf32, #tpu.memory_space<vmem>>, %arg12: memref<1024x128xf32, #tpu.memory_space<vmem>>) attributes {dimension_semantics = [#tpu.dimension_semantics<arbitrary>], iteration_bounds = array<i64: 20>, scalar_prefetch = 0 : i64, scratch_operands = 0 : i64, tpu.core_type = #tpu.core_type<tc>, window_params = [{transform_indices = @transform_0, window_bounds = array<i64: 1024, 64>}, {transform_indices = @transform_1, window_bounds = array<i64: 1024, 64>}, {transform_indices = @transform_2, window_bounds = array<i64: 1024, 64>}, {transform_indices = @transform_3, window_bounds = array<i64: 1024, 64>}, {transform_indices = @transform_4, window_bounds = array<i64: 16, 1024>}, {transform_indices = @transform_5, window_bounds = array<i64: 16, 1024>}, {pipeline_mode = #tpu.pipeline_mode<synchronous>, transform_indices = @transform_6, window_bounds = array<i64: 128, 128>}, {pipeline_mode = #tpu.pipeline_mode<synchronous>, transform_indices = @transform_7, window_bounds = array<i64: 128, 128>}, {pipeline_mode = #tpu.pipeline_mode<synchronous>, transform_indices = @transform_8, window_bounds = array<i64: 1, 128>}, {pipeline_mode = #tpu.pipeline_mode<synchronous>, transform_indices = @transform_9, window_bounds = array<i64: 128, 128>}, {pipeline_mode = #tpu.pipeline_mode<synchronous>, transform_indices = @transform_10, window_bounds = array<i64: 1, 128>}, {transform_indices = @transform_11, window_bounds = array<i64: 1024, 128>}]} {
    %broadcast_in_dim3A = arith.constant 1.000000e+00 : f32
    %broadcast_in_dim3A_0 = vector.broadcast %broadcast_in_dim3A : f32 to vector<16x1xf32>
    %get3A = arith.constant 0 : index
    %get3A_1 = arith.constant 0 : index
    %get3A_2 = vector.load %arg5[%get3A, %get3A_1] : memref<16x1024xf32, #tpu.memory_space<vmem>>, vector<16x1024xf32>
    %dot_general3A = arith.constant dense<0.000000e+00> : vector<1024x1xf32>
    %dot_general3A_3 = tpu.matmul %get3A_2, %broadcast_in_dim3A_0, %dot_general3A {dimension_numbers = #tpu.dot_dimension_numbers<[0], [0], [1], [1], [0, 1, 1, 1], [], []>, transpose_lhs_hint = false} : vector<16x1024xf32>, vector<16x1xf32>, vector<1024x1xf32> -> vector<1024x1xf32>
    %get3A_4 = arith.constant 0 : index
    %get3A_5 = arith.constant 0 : index
    %get3A_6 = vector.load %arg6[%get3A_4, %get3A_5] : memref<16x1024xf32, #tpu.memory_space<vmem>>, vector<16x1024xf32>
    %dot_general3A_7 = arith.constant dense<0.000000e+00> : vector<1024x1xf32>
    %dot_general3A_8 = tpu.matmul %get3A_6, %broadcast_in_dim3A_0, %dot_general3A_7 {dimension_numbers = #tpu.dot_dimension_numbers<[0], [0], [1], [1], [0, 1, 1, 1], [], []>, transpose_lhs_hint = false} : vector<16x1024xf32>, vector<16x1xf32>, vector<1024x1xf32> -> vector<1024x1xf32>
    %get3A_9 = arith.constant 0 : index
    %get3A_10 = arith.constant 0 : index
    %get3A_11 = vector.load %arg1[%get3A_9, %get3A_10] : memref<1024x64xf32, #tpu.memory_space<vmem>>, vector<1024x64xf32>
    %get3A_12 = arith.constant 0 : index
    %get3A_13 = arith.constant 0 : index
    %get3A_14 = vector.load %arg2[%get3A_12, %get3A_13] : memref<1024x64xf32, #tpu.memory_space<vmem>>, vector<1024x64xf32>
    %concatenate3A = tpu.concatenate %get3A_11, %get3A_14 in 1 : vector<1024x64xf32>, vector<1024x64xf32> -> vector<1024x128xf32>
    %max3A = arith.constant 1.000000e+00 : f32
    %max3A_15 = vector.broadcast %max3A : f32 to vector<1024x1xf32>
    %max3A_16 = arith.maximumf %dot_general3A_3, %max3A_15 : vector<1024x1xf32>
    %div3A = vector.broadcast %max3A_16 : vector<1024x1xf32> to vector<1024x128xf32>
    %div3A_17 = arith.divf %concatenate3A, %div3A : vector<1024x128xf32>
    %get3A_18 = arith.constant 0 : index
    %get3A_19 = arith.constant 0 : index
    %get3A_20 = vector.load %arg3[%get3A_18, %get3A_19] : memref<1024x64xf32, #tpu.memory_space<vmem>>, vector<1024x64xf32>
    %get3A_21 = arith.constant 0 : index
    %get3A_22 = arith.constant 0 : index
    %get3A_23 = vector.load %arg4[%get3A_21, %get3A_22] : memref<1024x64xf32, #tpu.memory_space<vmem>>, vector<1024x64xf32>
    %concatenate3A_24 = tpu.concatenate %get3A_20, %get3A_23 in 1 : vector<1024x64xf32>, vector<1024x64xf32> -> vector<1024x128xf32>
    %max3A_25 = arith.constant 1.000000e+00 : f32
    %max3A_26 = vector.broadcast %max3A_25 : f32 to vector<1024x1xf32>
    %max3A_27 = arith.maximumf %dot_general3A_8, %max3A_26 : vector<1024x1xf32>
    %div3A_28 = vector.broadcast %max3A_27 : vector<1024x1xf32> to vector<1024x128xf32>
    %div3A_29 = arith.divf %concatenate3A_24, %div3A_28 : vector<1024x128xf32>
    %get3A_30 = arith.constant 0 : index
    %get3A_31 = arith.constant 0 : index
    %get3A_32 = vector.load %arg7[%get3A_30, %get3A_31] : memref<128x128xf32, #tpu.memory_space<vmem>>, vector<128x128xf32>
    %dot_general3A_33 = arith.constant dense<0.000000e+00> : vector<1024x128xf32>
    %dot_general3A_34 = tpu.matmul %div3A_17, %get3A_32, %dot_general3A_33 {dimension_numbers = #tpu.dot_dimension_numbers<[1], [0], [0], [1], [0, 0, 1, 1], [], []>, transpose_lhs_hint = false} : vector<1024x128xf32>, vector<128x128xf32>, vector<1024x128xf32> -> vector<1024x128xf32>
    %get3A_35 = arith.constant 0 : index
    %get3A_36 = arith.constant 0 : index
    %get3A_37 = vector.load %arg8[%get3A_35, %get3A_36] : memref<128x128xf32, #tpu.memory_space<vmem>>, vector<128x128xf32>
    %dot_general3A_38 = arith.constant dense<0.000000e+00> : vector<1024x128xf32>
    %dot_general3A_39 = tpu.matmul %div3A_29, %get3A_37, %dot_general3A_38 {dimension_numbers = #tpu.dot_dimension_numbers<[1], [0], [0], [1], [0, 0, 1, 1], [], []>, transpose_lhs_hint = false} : vector<1024x128xf32>, vector<128x128xf32>, vector<1024x128xf32> -> vector<1024x128xf32>
    %add3A = arith.addf %dot_general3A_34, %dot_general3A_39 : vector<1024x128xf32>
    %get3A_40 = arith.constant 0 : index
    %get3A_41 = arith.constant 0 : index
    %get3A_42 = vector.load %arg9[%get3A_40, %get3A_41] : memref<1x128xf32, #tpu.memory_space<vmem>>, vector<1x128xf32>
    %add3A_43 = vector.broadcast %get3A_42 : vector<1x128xf32> to vector<1024x128xf32>
    %add3A_44 = arith.addf %add3A, %add3A_43 : vector<1024x128xf32>
    %max3A_45 = arith.constant 0.000000e+00 : f32
    %max3A_46 = vector.broadcast %max3A_45 : f32 to vector<1024x128xf32>
    %max3A_47 = arith.maximumf %add3A_44, %max3A_46 : vector<1024x128xf32>
    %get3A_48 = arith.constant 0 : index
    %get3A_49 = arith.constant 0 : index
    %get3A_50 = vector.load %arg10[%get3A_48, %get3A_49] : memref<128x128xf32, #tpu.memory_space<vmem>>, vector<128x128xf32>
    %dot_general3A_51 = arith.constant dense<0.000000e+00> : vector<1024x128xf32>
    %dot_general3A_52 = tpu.matmul %max3A_47, %get3A_50, %dot_general3A_51 {dimension_numbers = #tpu.dot_dimension_numbers<[1], [0], [0], [1], [0, 0, 1, 1], [], []>, transpose_lhs_hint = false} : vector<1024x128xf32>, vector<128x128xf32>, vector<1024x128xf32> -> vector<1024x128xf32>
    %get3A_53 = arith.constant 0 : index
    %get3A_54 = arith.constant 0 : index
    %get3A_55 = vector.load %arg11[%get3A_53, %get3A_54] : memref<1x128xf32, #tpu.memory_space<vmem>>, vector<1x128xf32>
    %add3A_56 = vector.broadcast %get3A_55 : vector<1x128xf32> to vector<1024x128xf32>
    %add3A_57 = arith.addf %dot_general3A_52, %add3A_56 : vector<1024x128xf32>
    %swap3A = arith.constant 0 : index
    %swap3A_58 = arith.constant 0 : index
    %swap3A_59 = vector.load %arg12[%swap3A, %swap3A_58] : memref<1024x128xf32, #tpu.memory_space<vmem>>, vector<1024x128xf32>
    tpu.vector_store %arg12[%swap3A, %swap3A_58], %add3A_57 {strides = array<i32>} : memref<1024x128xf32, #tpu.memory_space<vmem>>, vector<1024x128xf32>,
    return
  }
  func.func @transform_0(%arg0: i32) -> (i32, i32) {
    %c0_i32 = arith.constant 0 : i32
    %c0_i32_0 = arith.constant 0 : i32
    return %arg0, %c0_i32 : i32, i32
  }
  func.func @transform_1(%arg0: i32) -> (i32, i32) {
    %c0_i32 = arith.constant 0 : i32
    %c0_i32_0 = arith.constant 0 : i32
    return %arg0, %c0_i32 : i32, i32
  }
  func.func @transform_2(%arg0: i32) -> (i32, i32) {
    %c0_i32 = arith.constant 0 : i32
    %c0_i32_0 = arith.constant 0 : i32
    return %arg0, %c0_i32 : i32, i32
  }
  func.func @transform_3(%arg0: i32) -> (i32, i32) {
    %c0_i32 = arith.constant 0 : i32
    %c0_i32_0 = arith.constant 0 : i32
    return %arg0, %c0_i32 : i32, i32
  }
  func.func @transform_4(%arg0: i32) -> (i32, i32) {
    %c0_i32 = arith.constant 0 : i32
    %c0_i32_0 = arith.constant 0 : i32
    return %c0_i32, %arg0 : i32, i32
  }
  func.func @transform_5(%arg0: i32) -> (i32, i32) {
    %c0_i32 = arith.constant 0 : i32
    %c0_i32_0 = arith.constant 0 : i32
    return %c0_i32, %arg0 : i32, i32
  }
  func.func @transform_6(%arg0: i32) -> (i32, i32) {
    %c0_i32 = arith.constant 0 : i32
    %c0_i32_0 = arith.constant 0 : i32
    %c0_i32_1 = arith.constant 0 : i32
    return %c0_i32, %c0_i32_0 : i32, i32
  }
  func.func @transform_7(%arg0: i32) -> (i32, i32) {
    %c0_i32 = arith.constant 0 : i32
    %c0_i32_0 = arith.constant 0 : i32
    %c0_i32_1 = arith.constant 0 : i32
    return %c0_i32, %c0_i32_0 : i32, i32
  }
  func.func @transform_8(%arg0: i32) -> (i32, i32) {
    %c0_i32 = arith.constant 0 : i32
    %c0_i32_0 = arith.constant 0 : i32
    %c0_i32_1 = arith.constant 0 : i32
    return %c0_i32, %c0_i32_0 : i32, i32
  }
  func.func @transform_9(%arg0: i32) -> (i32, i32) {
    %c0_i32 = arith.constant 0 : i32
    %c0_i32_0 = arith.constant 0 : i32
    %c0_i32_1 = arith.constant 0 : i32
    return %c0_i32, %c0_i32_0 : i32, i32
  }
  func.func @transform_10(%arg0: i32) -> (i32, i32) {
    %c0_i32 = arith.constant 0 : i32
    %c0_i32_0 = arith.constant 0 : i32
    %c0_i32_1 = arith.constant 0 : i32
    return %c0_i32, %c0_i32_0 : i32, i32
  }
  func.func @transform_11(%arg0: i32) -> (i32, i32) {
    %c0_i32 = arith.constant 0 : i32
    %c0_i32_0 = arith.constant 0 : i32
    return %arg0, %c0_i32 : i32, i32
  }
}

</mosaic_0001>

<sc_bundles>
// kernel: kernel.4.cloned.1.call-start
scs
__scs_entry_jumppad:
0x0: {  	(pc) =	sbr.rel $0x88, $3  }
0x1: {  	(tag) =	ssettag $0x0;
	lr =	simm.s32 $0x1  }
0x2: {  	[smem:$0x3F98] =	sst lr;
	_ =	strace $0xD0000000  }
0x3: {  	_ = 	snop  }
0x4: {  	_ = 	snop  }
0x5: {  	_ = 	snop  }
0x6: {  	_ = 	snop  }
0x7: {  	_ = 	snop  }
__scs_overlays_trampoline_lowered:
0x8: {  	[smem:$0x3FA7] =	sst s0  }
0x9: {  	[smem:$0x3FA8] =	sst s1  }
0xa: {  	[smem:$0x3FA9] =	sst s2  }
0xb: {  	[smem:$0x3FAA] =	sst s3  }
0xc: {  	[smem:$0x3FAB] =	sst s4  }
0xd: {  	[smem:$0x3FAC] =	sst s5  }
0xe: {  	[smem:$0x3FAD] =	sst s6  }
0xf: {  	[smem:$0x3FAE] =	sst s7  }
0x10: {  	[smem:$0x3FAF] =	sst s8  }
0x11: {  	[smem:$0x3FB0] =	sst s9;
	s0 =	simm.s32 @!p0 $0x0  }
0x12: {  	s1 =	sld [smem:$0x3F96];
	s0 =	simm.s32 @p0 $0x1  }
0x13: {  	[smem:$0x3FB1] =	sst s0;
	s0 =	simm.s32 @!p1 $0x0  }
0x14: {  	s2 =	sld [smem:$0x3F95];
	s0 =	simm.s32 @p1 $0x1  }
0x15: {  	[smem:$0x3FB2] =	sst s0;
	s0 =	simm.s32 @!p2 $0x0  }
0x16: {  	s3 =	sld [smem:$0x3FDB];
	s0 =	simm.s32 @p2 $0x1  }
0x17: {  	s4 =	simm.s32 $0x1BF5;
	[smem:$0x3FB4] =	sst s0  }
0x18: {  	s0 =	sld [smem:$0x3F97];
	_ =	swait.ge [sflag:s4], $0x0  }
0x19: {  	s7 =	sld [smem:$0x3F98]  }
0x1a: {  	s8 =	sadd.s32 $0xFFFFE003, lr  }
0x1b: {  	s9 =	sadd.s32 $0xFFFFFEF7, lr;
	s5 =	simm.s32 $0xFFFFFFFF;
	p2 =	slt.u32 s8, $0xFFFFF086  }
0x1c: {  	p1 =	slt.u32 s9, $0xF7A;
	s5 =	simm.s32 @!p2 $0x0  }
0x1d: {  	s5 =	simm.s32 @p1 $0x1;
	p0 =	seq.s32 s7, s2  }
0x1e: {  	s7 =	smul.u32 @!p0 $0xF7A, s2;
	p2 =	seq.s32 @!p0 s5, $0x0  }
0x1f: {  	s9 =	smul.u32 $0xF7A, s1;
	s8 =	simm.s32 @!p0 $0x1BF5;
	p2 =	por !p2, p0  }
0x20: {  	[sflag:s8] =	ssyncset.s32 @!p0 $0xFFFFF086;
	s6 =	sadd.s32 @!p0 s3, s7;
	s7 =	simm.s32 @!p0 $0x108  }
0x21: {  	s3 =	sadd.s32 s3, s9;
	s6 =	sadd.s32 @!p0 $0x88, s6;
	s7 =	simm.s32 @p2 $0x1082  }
0x22: {  	[simem:s7], [sflag:s8] =	dma.local @!p0 [hbm:s6], $0xF7A  }
0x23: {  	s9 =	sor.u32 $0xD0000000, s2;
	s6 =	simm.s32 $0x108;
	_ =	swait.ge @!p0 [sflag:s8], $0x0  }
0x24: {  	s3 =	sadd.s32 $0x88, s3;
	s6 =	simm.s32 @!p1 $0x1082;
	[sflag:s4] =	ssyncset.s32 $0xFFFFF086  }
0x25: {  	[simem:s6], [sflag:s4] =	dma.local [hbm:s3], $0xF7A  }
0x26: {  	[smem:$0x3F98] =	sst s1;
	(tag) =	ssettag s2;
	_ =	strace s9  }
0x27: {  	s1 =	sld [smem:$0x3FA8]  }
0x28: {  	s2 =	sld [smem:$0x3FA9]  }
0x29: {  	s4 =	sld [smem:$0x3FAB]  }
0x2a: {  	p0 =	seq.s32 s5, $0x0;
	s5 =	sld [smem:$0x3FAC]  }
0x2b: {  	s6 =	sld [smem:$0x3FAD]  }
0x2c: {  	s7 =	sld [smem:$0x3FAE]  }
0x2d: {  	s3 =	simm.s32 $0x108;
	s8 =	sld [smem:$0x3FAF]  }
0x2e: {  	s3 =	simm.s32 @!p0 $0x1082;
	s9 =	sld [smem:$0x3FB0]  }
0x2f: {  	lr =	sadd.s32 s0, s3;
	s0 =	sld [smem:$0x3FA7]  }
0x30: {  	s3 =	sld [smem:$0x3FAA]  }
0x31: {  	[smem:$0x3FB3] =	sst s10  }
0x32: {  	s10 =	sld [smem:$0x3FB1];
	_ =	sdelay $0x3  }
0x33: {  	p0 =	seq.s32 s10, $0x1;
	s10 =	sld [smem:$0x3FB3];
	_ =	sdelay $0x3  }
0x34: {  	[smem:$0x3FB3] =	sst s10  }
0x35: {  	s10 =	sld [smem:$0x3FB2];
	_ =	sdelay $0x3  }
0x36: {  	p1 =	seq.s32 s10, $0x1;
	s10 =	sld [smem:$0x3FB3];
	_ =	sdelay $0x3  }
0x37: {  	[smem:$0x3FB3] =	sst s10  }
0x38: {  	s10 =	sld [smem:$0x3FB4]  }
0x39: {  	_ = 	snop;
	(pc) =	sbr.ind lr, $3  }
0x3a: {  	_ = 	snop  }
0x3b: {  	_ = 	snop  }
0x3c: {  	p2 =	seq.s32 s10, $0x1;
	s10 =	sld [smem:$0x3FB3]  }
0x3d: {  	_ =	shalt  }
0x3e: {  	_ =	shalt  }
0x3f: {  	_ =	shalt  }
0x40: {  	_ =	shalt  }
0x41: {  	_ =	shalt  }
0x42: {  	_ =	shalt  }
0x43: {  	_ =	shalt  }
0x44: {  	_ =	shalt  }
0x45: {  	_ =	shalt  }
0x46: {  	_ =	shalt  }
0x47: {  	_ =	shalt  }
0x48: {  	_ =	shalt  }
0x49: {  	_ =	shalt  }
0x4a: {  	_ =	shalt  }
0x4b: {  	_ =	shalt  }
0x4c: {  	_ =	shalt  }
0x4d: {  	_ =	shalt  }
0x4e: {  	_ =	shalt  }
0x4f: {  	_ =	shalt  }
0x50: {  	_ =	shalt  }
0x51: {  	_ =	shalt  }
0x52: {  	_ =	shalt  }
0x53: {  	_ =	shalt  }
0x54: {  	_ =	shalt  }
0x55: {  	_ =	shalt  }
0x56: {  	_ =	shalt  }
0x57: {  	_ =	shalt  }
0x58: {  	_ =	shalt  }
0x59: {  	_ =	shalt  }
0x5a: {  	_ =	shalt  }
0x5b: {  	_ =	shalt  }
0x5c: {  	_ =	shalt  }
0x5d: {  	_ =	shalt  }
0x5e: {  	_ =	shalt  }
0x5f: {  	_ =	shalt  }
0x60: {  	_ =	shalt  }
0x61: {  	_ =	shalt  }
0x62: {  	_ =	shalt  }
0x63: {  	_ =	shalt  }
0x64: {  	_ =	shalt  }
0x65: {  	_ =	shalt  }
0x66: {  	_ =	shalt  }
0x67: {  	_ =	shalt  }
0x68: {  	_ =	shalt  }
0x69: {  	_ =	shalt  }
0x6a: {  	_ =	shalt  }
0x6b: {  	_ =	shalt  }
0x6c: {  	_ =	shalt  }
0x6d: {  	_ =	shalt  }
0x6e: {  	_ =	shalt  }
0x6f: {  	_ =	shalt  }
0x70: {  	_ =	shalt  }
0x71: {  	_ =	shalt  }
0x72: {  	_ =	shalt  }
0x73: {  	_ =	shalt  }
0x74: {  	_ =	shalt  }
0x75: {  	_ =	shalt  }
0x76: {  	_ =	shalt  }
0x77: {  	_ =	shalt  }
0x78: {  	_ =	shalt  }
0x79: {  	_ =	shalt  }
0x7a: {  	_ =	shalt  }
0x7b: {  	_ =	shalt  }
0x7c: {  	_ =	shalt  }
0x7d: {  	_ =	shalt  }
0x7e: {  	_ =	shalt  }
0x7f: {  	_ =	shalt  }
0x80: {  	_ =	shalt  }
0x81: {  	_ =	shalt  }
0x82: {  	_ =	shalt  }
0x83: {  	_ =	shalt  }
0x84: {  	_ =	shalt  }
0x85: {  	_ =	shalt  }
0x86: {  	_ =	shalt  }
0x87: {  	_ =	shalt  }
.Lfunc_end0:
.L_simem_size_0:
called_computation_lowered:
.L_overlay_start_0:
0x88: {  	s2 =	sld [smem:$0x3FD9]  }
0x89: {  	s3 =	sld [smem:$0x3FFE];
	_ =	sdelay $0x1  }
0x8a: {  	s1 =	srdreg.scid  }
0x8b: {  	s0 =	sand.u32 $0x1, s1  }
0x8c: {  	s17 =	sshll.u32 s0, $0xA;
	s2 =	sadd.s32 s3, s2  }
0x8d: {  	s2 =	sadd.s32 s2, s17  }
0x8e: {  	[smem:$0x3FBF] =	sst s2  }
0x8f: {  	_ = 	snop  }
0x90: {  	s2 =	sld [smem:$0x3FD0];
	(tm) =	ssettm $0x1  }
0x91: {  	s18 =	sld [smem:$0x3FFB];
	_ =	sdelay $0x3  }
0x92: {  	_ =	strace s18  }
0x93: {  	s3 =	sld [smem:$0x3FFC];
	_ =	sdelay $0x3  }
0x94: {  	_ =	strace s3  }
0x95: {  	s3 =	sld [smem:$0x3FFD];
	_ =	sdelay $0x3  }
0x96: {  	_ =	strace s3  }
0x97: {  	_ =	strace $0x8FFFFFFF  }
0x98: {  	s19 =	sld [smem:$0x3FDB];
	_ =	sdelay $0x1  }
0x99: {  	s4 =	simm.s32 $_scs_section_size  }
0x9a: {  	s5 =	simm.s32 $_size__tile_overlayer_lowered;
	s6 =	simm.s32 $_tile_overlayer_lowered  }
0x9b: {  	s22 =	simm.s32 $0x1BFF;
	s21 =	sshll.u32 s6, $0x1;
	s3 =	sadd.s32 s4, s19  }
0x9c: {  	s7 =	simm.s32 $0x0;
	s20 =	sshll.u32 s5, $0x1;
	s5 =	sadd.s32 s21, s3  }
0x9d: {  	[timem:s7], [sflag:s22] =	dma.local [hbm:s5], s20  }
0x9e: {  	_ =	swait.ge [sflag:s22], s20  }
0x9f: {  	s4 =	ssub.s32 $0x0, s20;
	[sflag:s22] =	ssyncset.done $0x0  }
0xa0: {  	[sflag:s22] =	ssyncadd.s32 s4;
	_ =	sdelay $0x1  }
0xa1: {  	s23 =	simm.s32 $0x1B8B  }
0xa2: {  	_ =	swait.ge [sflag:s23], $0x1  }
0xa3: {  	[sflag:s23] =	ssyncset.done $0x0  }
0xa4: {  	s25 =	simm.s32 $0x1B8E;
	s24 =	sld [smem:$0x3FFE];
	[sflag:s23] =	ssyncadd.s32 $0xFFFFFFFF  }
0xa5: {  	s26 =	simm.s32 $execute0_lowered;
	[smem:$0x3FD2] =	sst s25  }
0xa6: {  	s5 =	sshll.u32 s26, $0x1;
	_ =	strace $0x80000046;
	[dreg:$0x1] =	wrdreg $0xFFFFFFFF  }
0xa7: {  	s28 =	simm.s32 $_size_execute0_lowered;
	s3 =	sadd.s32 s3, s5;
	[dreg:$0x0] =	wrdreg $0x0  }
0xa8: {  	s5 =	sshll.u32 s28, $0x1;
	[dreg:$0x2] =	wrdreg s3  }
0xa9: {  	[dreg:$0x3] =	wrdreg s5  }
0xaa: {  	[dreg:$0x4] =	wrdreg $0xC0  }
0xab: {  	_ =	task [dreg:s7], $0x5FFFF  }
0xac: {  	[dreg:$0x1] =	wrdreg $0xFFFFFFFF  }
0xad: {  	[dreg:$0x0] =	wrdreg $0x60  }
0xae: {  	[dreg:$0x2] =	wrdreg s24  }
0xaf: {  	[dreg:$0x3] =	wrdreg s2  }
0xb0: {  	[dreg:$0x4] =	wrdreg $0xC0300  }
0xb1: {  	[dreg:$0x5] =	wrdreg $0x9  }
0xb2: {  	_ =	task.clear_ibuf [dreg:s7], $0x6FFFF;
	_ =	strace $0x90000046  }
0xb3: {  	s29 =	simm.s32 $0x9;
	_ =	strace $0x80000048  }
0xb4: {  	_ =	swait.ge [sflag:s29], $0x1  }
0xb5: {  	[sflag:s29] =	ssyncadd.s32 $0xFFFFFFFF  }
0xb6: {  	_ =	strace $0x90000048  }
0xb7: {  	_ =	sfence  }
0xb8: {  	s30 =	sld [smem:$0x0];
	_ =	sdelay $0x2  }
0xb9: {  	s31 =	sshll.u32 s1, $0xD;
	s1 =	sshrl.u32 s1, $0x2  }
0xba: {  	s3 =	sand.u32 $0x4000, s31;
	s1 =	sadd.s32 s1, s30  }
0xbb: {  	s0 =	sor.u32 s3, s0;
	s1 =	sshll.u32 s1, $0x11  }
0xbc: {  	s0 =	sor.u32 s1, s0  }
0xbd: {  	s0 =	sadd.s32 $0x8F2B, s0  }
0xbe: {  	[sflag:s0] =	ssyncadd.remote.s32 $0x1  }
0xbf: {  	_ =	sfence.sel $0xFFFF  }
0xc0: {  	[dreg:$0x0] =	wrdreg $0xFFFFFFFF;
	(pc) =	sbr.abs _section_cstart, $3  }
0xc1: {  	[dreg:$0x1] =	wrdreg $0xFFFFFFFF  }
0xc2: {  	_ =	task.clear_ibuf [dreg:s7], $0x2FFFF;
	_ =	strace $0x9FFFFFFF  }
0xc3: {  	(tm) =	ssettm $0x7FFFFFFF  }
tec
execute0_lowered:
.L_overlay_start_1:
0x0: {  	(tag) =	ssettag $0x1  }
0x1: {  	s15 =	stileid.u32  }
0x2: {  	s0 =	rddreg [dreg:$0x0];
	s4 =	simm.s32 $0x0;
	s3 =	smul.u32 $0x5000, s15  }
0x3: {  	[smem:$0x7FF] =	sst s4  }
0x4: {  	s29 =	sadd.s32 $0x172C00, s0;
	s6 =	sadd.s32 $0x168C00, s0;
	s3 =	sshrl.u32 s3, $0x3  }
0x5: {  	s16 =	sadd.s32 s29, s3;
	s17 =	sor.u32 $0xFA, s3;
	s7 =	sor.u32 $0x1F4, s3  }
0x6: {  	s19 =	sadd.s32 $0x2EE, s3;
	s20 =	sadd.s32 $0x3E8, s3;
	s10 =	sadd.s32 $0x4E2, s3  }
0x7: {  	s22 =	sadd.s32 $0x5DC, s3;
	s23 =	sadd.s32 $0x6D6, s3;
	s13 =	sadd.s32 $0x7D0, s3  }
0x8: {  	s25 =	sadd.s32 $0x8CA, s3;
	s3 =	sadd.s32 s6, s3;
	[dreg:$0x4] =	wrdreg s16  }
0x9: {  	s8 =	sadd.s32 s29, s17;
	[dreg:$0xe] =	wrdreg s3  }
0xa: {  	s18 =	sadd.s32 s29, s7;
	[dreg:$0x5] =	wrdreg s8  }
0xb: {  	s9 =	sadd.s32 s29, s19;
	[dreg:$0x6] =	wrdreg s18  }
0xc: {  	s11 =	sadd.s32 s29, s20;
	[dreg:$0x7] =	wrdreg s9  }
0xd: {  	s21 =	sadd.s32 s29, s10;
	[dreg:$0x8] =	wrdreg s11  }
0xe: {  	s12 =	sadd.s32 s29, s22;
	[dreg:$0x9] =	wrdreg s21  }
0xf: {  	s1 =	srdreg.scid;
	s14 =	sadd.s32 s29, s23;
	[dreg:$0xa] =	wrdreg s12  }
0x10: {  	s30 =	simm.s32 $0x2;
	s24 =	sadd.s32 s29, s13;
	[dreg:$0xb] =	wrdreg s14  }
0x11: {  	s31 =	simm.s32 $0x10E0;
	s4 =	sadd.s32 s29, s25;
	[dreg:$0xc] =	wrdreg s24  }
0x12: {  	s1 =	sand.u32 $0x1, s1;
	s26 =	sadd.s32 s6, s17;
	[dreg:$0xd] =	wrdreg s4  }
0x13: {  	s2 =	ssub.s32 $0x2, s1;
	s28 =	sadd.s32 s6, s7;
	[dreg:$0xf] =	wrdreg s26  }
0x14: {  	s5 =	sshrl.u32 s2, $0x1;
	s29 =	sadd.s32 s6, s19;
	[dreg:$0x10] =	wrdreg s28  }
0x15: {  	s2 =	ssub.s32 s2, s5;
	s5 =	sadd.s32 s6, s10;
	[dreg:$0x11] =	wrdreg s29  }
0x16: {  	p1 =	seq.s32 s15, $0xF;
	s7 =	sadd.s32 s6, s22;
	[dreg:$0x13] =	wrdreg s5  }
0x17: {  	p0 =	seq.s32 s1, $0x0;
	p2 =	sne.s32 s1, $0x0;
	[dreg:$0x14] =	wrdreg s7  }
0x18: {  	s4 =	sadd.s32 s6, s20;
	s12 =	sadd.s32 s6, s25;
	s25 =	rddreg [dreg:$0x2]  }
0x19: {  	s10 =	smul.u32 $0x4E800, s15;
	s9 =	sadd.s32 s6, s23;
	[dreg:$0x12] =	wrdreg s4  }
0x1a: {  	s19 =	sadd.s32 $0xE4200, s0;
	s11 =	sadd.s32 s6, s13;
	[dreg:$0x15] =	wrdreg s9  }
0x1b: {  	s22 =	sadd.s32 $0xDA000, s0;
	s8 =	smul.u32 $0x13A00, s15;
	[dreg:$0x16] =	wrdreg s11  }
0x1c: {  	s21 =	sadd.s32 $0x2600, s0;
	s18 =	sadd.s32 $0xC5C00, s0;
	[dreg:$0x17] =	wrdreg s12  }
0x1d: {  	s20 =	sadd.s32 $0xCFE00, s0;
	_ =	strace $0x80000047;
	[dreg:$0x1d] =	wrdreg s18  }
0x1e: {  	s23 =	sadd.s32 $0xEE400, s0;
	s24 =	sadd.s32 $0x140C00, s0;
	[dreg:$0x1e] =	wrdreg s19  }
0x1f: {  	s26 =	sadd.s32 $0x1158C0, s0;
	s28 =	smax.u32 s2, $0x1;
	[dreg:$0x1f] =	wrdreg s20  }
0x20: {  	s2 =	simm.s32 $0x0;
	s12 =	sadd.s32 $0x30FA00, s0;
	[smem:$0x7F7] =	sst s22  }
0x21: {  	s4 =	sshrl.u32 s10, $0x2;
	s29 =	sadd.s32 $0x126600, s25;
	[smem:$0x7F8] =	sst s23  }
0x22: {  	s9 =	simm.s32 $0x4;
	s10 =	simm.s32 $0x11A0;
	[smem:$0x7F9] =	sst s24  }
0x23: {  	s13 =	sshrl.u32 s8, $0x3;
	s4 =	sadd.s32 s4, s25;
	[smem:$0x7FA] =	sst s26  }
0x24: {  	s3 =	sadd.s32 s8, s25;
	[smem:$0x7FC] =	sst s28;
	s22 =	smov.u32 s12  }
0x25: {  	[smem:$0x7FD] =	sst s29;
	s18 =	simm.s32 $0x1200;
	s19 =	simm.s32 $0x2A00  }
0x26: {  	s20 =	simm.s32 $0x4200;
	s23 =	simm.s32 $0x5A00;
	[dreg:$0x19] =	wrdreg s4  }
.Ltmp0:
0x27: {  	s24 =	simm.s32 $0x1;
	[dreg:$0x18] =	wrdreg s13;
	(pc) =	sbr.rel .LBB2_1-.Ltmp0, $4  }
0x28: {  	s14 =	sadd.s32 s13, s0;
	[dreg:$0x1a] =	wrdreg s3;
	s0 =	sadd.s32 $0x13D8C0, s0  }
0x29: {  	s22 =	smov.u32 @p0 s21;
	s16 =	sadd.s32 $0x118C00, s14;
	[smem:$0x7FB] =	sst s0  }
0x2a: {  	s17 =	sadd.s32 $0xF0C00, s14;
	s14 =	smul.u32 $0xD8, s15;
	[dreg:$0x1b] =	wrdreg s16  }
0x2b: {  	v0 =	vimm.f32 $0.0e+00;
	s15 =	simm.s32 $0x9;
	[dreg:$0x1c] =	wrdreg s17;
	s17 =	simm.s32 $0x60  }
.LBB2_24:
0x2c: {  	[bflag:$0x0] =	sbarrier.arrive $0xFFFF  }
0x2d: {  	s3 =	sld [smem:$0x7FB]  }
0x2e: {  	s4 =	sld [smem:$0x7F5];
	_ =	sdelay $0x1  }
0x2f: {  	s2 =	simm.s32 @p1 $0x1FC9  }
0x30: {  	[hbm:s3], [sflag:s2] =	dma.local @p1 [spmem:s4], $0x2440  }
0x31: {  	s2 =	simm.s32 @p1 $0x9  }
0x32: {  	_ =	swait.ge @p1 [sflag:s2], $0x2440  }
0x33: {  	s3 =	sld [smem:$0x7F6]  }
0x34: {  	[sflag:s2] =	ssyncset.done @p1 $0x0  }
0x35: {  	[sflag:s2] =	ssyncadd.s32 @p1 $0xFFFFDBC0;
	s2 =	rddreg [dreg:$0x1b]  }
0x36: {  	[hbm:s2], [sflag:s3] =	dma.local @!p1 [spmem:s0], $0x2740  }
0x37: {  	s0 =	simm.s32 @!p1 $0x9  }
0x38: {  	_ =	swait.ge @!p1 [sflag:s0], $0x2740  }
0x39: {  	[sflag:s0] =	ssyncset.done @!p1 $0x0  }
0x3a: {  	s2 =	sld [smem:$0x7F4];
	[sflag:s0] =	ssyncadd.s32 @!p1 $0xFFFFD8C0  }
.LBB2_25:
0x3b: {  	s0 =	sld [smem:$0x7FC];
	_ =	sdelay $0x1  }
0x3c: {  	s2 =	sadd.s32 $0x1, s2  }
0x3d: {  	p3 =	sne.s32 s2, s0  }
.Ltmp1:
0x3e: {  	_ = 	snop;
	(pc) =	sbr.rel @!p3 .LBB2_26-.Ltmp1, $1  }
0x3f: {  	_ =	sdelay $0x3  }
.LBB2_1:
0x40: {  	s0 =	sld [smem:$0x7FD];
	_ =	sdelay $0x1  }
0x41: {  	s3 =	sld [smem:$0x7F8]  }
0x42: {  	[smem:$0x7F4] =	sst s2;
	s2 =	sshrl.u32 @p1 s0, $0x3  }
0x43: {  	s0 =	simm.s32 @p1 $0x1FC9;
	[smem:$0x7F5] =	sst s2  }
0x44: {  	[spmem:s2], [sflag:s0] =	dma.local @p1 [hbm:s3], $0x2440  }
0x45: {  	s0 =	simm.s32 @p1 $0x9  }
0x46: {  	s2 =	stileid.u32;
	_ =	swait.ge @p1 [sflag:s0], $0x2440  }
0x47: {  	s2 =	sshll.u32 @!p1 s2, $0x6;
	[sflag:s0] =	ssyncset.done @p1 $0x0  }
0x48: {  	s2 =	sor.u32 @!p1 $0x1C09, s2;
	[sflag:s0] =	ssyncadd.s32 @p1 $0xFFFFDBC0;
	s0 =	rddreg [dreg:$0x19]  }
0x49: {  	[smem:$0x7F6] =	sst s2;
	s0 =	sshrl.u32 @!p1 s0, $0x3  }
0x4a: {  	[spmem:s0], [sflag:s2] =	dma.local @!p1 [hbm:s3], $0x2740  }
0x4b: {  	s0 =	simm.s32 @!p1 $0x9  }
.Ltmp2:
0x4c: {  	_ =	swait.ge @!p1 [sflag:s0], $0x2740;
	(pc) =	sbr.rel @p2 .LBB2_5-.Ltmp2, $3  }
0x4d: {  	[sflag:s0] =	ssyncset.done @!p1 $0x0  }
0x4e: {  	[sflag:s0] =	ssyncadd.s32 @!p1 $0xFFFFD8C0  }
0x4f: {  	[bflag:$0x0] =	sbarrier.arrive $0xFFFF;
	_ =	sdelay $0x1  }
0x50: {  	s0 =	simm.s32 $0x40;
	s2 =	simm.s32 $0x0  }
.LBB2_3:
0x51: {  	p3 =	sne.s32 s0, $0x13880;
	[tilespmem:s2+$0x7200] =	vst v0;
	s2 =	smov.u32 s0;
	s0 =	sadd.s32 $0x40, s0  }
.Ltmp3:
0x52: {  	(pc) =	sbr.rel @p3 .LBB2_3-.Ltmp3, $2  }
0x53: {  	_ =	sdelay $0x2  }
0x54: {  	s2 =	sshra.s32 s2, $0x2  }
0x55: {  	[tilespmem:s2+$0x7200] =	vst v0  }
.LBB2_5:
0x56: {  	s7 =	simm.s32 $0x0;
	s8 =	simm.s32 $0x0;
	s26 =	simm.s32 $0x0  }
.LBB2_6:
0x57: {  	s0 =	smul.u32 $0x18, s26;
	_ =	sdelay $0x1  }
0x58: {  	s2 =	sadd.s32 s14, s0  }
0x59: {  	s2 =	smul.u32 $0xC, s2  }
0x5a: {  	s3 =	rddreg [dreg:$0x1d]  }
0x5b: {  	s3 =	sadd.s32 s3, s2  }
0x5c: {  	[tilespmem:s7], [sflag:$0x9] =	stream.linear.gather [hbm4b:s3+s7], $0x900, $0x38;
	[tilespmem:$0x1F8D0] =	vst v63  }
0x5d: {  	_ =	swait.ge [sflag:s15], $0x900  }
0x5e: {  	[sflag:s15] =	ssyncset.done $0x0;
	s16 =	rddreg [dreg:$0x1e]  }
0x5f: {  	s28 =	simm.s32 $0x900;
	[sflag:s15] =	ssyncadd.s32 $0xFFFFF700;
	s2 =	sadd.s32 s16, s2  }
0x60: {  	[tilespmem:s28], [sflag:$0x9] =	stream.linear.gather [hbm4b:s2+s7], $0x900, $0x38;
	[tilespmem:$0x1F8D0] =	vst v63  }
0x61: {  	_ =	swait.ge [sflag:s15], $0x900  }
0x62: {  	s11 =	simm.s32 $0x0;
	[sflag:s15] =	ssyncset.done $0x0  }
0x63: {  	s13 =	simm.s32 $0x0;
	s29 =	simm.s32 $0x0;
	[sflag:s15] =	ssyncadd.s32 $0xFFFFF700  }
.LBB2_7:
0x64: {  	s2 =	sor.u32 s0, s29  }
0x65: {  	p3 =	seq.s32 s2, $0x0  }
0x66: {  	s2 =	simm.s32 @!p3 $0x5  }
0x67: {  	_ =	swait.ge @!p3 [sflag:s2], $0x1800  }
0x68: {  	p4 =	seq.s32 s13, $0x0;
	[sflag:s2] =	ssyncset.done @!p3 $0x0  }
0x69: {  	s3 =	simm.s32 @!p4 $0x2;
	[sflag:s2] =	ssyncadd.s32 @!p3 $0xFFFFE800;
	s2 =	sshra.s32 s13, $0x2  }
0x6a: {  	[tilespmem:s18], [sflag:$0x1] =	stream.indirect.gather [hbm4b:s22+s17], $0x40, s2, s17, $0xb8;
	[tilespmem:$0x1F8D0] =	vst v63  }
0x6b: {  	_ =	swait.ge @!p4 [sflag:s3], $0x1800  }
0x6c: {  	s4 =	simm.s32 @!p4 $0x60;
	[sflag:s3] =	ssyncset.done @!p4 $0x0  }
0x6d: {  	p3 =	sne.s32 @!p4 s1, $0x0;
	[sflag:s3] =	ssyncadd.s32 @!p4 $0xFFFFE800;
	s3 =	sshra.s32 @!p4 s13, $0x2  }
0x6e: {  	s5 =	simm.s32 @!p4 $0x2A00;
	p3 =	por p3, p4;
	s28 =	sadd.s32 @!p4 $0x7E0, s3  }
0x6f: {  	[spmem:s25] =	stream.indirect.scatter.add.f32 @!p4 [tilespmem:s5], [sflag:$0x6], $0x40, s28, s4, $0xb8;
	[tilespmem:$0x1F8D0] =	vst v63  }
0x70: {  	v1 =	vld @!p3 [tilespmem:s3+$0x7E0];
	_ =	sdelay $0x6  }
0x71: {  	v2 =	vimm.f32 @!p3 $1.000000000e+00;
	s28 =	simm.s32 @!p3 $0x7200  }
0x72: {  	s5 =	sshra.s32 @!p3 s13, $0x2;
	[tilespmem:v1+s28+$0x0] =	vst.idx.add.f32.msk @!p3 $0xffff, v2  }
0x73: {  	v1 =	vld @!p3 [tilespmem:s5+$0x7F0];
	_ =	sdelay $0x7  }
0x74: {  	[tilespmem:v1+s28+$0x0] =	vst.idx.add.f32.msk @!p3 $0xffff, v2  }
0x75: {  	v1 =	vld @!p3 [tilespmem:s5+$0x800];
	_ =	sdelay $0x7  }
0x76: {  	[tilespmem:v1+s28+$0x0] =	vst.idx.add.f32.msk @!p3 $0xffff, v2  }
0x77: {  	v1 =	vld @!p3 [tilespmem:s5+$0x810];
	_ =	sdelay $0x7  }
0x78: {  	[tilespmem:v1+s28+$0x0] =	vst.idx.add.f32.msk @!p3 $0xffff, v2  }
0x79: {  	v1 =	vld @!p3 [tilespmem:s5+$0x820];
	_ =	sdelay $0x7  }
0x7a: {  	[tilespmem:v1+s28+$0x0] =	vst.idx.add.f32.msk @!p3 $0xffff, v2  }
0x7b: {  	v1 =	vld @!p3 [tilespmem:s5+$0x830];
	_ =	sdelay $0x5  }
0x7c: {  	s6 =	sor.u32 s0, s11  }
0x7d: {  	p5 =	seq.s32 s6, $0x0  }
0x7e: {  	s6 =	simm.s32 @!p5 $0x6;
	[tilespmem:v1+s28+$0x0] =	vst.idx.add.f32.msk @!p3 $0xffff, v2  }
0x7f: {  	_ =	swait.ge @!p5 [sflag:s6], $0x1800  }
0x80: {  	[sflag:s6] =	ssyncset.done @!p5 $0x0  }
0x81: {  	s16 =	sadd.s32 $0x60, s2;
	[sflag:s6] =	ssyncadd.s32 @!p5 $0xFFFFE800;
	s6 =	simm.s32 @!p4 $0x3  }
0x82: {  	[tilespmem:s19], [sflag:$0x2] =	stream.indirect.gather [hbm4b:s22+s17], $0x40, s16, s17, $0xb8;
	[tilespmem:$0x1F8D0] =	vst v63  }
0x83: {  	_ =	swait.ge @!p4 [sflag:s6], $0x1800  }
0x84: {  	[sflag:s6] =	ssyncset.done @!p4 $0x0  }
0x85: {  	s16 =	simm.s32 @!p4 $0x4200;
	[sflag:s6] =	ssyncadd.s32 @!p4 $0xFFFFE800;
	s6 =	sadd.s32 @!p4 $0x840, s3  }
0x86: {  	[spmem:s25] =	stream.indirect.scatter.add.f32 @!p4 [tilespmem:s16], [sflag:$0x7], $0x40, s6, s4, $0xb8;
	[tilespmem:$0x1F8D0] =	vst v63  }
0x87: {  	v1 =	vld @!p3 [tilespmem:s3+$0x840];
	_ =	sdelay $0x7  }
0x88: {  	[tilespmem:v1+s28+$0x0] =	vst.idx.add.f32.msk @!p3 $0xffff, v2  }
0x89: {  	v1 =	vld @!p3 [tilespmem:s5+$0x850];
	_ =	sdelay $0x7  }
0x8a: {  	[tilespmem:v1+s28+$0x0] =	vst.idx.add.f32.msk @!p3 $0xffff, v2  }
0x8b: {  	v1 =	vld @!p3 [tilespmem:s5+$0x860];
	_ =	sdelay $0x7  }
0x8c: {  	[tilespmem:v1+s28+$0x0] =	vst.idx.add.f32.msk @!p3 $0xffff, v2  }
0x8d: {  	v1 =	vld @!p3 [tilespmem:s5+$0x870];
	_ =	sdelay $0x7  }
0x8e: {  	[tilespmem:v1+s28+$0x0] =	vst.idx.add.f32.msk @!p3 $0xffff, v2  }
0x8f: {  	v1 =	vld @!p3 [tilespmem:s5+$0x880];
	_ =	sdelay $0x7  }
0x90: {  	[tilespmem:v1+s28+$0x0] =	vst.idx.add.f32.msk @!p3 $0xffff, v2  }
0x91: {  	v1 =	vld @!p3 [tilespmem:s5+$0x890];
	_ =	sdelay $0x7  }
0x92: {  	s6 =	simm.s32 @!p5 $0x7;
	[tilespmem:v1+s28+$0x0] =	vst.idx.add.f32.msk @!p3 $0xffff, v2  }
0x93: {  	_ =	swait.ge @!p5 [sflag:s6], $0x1800  }
0x94: {  	[sflag:s6] =	ssyncset.done @!p5 $0x0  }
0x95: {  	s16 =	sadd.s32 $0xC0, s2;
	[sflag:s6] =	ssyncadd.s32 @!p5 $0xFFFFE800;
	s6 =	simm.s32 @!p4 $0x4  }
0x96: {  	[tilespmem:s20], [sflag:$0x3] =	stream.indirect.gather [hbm4b:s22+s17], $0x40, s16, s17, $0xb8;
	[tilespmem:$0x1F8D0] =	vst v63  }
0x97: {  	_ =	swait.ge @!p4 [sflag:s6], $0x1800  }
0x98: {  	[sflag:s6] =	ssyncset.done @!p4 $0x0  }
0x99: {  	s16 =	simm.s32 @!p4 $0x5A00;
	[sflag:s6] =	ssyncadd.s32 @!p4 $0xFFFFE800;
	s6 =	sadd.s32 @!p4 $0x8A0, s3  }
0x9a: {  	[spmem:s25] =	stream.indirect.scatter.add.f32 @!p4 [tilespmem:s16], [sflag:$0x8], $0x40, s6, s4, $0xb8;
	[tilespmem:$0x1F8D0] =	vst v63  }
0x9b: {  	v1 =	vld @!p3 [tilespmem:s3+$0x8A0];
	_ =	sdelay $0x7  }
0x9c: {  	[tilespmem:v1+s28+$0x0] =	vst.idx.add.f32.msk @!p3 $0xffff, v2  }
0x9d: {  	v1 =	vld @!p3 [tilespmem:s5+$0x8B0];
	_ =	sdelay $0x7  }
0x9e: {  	[tilespmem:v1+s28+$0x0] =	vst.idx.add.f32.msk @!p3 $0xffff, v2  }
0x9f: {  	v1 =	vld @!p3 [tilespmem:s5+$0x8C0];
	_ =	sdelay $0x7  }
0xa0: {  	[tilespmem:v1+s28+$0x0] =	vst.idx.add.f32.msk @!p3 $0xffff, v2  }
0xa1: {  	v1 =	vld @!p3 [tilespmem:s5+$0x8D0];
	_ =	sdelay $0x7  }
0xa2: {  	[tilespmem:v1+s28+$0x0] =	vst.idx.add.f32.msk @!p3 $0xffff, v2  }
0xa3: {  	v1 =	vld @!p3 [tilespmem:s5+$0x8E0];
	_ =	sdelay $0x7  }
0xa4: {  	[tilespmem:v1+s28+$0x0] =	vst.idx.add.f32.msk @!p3 $0xffff, v2  }
0xa5: {  	v1 =	vld @!p3 [tilespmem:s5+$0x8F0];
	_ =	sdelay $0x6  }
0xa6: {  	p4 =	seq.s32 s8, s13  }
0xa7: {  	s3 =	simm.s32 @!p4 $0x8;
	[tilespmem:v1+s28+$0x0] =	vst.idx.add.f32.msk @!p3 $0xffff, v2  }
0xa8: {  	_ =	swait.ge @!p4 [sflag:s3], $0x1800  }
0xa9: {  	[sflag:s3] =	ssyncset.done @!p4 $0x0  }
0xaa: {  	s28 =	sadd.s32 $0x120, s2;
	[sflag:s3] =	ssyncadd.s32 @!p4 $0xFFFFE800  }
0xab: {  	[tilespmem:s23], [sflag:$0x4] =	stream.indirect.gather [hbm4b:s22+s17], $0x40, s28, s17, $0xb8;
	[tilespmem:$0x1F8D0] =	vst v63  }
0xac: {  	_ =	swait.ge [sflag:s24], $0x1800  }
0xad: {  	[sflag:s24] =	ssyncset.done $0x0  }
0xae: {  	s2 =	sadd.s32 $0x900, s2;
	s3 =	sshra.s32 @!p2 s13, $0x2;
	[sflag:s24] =	ssyncadd.s32 $0xFFFFE800  }
0xaf: {  	[spmem:s25] =	stream.indirect.scatter.add.f32 [tilespmem:s18], [sflag:$0x5], $0x40, s2, s17, $0xb8;
	[tilespmem:$0x1F8D0] =	vst v63  }
0xb0: {  	v2 =	vld @!p2 [tilespmem:s3+$0x900];
	_ =	sdelay $0x6  }
0xb1: {  	v1 =	vimm.f32 @!p2 $1.000000000e+00;
	s2 =	simm.s32 @!p2 $0x7200  }
0xb2: {  	[tilespmem:v2+s2+$0x0] =	vst.idx.add.f32.msk @!p2 $0xffff, v1  }
0xb3: {  	v2 =	vld @!p2 [tilespmem:s3+$0x910];
	_ =	sdelay $0x7  }
0xb4: {  	[tilespmem:v2+s2+$0x0] =	vst.idx.add.f32.msk @!p2 $0xffff, v1  }
0xb5: {  	v2 =	vld @!p2 [tilespmem:s3+$0x920];
	_ =	sdelay $0x7  }
0xb6: {  	[tilespmem:v2+s2+$0x0] =	vst.idx.add.f32.msk @!p2 $0xffff, v1  }
0xb7: {  	v2 =	vld @!p2 [tilespmem:s3+$0x930];
	_ =	sdelay $0x7  }
0xb8: {  	[tilespmem:v2+s2+$0x0] =	vst.idx.add.f32.msk @!p2 $0xffff, v1  }
0xb9: {  	v2 =	vld @!p2 [tilespmem:s3+$0x940];
	_ =	sdelay $0x7  }
0xba: {  	[tilespmem:v2+s2+$0x0] =	vst.idx.add.f32.msk @!p2 $0xffff, v1  }
0xbb: {  	v2 =	vld @!p2 [tilespmem:s3+$0x950];
	_ =	sdelay $0x1  }
0xbc: {  	s13 =	sadd.s32 $0x600, s13  }
0xbd: {  	p3 =	sne.s32 s13, $0x2400  }
.Ltmp4:
0xbe: {  	_ = 	snop;
	(pc) =	sbr.rel @p3 .LBB2_7-.Ltmp4, $2  }
0xbf: {  	_ =	sdelay $0x2  }
0xc0: {  	s29 =	sadd.s32 $0x1, s29;
	s11 =	sadd.s32 $0x4, s11;
	[tilespmem:v2+s2+$0x0] =	vst.idx.add.f32.msk @!p2 $0xffff, v1  }
0xc1: {  	_ =	swait.ge [sflag:s30], $0x1800  }
0xc2: {  	[sflag:s30] =	ssyncset.done $0x0  }
0xc3: {  	s0 =	simm.s32 @p2 $0x3;
	[sflag:s30] =	ssyncadd.s32 $0xFFFFE800  }
0xc4: {  	[spmem:s25] =	stream.indirect.scatter.add.f32 [tilespmem:s19], [sflag:$0x6], $0x40, s31, s17, $0xb8;
	[tilespmem:$0x1F8D0] =	vst v63  }
0xc5: {  	_ =	swait.ge @p2 [sflag:s0], $0x1800  }
0xc6: {  	s3 =	simm.s32 @p2 $0x1140;
	[sflag:s0] =	ssyncset.done @p2 $0x0  }
0xc7: {  	s4 =	simm.s32 @p2 $0x4200;
	[sflag:s0] =	ssyncadd.s32 @p2 $0xFFFFE800;
	s0 =	simm.s32 @p2 $0x60  }
0xc8: {  	[spmem:s25] =	stream.indirect.scatter.add.f32 @p2 [tilespmem:s4], [sflag:$0x7], $0x40, s3, s0, $0xb8;
	[tilespmem:$0x1F8D0] =	vst v63  }
0xc9: {  	v2 =	vld @!p2 [tilespmem:$0x10E0];
	_ =	sdelay $0x7  }
0xca: {  	[tilespmem:v2+s2+$0x0] =	vst.idx.add.f32.msk @!p2 $0xffff, v1  }
0xcb: {  	v2 =	vld @!p2 [tilespmem:$0x10F0];
	_ =	sdelay $0x7  }
0xcc: {  	[tilespmem:v2+s2+$0x0] =	vst.idx.add.f32.msk @!p2 $0xffff, v1  }
0xcd: {  	v2 =	vld @!p2 [tilespmem:$0x1100];
	_ =	sdelay $0x7  }
0xce: {  	[tilespmem:v2+s2+$0x0] =	vst.idx.add.f32.msk @!p2 $0xffff, v1  }
0xcf: {  	v2 =	vld @!p2 [tilespmem:$0x1110];
	_ =	sdelay $0x7  }
0xd0: {  	[tilespmem:v2+s2+$0x0] =	vst.idx.add.f32.msk @!p2 $0xffff, v1  }
0xd1: {  	v2 =	vld @!p2 [tilespmem:$0x1120];
	_ =	sdelay $0x7  }
0xd2: {  	[tilespmem:v2+s2+$0x0] =	vst.idx.add.f32.msk @!p2 $0xffff, v1  }
0xd3: {  	v2 =	vld @!p2 [tilespmem:$0x1130];
	_ =	sdelay $0x7  }
0xd4: {  	s0 =	simm.s32 @!p2 $0x3;
	[tilespmem:v2+s2+$0x0] =	vst.idx.add.f32.msk @!p2 $0xffff, v1  }
0xd5: {  	_ =	swait.ge @!p2 [sflag:s0], $0x1800  }
0xd6: {  	s3 =	simm.s32 @!p2 $0x1140;
	[sflag:s0] =	ssyncset.done @!p2 $0x0  }
0xd7: {  	s4 =	simm.s32 @!p2 $0x4200;
	[sflag:s0] =	ssyncadd.s32 @!p2 $0xFFFFE800;
	s0 =	simm.s32 @!p2 $0x60  }
0xd8: {  	[spmem:s25] =	stream.indirect.scatter.add.f32 @!p2 [tilespmem:s4], [sflag:$0x7], $0x40, s3, s0, $0xb8;
	[tilespmem:$0x1F8D0] =	vst v63  }
0xd9: {  	v2 =	vld @!p2 [tilespmem:$0x1140];
	_ =	sdelay $0x7  }
0xda: {  	[tilespmem:v2+s2+$0x0] =	vst.idx.add.f32.msk @!p2 $0xffff, v1  }
0xdb: {  	v2 =	vld @!p2 [tilespmem:$0x1150];
	_ =	sdelay $0x7  }
0xdc: {  	[tilespmem:v2+s2+$0x0] =	vst.idx.add.f32.msk @!p2 $0xffff, v1  }
0xdd: {  	v2 =	vld @!p2 [tilespmem:$0x1160];
	_ =	sdelay $0x7  }
0xde: {  	[tilespmem:v2+s2+$0x0] =	vst.idx.add.f32.msk @!p2 $0xffff, v1  }
0xdf: {  	v2 =	vld @!p2 [tilespmem:$0x1170];
	_ =	sdelay $0x7  }
0xe0: {  	[tilespmem:v2+s2+$0x0] =	vst.idx.add.f32.msk @!p2 $0xffff, v1  }
0xe1: {  	v2 =	vld @!p2 [tilespmem:$0x1180];
	_ =	sdelay $0x7  }
0xe2: {  	[tilespmem:v2+s2+$0x0] =	vst.idx.add.f32.msk @!p2 $0xffff, v1  }
0xe3: {  	v2 =	vld @!p2 [tilespmem:$0x1190];
	_ =	sdelay $0x7  }
0xe4: {  	[tilespmem:v2+s2+$0x0] =	vst.idx.add.f32.msk @!p2 $0xffff, v1  }
0xe5: {  	_ =	swait.ge [sflag:s9], $0x1800  }
0xe6: {  	[sflag:s9] =	ssyncset.done $0x0  }
0xe7: {  	[sflag:s9] =	ssyncadd.s32 $0xFFFFE800  }
0xe8: {  	[spmem:s25] =	stream.indirect.scatter.add.f32 [tilespmem:s23], [sflag:$0x8], $0x40, s10, s17, $0xb8;
	[tilespmem:$0x1F8D0] =	vst v63  }
0xe9: {  	v2 =	vld @!p2 [tilespmem:$0x11A0];
	_ =	sdelay $0x7  }
0xea: {  	[tilespmem:v2+s2+$0x0] =	vst.idx.add.f32.msk @!p2 $0xffff, v1  }
0xeb: {  	v2 =	vld @!p2 [tilespmem:$0x11B0];
	_ =	sdelay $0x7  }
0xec: {  	[tilespmem:v2+s2+$0x0] =	vst.idx.add.f32.msk @!p2 $0xffff, v1  }
0xed: {  	v2 =	vld @!p2 [tilespmem:$0x11C0];
	_ =	sdelay $0x7  }
0xee: {  	[tilespmem:v2+s2+$0x0] =	vst.idx.add.f32.msk @!p2 $0xffff, v1  }
0xef: {  	v2 =	vld @!p2 [tilespmem:$0x11D0];
	_ =	sdelay $0x7  }
0xf0: {  	[tilespmem:v2+s2+$0x0] =	vst.idx.add.f32.msk @!p2 $0xffff, v1  }
0xf1: {  	v2 =	vld @!p2 [tilespmem:$0x11E0];
	_ =	sdelay $0x7  }
0xf2: {  	[tilespmem:v2+s2+$0x0] =	vst.idx.add.f32.msk @!p2 $0xffff, v1  }
0xf3: {  	v2 =	vld @!p2 [tilespmem:$0x11F0];
	_ =	sdelay $0x1  }
0xf4: {  	s26 =	sadd.s32 $0x1, s26  }
0xf5: {  	p3 =	sne.s32 s26, $0x9  }
.Ltmp5:
0xf6: {  	_ = 	snop;
	(pc) =	sbr.rel @p3 .LBB2_6-.Ltmp5, $2  }
0xf7: {  	_ =	sdelay $0x2  }
0xf8: {  	s8 =	sadd.s32 $0xFFFFDC00, s8;
	[tilespmem:v2+s2+$0x0] =	vst.idx.add.f32.msk @!p2 $0xffff, v1  }
0xf9: {  	s0 =	simm.s32 $0x5  }
0xfa: {  	_ =	swait.ge [sflag:s0], $0x1800  }
0xfb: {  	[sflag:s0] =	ssyncset.done $0x0  }
0xfc: {  	s26 =	simm.s32 $0x6;
	[sflag:s0] =	ssyncadd.s32 $0xFFFFE800  }
0xfd: {  	_ =	swait.ge [sflag:s26], $0x1800  }
0xfe: {  	[sflag:s26] =	ssyncset.done $0x0  }
0xff: {  	s28 =	simm.s32 $0x7;
	[sflag:s26] =	ssyncadd.s32 $0xFFFFE800  }
0x100: {  	_ =	swait.ge [sflag:s28], $0x1800  }
.Ltmp6:
0x101: {  	[sflag:s28] =	ssyncset.done $0x0;
	(pc) =	sbr.rel @p2 .LBB2_12-.Ltmp6, $4  }
0x102: {  	s29 =	simm.s32 $0x8;
	[sflag:s28] =	ssyncadd.s32 $0xFFFFE800  }
0x103: {  	_ =	swait.ge [sflag:s29], $0x1800  }
0x104: {  	[sflag:s29] =	ssyncset.done $0x0  }
0x105: {  	[sflag:s29] =	ssyncadd.s32 $0xFFFFE800  }
0x106: {  	s0 =	simm.s32 $0x0;
	s2 =	rddreg [dreg:$0x4];
	s3 =	simm.s32 $0x7200  }
0x107: {  	[hbm4b:s2+s0] =	stream.linear.scatter [tilespmem:s3], [sflag:$0x9], $0x7D0, $0x38;
	[tilespmem:$0x1F8D0] =	vst v63  }
0x108: {  	_ =	swait.ge [sflag:s15], $0x7D0  }
0x109: {  	[sflag:s15] =	ssyncset.done $0x0  }
0x10a: {  	s13 =	simm.s32 $0x79D0;
	s11 =	rddreg [dreg:$0x5];
	[sflag:s15] =	ssyncadd.s32 $0xFFFFF830  }
0x10b: {  	[hbm4b:s11+s0] =	stream.linear.scatter [tilespmem:s13], [sflag:$0x9], $0x7D0, $0x38;
	[tilespmem:$0x1F8D0] =	vst v63  }
0x10c: {  	_ =	swait.ge [sflag:s15], $0x7D0  }
0x10d: {  	[sflag:s15] =	ssyncset.done $0x0  }
0x10e: {  	s26 =	simm.s32 $0x81A0;
	s16 =	rddreg [dreg:$0x6];
	[sflag:s15] =	ssyncadd.s32 $0xFFFFF830  }
0x10f: {  	[hbm4b:s16+s0] =	stream.linear.scatter [tilespmem:s26], [sflag:$0x9], $0x7D0, $0x38;
	[tilespmem:$0x1F8D0] =	vst v63  }
0x110: {  	_ =	swait.ge [sflag:s15], $0x7D0  }
0x111: {  	[sflag:s15] =	ssyncset.done $0x0  }
0x112: {  	s29 =	simm.s32 $0x8970;
	s28 =	rddreg [dreg:$0x7];
	[sflag:s15] =	ssyncadd.s32 $0xFFFFF830  }
0x113: {  	[hbm4b:s28+s0] =	stream.linear.scatter [tilespmem:s29], [sflag:$0x9], $0x7D0, $0x38;
	[tilespmem:$0x1F8D0] =	vst v63  }
0x114: {  	_ =	swait.ge [sflag:s15], $0x7D0  }
0x115: {  	[sflag:s15] =	ssyncset.done $0x0  }
0x116: {  	s4 =	simm.s32 $0x9140;
	s3 =	rddreg [dreg:$0x8];
	[sflag:s15] =	ssyncadd.s32 $0xFFFFF830  }
0x117: {  	[hbm4b:s3+s0] =	stream.linear.scatter [tilespmem:s4], [sflag:$0x9], $0x7D0, $0x38;
	[tilespmem:$0x1F8D0] =	vst v63  }
0x118: {  	_ =	swait.ge [sflag:s15], $0x7D0  }
0x119: {  	[sflag:s15] =	ssyncset.done $0x0  }
0x11a: {  	s6 =	simm.s32 $0x9910;
	s5 =	rddreg [dreg:$0x9];
	[sflag:s15] =	ssyncadd.s32 $0xFFFFF830  }
0x11b: {  	[hbm4b:s5+s0] =	stream.linear.scatter [tilespmem:s6], [sflag:$0x9], $0x7D0, $0x38;
	[tilespmem:$0x1F8D0] =	vst v63  }
0x11c: {  	_ =	swait.ge [sflag:s15], $0x7D0  }
0x11d: {  	[sflag:s15] =	ssyncset.done $0x0  }
0x11e: {  	s8 =	simm.s32 $0xA0E0;
	s7 =	rddreg [dreg:$0xa];
	[sflag:s15] =	ssyncadd.s32 $0xFFFFF830  }
0x11f: {  	[hbm4b:s7+s0] =	stream.linear.scatter [tilespmem:s8], [sflag:$0x9], $0x7D0, $0x38;
	[tilespmem:$0x1F8D0] =	vst v63  }
0x120: {  	_ =	swait.ge [sflag:s15], $0x7D0  }
0x121: {  	[sflag:s15] =	ssyncset.done $0x0  }
0x122: {  	s13 =	simm.s32 $0xA8B0;
	s11 =	rddreg [dreg:$0xb];
	[sflag:s15] =	ssyncadd.s32 $0xFFFFF830  }
0x123: {  	[hbm4b:s11+s0] =	stream.linear.scatter [tilespmem:s13], [sflag:$0x9], $0x7D0, $0x38;
	[tilespmem:$0x1F8D0] =	vst v63  }
0x124: {  	_ =	swait.ge [sflag:s15], $0x7D0  }
0x125: {  	[sflag:s15] =	ssyncset.done $0x0  }
0x126: {  	s26 =	simm.s32 $0xB080;
	s16 =	rddreg [dreg:$0xc];
	[sflag:s15] =	ssyncadd.s32 $0xFFFFF830  }
0x127: {  	[hbm4b:s16+s0] =	stream.linear.scatter [tilespmem:s26], [sflag:$0x9], $0x7D0, $0x38;
	[tilespmem:$0x1F8D0] =	vst v63  }
0x128: {  	_ =	swait.ge [sflag:s15], $0x7D0  }
0x129: {  	[sflag:s15] =	ssyncset.done $0x0  }
0x12a: {  	s29 =	simm.s32 $0xB850;
	s28 =	rddreg [dreg:$0xd];
	[sflag:s15] =	ssyncadd.s32 $0xFFFFF830  }
0x12b: {  	[hbm4b:s28+s0] =	stream.linear.scatter [tilespmem:s29], [sflag:$0x9], $0x7D0, $0x38;
	[tilespmem:$0x1F8D0] =	vst v63  }
.Ltmp7:
0x12c: {  	_ =	swait.ge [sflag:s15], $0x7D0;
	(pc) =	sbr.rel @p1 .LBB2_11-.Ltmp7, $4  }
0x12d: {  	[sflag:s15] =	ssyncset.done $0x0  }
0x12e: {  	[sflag:s15] =	ssyncadd.s32 $0xFFFFF830  }
0x12f: {  	[bflag:$0x0] =	sbarrier.arrive $0xFFFF  }
0x130: {  	s0 =	rddreg [dreg:$0x1]  }
.LBB2_13:
0x131: {  	s2 =	stileid.u32;
	s3 =	rddreg [dreg:$0x18]  }
0x132: {  	s26 =	rddreg [dreg:$0x1a];
	s2 =	sshll.u32 s2, $0x6  }
0x133: {  	s0 =	sadd.s32 s0, s3;
	s3 =	sshrl.u32 s26, $0x3;
	s2 =	sor.u32 $0x1C09, s2  }
0x134: {  	[hbm:s0], [sflag:s2] =	dma.local [spmem:s3], $0x2740  }
0x135: {  	_ =	swait.ge [sflag:s15], $0x2740  }
0x136: {  	s29 =	sld [smem:$0x7F8]  }
0x137: {  	[sflag:s15] =	ssyncset.done $0x0;
	s28 =	rddreg [dreg:$0x19]  }
.Ltmp8:
0x138: {  	[sflag:s15] =	ssyncadd.s32 $0xFFFFD8C0;
	s0 =	sshrl.u32 s28, $0x3;
	(pc) =	sbr.rel .LBB2_14-.Ltmp8, $4  }
0x139: {  	[spmem:s0], [sflag:s2] =	dma.local [hbm:s29], $0x2740  }
0x13a: {  	_ =	swait.ge [sflag:s15], $0x2740  }
0x13b: {  	[sflag:s15] =	ssyncset.done $0x0  }
0x13c: {  	[sflag:s15] =	ssyncadd.s32 $0xFFFFD8C0  }
.LBB2_12:
.Ltmp9:
0x13d: {  	(pc) =	sbr.rel @!p1 .LBB2_13-.Ltmp9, $3  }
0x13e: {  	_ =	sdelay $0x1  }
0x13f: {  	[bflag:$0x0] =	sbarrier.arrive $0xFFFF  }
0x140: {  	s0 =	sld [smem:$0x7F9]  }
.LBB2_11:
0x141: {  	s2 =	sld [smem:$0x7FD];
	_ =	sdelay $0x2  }
0x142: {  	s3 =	simm.s32 $0x1FC9;
	s0 =	sadd.s32 $0x24CC0, s0;
	s2 =	sshrl.u32 s2, $0x3  }
0x143: {  	[hbm:s0], [sflag:s3] =	dma.local [spmem:s2], $0x2440  }
0x144: {  	_ =	swait.ge [sflag:s15], $0x2440  }
0x145: {  	s28 =	stileid.u32;
	s29 =	sld [smem:$0x7F8]  }
0x146: {  	s0 =	sshll.u32 s28, $0x6;
	[sflag:s15] =	ssyncset.done $0x0  }
0x147: {  	s0 =	sor.u32 $0x1C09, s0;
	[sflag:s15] =	ssyncadd.s32 $0xFFFFDBC0  }
0x148: {  	[spmem:s2], [sflag:s0] =	dma.local [hbm:s29], $0x2440  }
0x149: {  	_ =	swait.ge [sflag:s15], $0x2440  }
0x14a: {  	[sflag:s15] =	ssyncset.done $0x0  }
0x14b: {  	[sflag:s15] =	ssyncadd.s32 $0xFFFFDBC0  }
.LBB2_14:
.Ltmp10:
0x14c: {  	(pc) =	sbr.rel @p0 .LBB2_18-.Ltmp10, $3  }
0x14d: {  	_ =	sdelay $0x1  }
0x14e: {  	[bflag:$0x0] =	sbarrier.arrive $0xFFFF  }
0x14f: {  	s7 =	simm.s32 $0x0  }
0x150: {  	s0 =	simm.s32 $0x40;
	s2 =	simm.s32 $0x0  }
.LBB2_16:
0x151: {  	p3 =	sne.s32 s0, $0x13880;
	[tilespmem:s2+$0x7200] =	vst v0;
	s2 =	smov.u32 s0;
	s0 =	sadd.s32 $0x40, s0  }
.Ltmp11:
0x152: {  	(pc) =	sbr.rel @p3 .LBB2_16-.Ltmp11, $2  }
0x153: {  	_ =	sdelay $0x2  }
0x154: {  	s2 =	sshra.s32 s2, $0x2  }
0x155: {  	[tilespmem:s2+$0x7200] =	vst v0  }
.LBB2_18:
0x156: {  	s8 =	simm.s32 $0x0;
	s26 =	simm.s32 $0x0  }
.LBB2_19:
0x157: {  	s0 =	smul.u32 $0x18, s26;
	_ =	sdelay $0x1  }
0x158: {  	s2 =	sadd.s32 s14, s0  }
0x159: {  	s2 =	smul.u32 $0xC, s2  }
0x15a: {  	s3 =	rddreg [dreg:$0x1f]  }
0x15b: {  	s3 =	sadd.s32 s3, s2  }
0x15c: {  	[tilespmem:s7], [sflag:$0x9] =	stream.linear.gather [hbm4b:s3+s7], $0x900, $0x38;
	[tilespmem:$0x1F8D0] =	vst v63  }
0x15d: {  	_ =	swait.ge [sflag:s15], $0x900  }
0x15e: {  	s16 =	sld [smem:$0x7F7];
	_ =	sdelay $0x1  }
0x15f: {  	[sflag:s15] =	ssyncset.done $0x0  }
0x160: {  	s28 =	simm.s32 $0x900;
	[sflag:s15] =	ssyncadd.s32 $0xFFFFF700;
	s2 =	sadd.s32 s16, s2  }
0x161: {  	[tilespmem:s28], [sflag:$0x9] =	stream.linear.gather [hbm4b:s2+s7], $0x900, $0x38;
	[tilespmem:$0x1F8D0] =	vst v63  }
0x162: {  	_ =	swait.ge [sflag:s15], $0x900  }
0x163: {  	s11 =	simm.s32 $0x0;
	[sflag:s15] =	ssyncset.done $0x0  }
0x164: {  	s29 =	simm.s32 $0x0;
	s13 =	simm.s32 $0x0;
	[sflag:s15] =	ssyncadd.s32 $0xFFFFF700  }
.LBB2_20:
0x165: {  	s2 =	sor.u32 s0, s13  }
0x166: {  	p3 =	seq.s32 s2, $0x0  }
0x167: {  	s2 =	simm.s32 @!p3 $0x5  }
0x168: {  	_ =	swait.ge @!p3 [sflag:s2], $0x1800  }
0x169: {  	p4 =	seq.s32 s29, $0x0;
	[sflag:s2] =	ssyncset.done @!p3 $0x0  }
0x16a: {  	s3 =	simm.s32 @!p4 $0x2;
	[sflag:s2] =	ssyncadd.s32 @!p3 $0xFFFFE800;
	s2 =	sshra.s32 s29, $0x2  }
0x16b: {  	[tilespmem:s18], [sflag:$0x1] =	stream.indirect.gather [hbm4b:s22+s17], $0x40, s2, s17, $0xb8;
	[tilespmem:$0x1F8D0] =	vst v63  }
0x16c: {  	_ =	swait.ge @!p4 [sflag:s3], $0x1800  }
0x16d: {  	s5 =	simm.s32 @!p4 $0x60;
	[sflag:s3] =	ssyncset.done @!p4 $0x0  }
0x16e: {  	p3 =	seq.s32 @!p4 s1, $0x0;
	[sflag:s3] =	ssyncadd.s32 @!p4 $0xFFFFE800;
	s3 =	sshra.s32 @!p4 s29, $0x2  }
0x16f: {  	s6 =	simm.s32 @!p4 $0x2A00;
	p3 =	por p3, p4;
	s4 =	sadd.s32 @!p4 $0x7E0, s3  }
0x170: {  	[spmem:s25] =	stream.indirect.scatter.add.f32 @!p4 [tilespmem:s6], [sflag:$0x6], $0x40, s4, s5, $0xb8;
	[tilespmem:$0x1F8D0] =	vst v63  }
0x171: {  	v1 =	vld @!p3 [tilespmem:s3+$0x7E0];
	_ =	sdelay $0x6  }
0x172: {  	v2 =	vimm.f32 @!p3 $1.000000000e+00;
	s28 =	simm.s32 @!p3 $0x7200  }
0x173: {  	s4 =	sshra.s32 @!p3 s29, $0x2;
	[tilespmem:v1+s28+$0x0] =	vst.idx.add.f32.msk @!p3 $0xffff, v2  }
0x174: {  	v1 =	vld @!p3 [tilespmem:s4+$0x7F0];
	_ =	sdelay $0x7  }
0x175: {  	[tilespmem:v1+s28+$0x0] =	vst.idx.add.f32.msk @!p3 $0xffff, v2  }
0x176: {  	v1 =	vld @!p3 [tilespmem:s4+$0x800];
	_ =	sdelay $0x7  }
0x177: {  	[tilespmem:v1+s28+$0x0] =	vst.idx.add.f32.msk @!p3 $0xffff, v2  }
0x178: {  	v1 =	vld @!p3 [tilespmem:s4+$0x810];
	_ =	sdelay $0x7  }
0x179: {  	[tilespmem:v1+s28+$0x0] =	vst.idx.add.f32.msk @!p3 $0xffff, v2  }
0x17a: {  	v1 =	vld @!p3 [tilespmem:s4+$0x820];
	_ =	sdelay $0x7  }
0x17b: {  	[tilespmem:v1+s28+$0x0] =	vst.idx.add.f32.msk @!p3 $0xffff, v2  }
0x17c: {  	v1 =	vld @!p3 [tilespmem:s4+$0x830];
	_ =	sdelay $0x5  }
0x17d: {  	s16 =	sor.u32 s0, s11  }
0x17e: {  	p5 =	seq.s32 s16, $0x0  }
0x17f: {  	s6 =	simm.s32 @!p5 $0x6;
	[tilespmem:v1+s28+$0x0] =	vst.idx.add.f32.msk @!p3 $0xffff, v2  }
0x180: {  	_ =	swait.ge @!p5 [sflag:s6], $0x1800  }
0x181: {  	[sflag:s6] =	ssyncset.done @!p5 $0x0  }
0x182: {  	s16 =	sadd.s32 $0x60, s2;
	[sflag:s6] =	ssyncadd.s32 @!p5 $0xFFFFE800;
	s6 =	simm.s32 @!p4 $0x3  }
0x183: {  	[tilespmem:s19], [sflag:$0x2] =	stream.indirect.gather [hbm4b:s22+s17], $0x40, s16, s17, $0xb8;
	[tilespmem:$0x1F8D0] =	vst v63  }
0x184: {  	_ =	swait.ge @!p4 [sflag:s6], $0x1800  }
0x185: {  	[sflag:s6] =	ssyncset.done @!p4 $0x0  }
0x186: {  	s16 =	simm.s32 @!p4 $0x4200;
	[sflag:s6] =	ssyncadd.s32 @!p4 $0xFFFFE800;
	s6 =	sadd.s32 @!p4 $0x840, s3  }
0x187: {  	[spmem:s25] =	stream.indirect.scatter.add.f32 @!p4 [tilespmem:s16], [sflag:$0x7], $0x40, s6, s5, $0xb8;
	[tilespmem:$0x1F8D0] =	vst v63  }
0x188: {  	v1 =	vld @!p3 [tilespmem:s3+$0x840];
	_ =	sdelay $0x7  }
0x189: {  	[tilespmem:v1+s28+$0x0] =	vst.idx.add.f32.msk @!p3 $0xffff, v2  }
0x18a: {  	v1 =	vld @!p3 [tilespmem:s4+$0x850];
	_ =	sdelay $0x7  }
0x18b: {  	[tilespmem:v1+s28+$0x0] =	vst.idx.add.f32.msk @!p3 $0xffff, v2  }
0x18c: {  	v1 =	vld @!p3 [tilespmem:s4+$0x860];
	_ =	sdelay $0x7  }
0x18d: {  	[tilespmem:v1+s28+$0x0] =	vst.idx.add.f32.msk @!p3 $0xffff, v2  }
0x18e: {  	v1 =	vld @!p3 [tilespmem:s4+$0x870];
	_ =	sdelay $0x7  }
0x18f: {  	[tilespmem:v1+s28+$0x0] =	vst.idx.add.f32.msk @!p3 $0xffff, v2  }
0x190: {  	v1 =	vld @!p3 [tilespmem:s4+$0x880];
	_ =	sdelay $0x7  }
0x191: {  	[tilespmem:v1+s28+$0x0] =	vst.idx.add.f32.msk @!p3 $0xffff, v2  }
0x192: {  	v1 =	vld @!p3 [tilespmem:s4+$0x890];
	_ =	sdelay $0x7  }
0x193: {  	s6 =	simm.s32 @!p5 $0x7;
	[tilespmem:v1+s28+$0x0] =	vst.idx.add.f32.msk @!p3 $0xffff, v2  }
0x194: {  	_ =	swait.ge @!p5 [sflag:s6], $0x1800  }
0x195: {  	[sflag:s6] =	ssyncset.done @!p5 $0x0  }
0x196: {  	s16 =	sadd.s32 $0xC0, s2;
	[sflag:s6] =	ssyncadd.s32 @!p5 $0xFFFFE800;
	s6 =	simm.s32 @!p4 $0x4  }
0x197: {  	[tilespmem:s20], [sflag:$0x3] =	stream.indirect.gather [hbm4b:s22+s17], $0x40, s16, s17, $0xb8;
	[tilespmem:$0x1F8D0] =	vst v63  }
0x198: {  	_ =	swait.ge @!p4 [sflag:s6], $0x1800  }
0x199: {  	[sflag:s6] =	ssyncset.done @!p4 $0x0  }
0x19a: {  	s16 =	simm.s32 @!p4 $0x5A00;
	[sflag:s6] =	ssyncadd.s32 @!p4 $0xFFFFE800;
	s6 =	sadd.s32 @!p4 $0x8A0, s3  }
0x19b: {  	[spmem:s25] =	stream.indirect.scatter.add.f32 @!p4 [tilespmem:s16], [sflag:$0x8], $0x40, s6, s5, $0xb8;
	[tilespmem:$0x1F8D0] =	vst v63  }
0x19c: {  	v1 =	vld @!p3 [tilespmem:s3+$0x8A0];
	_ =	sdelay $0x7  }
0x19d: {  	[tilespmem:v1+s28+$0x0] =	vst.idx.add.f32.msk @!p3 $0xffff, v2  }
0x19e: {  	v1 =	vld @!p3 [tilespmem:s4+$0x8B0];
	_ =	sdelay $0x7  }
0x19f: {  	[tilespmem:v1+s28+$0x0] =	vst.idx.add.f32.msk @!p3 $0xffff, v2  }
0x1a0: {  	v1 =	vld @!p3 [tilespmem:s4+$0x8C0];
	_ =	sdelay $0x7  }
0x1a1: {  	[tilespmem:v1+s28+$0x0] =	vst.idx.add.f32.msk @!p3 $0xffff, v2  }
0x1a2: {  	v1 =	vld @!p3 [tilespmem:s4+$0x8D0];
	_ =	sdelay $0x7  }
0x1a3: {  	[tilespmem:v1+s28+$0x0] =	vst.idx.add.f32.msk @!p3 $0xffff, v2  }
0x1a4: {  	v1 =	vld @!p3 [tilespmem:s4+$0x8E0];
	_ =	sdelay $0x7  }
0x1a5: {  	[tilespmem:v1+s28+$0x0] =	vst.idx.add.f32.msk @!p3 $0xffff, v2  }
0x1a6: {  	v1 =	vld @!p3 [tilespmem:s4+$0x8F0];
	_ =	sdelay $0x6  }
0x1a7: {  	p4 =	seq.s32 s8, s29  }
0x1a8: {  	s3 =	simm.s32 @!p4 $0x8;
	[tilespmem:v1+s28+$0x0] =	vst.idx.add.f32.msk @!p3 $0xffff, v2  }
0x1a9: {  	_ =	swait.ge @!p4 [sflag:s3], $0x1800  }
0x1aa: {  	s5 =	simm.s32 @p0 $0x5A00;
	[sflag:s3] =	ssyncset.done @!p4 $0x0  }
0x1ab: {  	s4 =	sadd.s32 $0x120, s2;
	[sflag:s3] =	ssyncadd.s32 @!p4 $0xFFFFE800;
	s3 =	simm.s32 @p0 $0x60  }
0x1ac: {  	[tilespmem:s5], [sflag:$0x4] =	stream.indirect.gather @p0 [hbm4b:s21+s3], $0x40, s4, s3, $0xb8;
	[tilespmem:$0x1F8D0] =	vst v63  }
0x1ad: {  	s5 =	simm.s32 @p0 $0x1  }
0x1ae: {  	_ =	swait.ge @p0 [sflag:s5], $0x1800  }
0x1af: {  	[sflag:s5] =	ssyncset.done @p0 $0x0  }
0x1b0: {  	s2 =	sadd.s32 $0x900, s2;
	[sflag:s5] =	ssyncadd.s32 @p0 $0xFFFFE800;
	s5 =	simm.s32 @p0 $0x1200  }
0x1b1: {  	[spmem:s25] =	stream.indirect.scatter.add.f32 @p0 [tilespmem:s5], [sflag:$0x5], $0x40, s2, s3, $0xb8;
	[tilespmem:$0x1F8D0] =	vst v63  }
0x1b2: {  	s28 =	simm.s32 @!p0 $0x60;
	s5 =	simm.s32 @!p0 $0x5A00  }
0x1b3: {  	[tilespmem:s5], [sflag:$0x4] =	stream.indirect.gather @!p0 [hbm4b:s12+s28], $0x40, s4, s28, $0xb8;
	[tilespmem:$0x1F8D0] =	vst v63  }
0x1b4: {  	s4 =	simm.s32 @!p0 $0x1  }
0x1b5: {  	_ =	swait.ge @!p0 [sflag:s4], $0x1800  }
0x1b6: {  	[sflag:s4] =	ssyncset.done @!p0 $0x0  }
0x1b7: {  	s5 =	simm.s32 @!p0 $0x1200;
	[sflag:s4] =	ssyncadd.s32 @!p0 $0xFFFFE800;
	s4 =	sshra.s32 @!p0 s29, $0x2  }
0x1b8: {  	[spmem:s25] =	stream.indirect.scatter.add.f32 @!p0 [tilespmem:s5], [sflag:$0x5], $0x40, s2, s28, $0xb8;
	[tilespmem:$0x1F8D0] =	vst v63  }
0x1b9: {  	v2 =	vld @!p0 [tilespmem:s4+$0x900];
	_ =	sdelay $0x6  }
0x1ba: {  	v1 =	vimm.f32 @!p0 $1.000000000e+00;
	s2 =	simm.s32 @!p0 $0x7200  }
0x1bb: {  	[tilespmem:v2+s2+$0x0] =	vst.idx.add.f32.msk @!p0 $0xffff, v1  }
0x1bc: {  	v2 =	vld @!p0 [tilespmem:s4+$0x910];
	_ =	sdelay $0x7  }
0x1bd: {  	[tilespmem:v2+s2+$0x0] =	vst.idx.add.f32.msk @!p0 $0xffff, v1  }
0x1be: {  	v2 =	vld @!p0 [tilespmem:s4+$0x920];
	_ =	sdelay $0x7  }
0x1bf: {  	[tilespmem:v2+s2+$0x0] =	vst.idx.add.f32.msk @!p0 $0xffff, v1  }
0x1c0: {  	v2 =	vld @!p0 [tilespmem:s4+$0x930];
	_ =	sdelay $0x7  }
0x1c1: {  	[tilespmem:v2+s2+$0x0] =	vst.idx.add.f32.msk @!p0 $0xffff, v1  }
0x1c2: {  	v2 =	vld @!p0 [tilespmem:s4+$0x940];
	_ =	sdelay $0x7  }
0x1c3: {  	[tilespmem:v2+s2+$0x0] =	vst.idx.add.f32.msk @!p0 $0xffff, v1  }
0x1c4: {  	v2 =	vld @!p0 [tilespmem:s4+$0x950];
	_ =	sdelay $0x1  }
0x1c5: {  	s29 =	sadd.s32 $0x600, s29  }
0x1c6: {  	p3 =	sne.s32 s29, $0x2400  }
.Ltmp12:
0x1c7: {  	_ = 	snop;
	(pc) =	sbr.rel @p3 .LBB2_20-.Ltmp12, $2  }
0x1c8: {  	_ =	sdelay $0x2  }
0x1c9: {  	s13 =	sadd.s32 $0x1, s13;
	s11 =	sadd.s32 $0x4, s11;
	[tilespmem:v2+s2+$0x0] =	vst.idx.add.f32.msk @!p0 $0xffff, v1  }
0x1ca: {  	_ =	swait.ge [sflag:s30], $0x1800  }
0x1cb: {  	[sflag:s30] =	ssyncset.done $0x0  }
0x1cc: {  	s0 =	simm.s32 @p0 $0x3;
	[sflag:s30] =	ssyncadd.s32 $0xFFFFE800  }
0x1cd: {  	[spmem:s25] =	stream.indirect.scatter.add.f32 [tilespmem:s19], [sflag:$0x6], $0x40, s31, s17, $0xb8;
	[tilespmem:$0x1F8D0] =	vst v63  }
0x1ce: {  	_ =	swait.ge @p0 [sflag:s0], $0x1800  }
0x1cf: {  	[sflag:s0] =	ssyncset.done @p0 $0x0  }
0x1d0: {  	s4 =	simm.s32 @p0 $0x4200;
	[sflag:s0] =	ssyncadd.s32 @p0 $0xFFFFE800;
	s0 =	simm.s32 @p0 $0x1140  }
0x1d1: {  	[spmem:s25] =	stream.indirect.scatter.add.f32 @p0 [tilespmem:s4], [sflag:$0x7], $0x40, s0, s3, $0xb8;
	[tilespmem:$0x1F8D0] =	vst v63  }
0x1d2: {  	v2 =	vld @!p0 [tilespmem:$0x10E0];
	_ =	sdelay $0x7  }
0x1d3: {  	[tilespmem:v2+s2+$0x0] =	vst.idx.add.f32.msk @!p0 $0xffff, v1  }
0x1d4: {  	v2 =	vld @!p0 [tilespmem:$0x10F0];
	_ =	sdelay $0x7  }
0x1d5: {  	[tilespmem:v2+s2+$0x0] =	vst.idx.add.f32.msk @!p0 $0xffff, v1  }
0x1d6: {  	v2 =	vld @!p0 [tilespmem:$0x1100];
	_ =	sdelay $0x7  }
0x1d7: {  	[tilespmem:v2+s2+$0x0] =	vst.idx.add.f32.msk @!p0 $0xffff, v1  }
0x1d8: {  	v2 =	vld @!p0 [tilespmem:$0x1110];
	_ =	sdelay $0x7  }
0x1d9: {  	[tilespmem:v2+s2+$0x0] =	vst.idx.add.f32.msk @!p0 $0xffff, v1  }
0x1da: {  	v2 =	vld @!p0 [tilespmem:$0x1120];
	_ =	sdelay $0x7  }
0x1db: {  	[tilespmem:v2+s2+$0x0] =	vst.idx.add.f32.msk @!p0 $0xffff, v1  }
0x1dc: {  	v2 =	vld @!p0 [tilespmem:$0x1130];
	_ =	sdelay $0x7  }
0x1dd: {  	s0 =	simm.s32 @!p0 $0x3;
	[tilespmem:v2+s2+$0x0] =	vst.idx.add.f32.msk @!p0 $0xffff, v1  }
0x1de: {  	_ =	swait.ge @!p0 [sflag:s0], $0x1800  }
0x1df: {  	[sflag:s0] =	ssyncset.done @!p0 $0x0  }
0x1e0: {  	s3 =	simm.s32 @!p0 $0x4200;
	[sflag:s0] =	ssyncadd.s32 @!p0 $0xFFFFE800;
	s0 =	simm.s32 @!p0 $0x1140  }
0x1e1: {  	[spmem:s25] =	stream.indirect.scatter.add.f32 @!p0 [tilespmem:s3], [sflag:$0x7], $0x40, s0, s28, $0xb8;
	[tilespmem:$0x1F8D0] =	vst v63  }
0x1e2: {  	v2 =	vld @!p0 [tilespmem:$0x1140];
	_ =	sdelay $0x7  }
0x1e3: {  	[tilespmem:v2+s2+$0x0] =	vst.idx.add.f32.msk @!p0 $0xffff, v1  }
0x1e4: {  	v2 =	vld @!p0 [tilespmem:$0x1150];
	_ =	sdelay $0x7  }
0x1e5: {  	[tilespmem:v2+s2+$0x0] =	vst.idx.add.f32.msk @!p0 $0xffff, v1  }
0x1e6: {  	v2 =	vld @!p0 [tilespmem:$0x1160];
	_ =	sdelay $0x7  }
0x1e7: {  	[tilespmem:v2+s2+$0x0] =	vst.idx.add.f32.msk @!p0 $0xffff, v1  }
0x1e8: {  	v2 =	vld @!p0 [tilespmem:$0x1170];
	_ =	sdelay $0x7  }
0x1e9: {  	[tilespmem:v2+s2+$0x0] =	vst.idx.add.f32.msk @!p0 $0xffff, v1  }
0x1ea: {  	v2 =	vld @!p0 [tilespmem:$0x1180];
	_ =	sdelay $0x7  }
0x1eb: {  	[tilespmem:v2+s2+$0x0] =	vst.idx.add.f32.msk @!p0 $0xffff, v1  }
0x1ec: {  	v2 =	vld @!p0 [tilespmem:$0x1190];
	_ =	sdelay $0x7  }
0x1ed: {  	[tilespmem:v2+s2+$0x0] =	vst.idx.add.f32.msk @!p0 $0xffff, v1  }
0x1ee: {  	_ =	swait.ge [sflag:s9], $0x1800  }
0x1ef: {  	[sflag:s9] =	ssyncset.done $0x0  }
0x1f0: {  	[sflag:s9] =	ssyncadd.s32 $0xFFFFE800  }
0x1f1: {  	[spmem:s25] =	stream.indirect.scatter.add.f32 [tilespmem:s23], [sflag:$0x8], $0x40, s10, s17, $0xb8;
	[tilespmem:$0x1F8D0] =	vst v63  }
0x1f2: {  	v2 =	vld @!p0 [tilespmem:$0x11A0];
	_ =	sdelay $0x7  }
0x1f3: {  	[tilespmem:v2+s2+$0x0] =	vst.idx.add.f32.msk @!p0 $0xffff, v1  }
0x1f4: {  	v2 =	vld @!p0 [tilespmem:$0x11B0];
	_ =	sdelay $0x7  }
0x1f5: {  	[tilespmem:v2+s2+$0x0] =	vst.idx.add.f32.msk @!p0 $0xffff, v1  }
0x1f6: {  	v2 =	vld @!p0 [tilespmem:$0x11C0];
	_ =	sdelay $0x7  }
0x1f7: {  	[tilespmem:v2+s2+$0x0] =	vst.idx.add.f32.msk @!p0 $0xffff, v1  }
0x1f8: {  	v2 =	vld @!p0 [tilespmem:$0x11D0];
	_ =	sdelay $0x7  }
0x1f9: {  	[tilespmem:v2+s2+$0x0] =	vst.idx.add.f32.msk @!p0 $0xffff, v1  }
0x1fa: {  	v2 =	vld @!p0 [tilespmem:$0x11E0];
	_ =	sdelay $0x7  }
0x1fb: {  	[tilespmem:v2+s2+$0x0] =	vst.idx.add.f32.msk @!p0 $0xffff, v1  }
0x1fc: {  	v2 =	vld @!p0 [tilespmem:$0x11F0];
	_ =	sdelay $0x1  }
0x1fd: {  	s26 =	sadd.s32 $0x1, s26  }
0x1fe: {  	p3 =	sne.s32 s26, $0x9  }
.Ltmp13:
0x1ff: {  	_ = 	snop;
	(pc) =	sbr.rel @p3 .LBB2_19-.Ltmp13, $2  }
0x200: {  	_ =	sdelay $0x2  }
0x201: {  	s8 =	sadd.s32 $0xFFFFDC00, s8;
	[tilespmem:v2+s2+$0x0] =	vst.idx.add.f32.msk @!p0 $0xffff, v1  }
0x202: {  	s0 =	simm.s32 $0x5  }
0x203: {  	_ =	swait.ge [sflag:s0], $0x1800  }
0x204: {  	[sflag:s0] =	ssyncset.done $0x0  }
0x205: {  	s26 =	simm.s32 $0x6;
	[sflag:s0] =	ssyncadd.s32 $0xFFFFE800  }
0x206: {  	_ =	swait.ge [sflag:s26], $0x1800  }
0x207: {  	[sflag:s26] =	ssyncset.done $0x0  }
0x208: {  	s28 =	simm.s32 $0x7;
	[sflag:s26] =	ssyncadd.s32 $0xFFFFE800  }
0x209: {  	_ =	swait.ge [sflag:s28], $0x1800  }
.Ltmp14:
0x20a: {  	[sflag:s28] =	ssyncset.done $0x0;
	(pc) =	sbr.rel @p0 .LBB2_24-.Ltmp14, $4  }
0x20b: {  	s29 =	simm.s32 $0x8;
	[sflag:s28] =	ssyncadd.s32 $0xFFFFE800  }
0x20c: {  	_ =	swait.ge [sflag:s29], $0x1800  }
0x20d: {  	[sflag:s29] =	ssyncset.done $0x0;
	s0 =	rddreg [dreg:$0x1a]  }
0x20e: {  	[sflag:s29] =	ssyncadd.s32 $0xFFFFE800;
	s0 =	sshrl.u32 @!p1 s0, $0x3  }
0x20f: {  	s2 =	simm.s32 $0x0;
	s3 =	rddreg [dreg:$0xe];
	s4 =	simm.s32 $0x7200  }
0x210: {  	[hbm4b:s3+s2] =	stream.linear.scatter [tilespmem:s4], [sflag:$0x9], $0x7D0, $0x38;
	[tilespmem:$0x1F8D0] =	vst v63  }
0x211: {  	_ =	swait.ge [sflag:s15], $0x7D0  }
0x212: {  	[sflag:s15] =	ssyncset.done $0x0  }
0x213: {  	s8 =	simm.s32 $0x79D0;
	s7 =	rddreg [dreg:$0xf];
	[sflag:s15] =	ssyncadd.s32 $0xFFFFF830  }
0x214: {  	[hbm4b:s7+s2] =	stream.linear.scatter [tilespmem:s8], [sflag:$0x9], $0x7D0, $0x38;
	[tilespmem:$0x1F8D0] =	vst v63  }
0x215: {  	_ =	swait.ge [sflag:s15], $0x7D0  }
0x216: {  	[sflag:s15] =	ssyncset.done $0x0  }
0x217: {  	s13 =	simm.s32 $0x81A0;
	s11 =	rddreg [dreg:$0x10];
	[sflag:s15] =	ssyncadd.s32 $0xFFFFF830  }
0x218: {  	[hbm4b:s11+s2] =	stream.linear.scatter [tilespmem:s13], [sflag:$0x9], $0x7D0, $0x38;
	[tilespmem:$0x1F8D0] =	vst v63  }
0x219: {  	_ =	swait.ge [sflag:s15], $0x7D0  }
0x21a: {  	[sflag:s15] =	ssyncset.done $0x0  }
0x21b: {  	s26 =	simm.s32 $0x8970;
	s16 =	rddreg [dreg:$0x11];
	[sflag:s15] =	ssyncadd.s32 $0xFFFFF830  }
0x21c: {  	[hbm4b:s16+s2] =	stream.linear.scatter [tilespmem:s26], [sflag:$0x9], $0x7D0, $0x38;
	[tilespmem:$0x1F8D0] =	vst v63  }
0x21d: {  	_ =	swait.ge [sflag:s15], $0x7D0  }
0x21e: {  	[sflag:s15] =	ssyncset.done $0x0  }
0x21f: {  	s29 =	simm.s32 $0x9140;
	s28 =	rddreg [dreg:$0x12];
	[sflag:s15] =	ssyncadd.s32 $0xFFFFF830  }
0x220: {  	[hbm4b:s28+s2] =	stream.linear.scatter [tilespmem:s29], [sflag:$0x9], $0x7D0, $0x38;
	[tilespmem:$0x1F8D0] =	vst v63  }
0x221: {  	_ =	swait.ge [sflag:s15], $0x7D0  }
0x222: {  	[sflag:s15] =	ssyncset.done $0x0  }
0x223: {  	s6 =	simm.s32 $0x9910;
	s5 =	rddreg [dreg:$0x13];
	[sflag:s15] =	ssyncadd.s32 $0xFFFFF830  }
0x224: {  	[hbm4b:s5+s2] =	stream.linear.scatter [tilespmem:s6], [sflag:$0x9], $0x7D0, $0x38;
	[tilespmem:$0x1F8D0] =	vst v63  }
0x225: {  	_ =	swait.ge [sflag:s15], $0x7D0  }
0x226: {  	[sflag:s15] =	ssyncset.done $0x0  }
0x227: {  	s8 =	simm.s32 $0xA0E0;
	s7 =	rddreg [dreg:$0x14];
	[sflag:s15] =	ssyncadd.s32 $0xFFFFF830  }
0x228: {  	[hbm4b:s7+s2] =	stream.linear.scatter [tilespmem:s8], [sflag:$0x9], $0x7D0, $0x38;
	[tilespmem:$0x1F8D0] =	vst v63  }
0x229: {  	_ =	swait.ge [sflag:s15], $0x7D0  }
0x22a: {  	[sflag:s15] =	ssyncset.done $0x0  }
0x22b: {  	s13 =	simm.s32 $0xA8B0;
	s11 =	rddreg [dreg:$0x15];
	[sflag:s15] =	ssyncadd.s32 $0xFFFFF830  }
0x22c: {  	[hbm4b:s11+s2] =	stream.linear.scatter [tilespmem:s13], [sflag:$0x9], $0x7D0, $0x38;
	[tilespmem:$0x1F8D0] =	vst v63  }
0x22d: {  	_ =	swait.ge [sflag:s15], $0x7D0  }
0x22e: {  	[sflag:s15] =	ssyncset.done $0x0  }
0x22f: {  	s26 =	simm.s32 $0xB080;
	s16 =	rddreg [dreg:$0x16];
	[sflag:s15] =	ssyncadd.s32 $0xFFFFF830  }
0x230: {  	[hbm4b:s16+s2] =	stream.linear.scatter [tilespmem:s26], [sflag:$0x9], $0x7D0, $0x38;
	[tilespmem:$0x1F8D0] =	vst v63  }
0x231: {  	_ =	swait.ge [sflag:s15], $0x7D0  }
0x232: {  	[sflag:s15] =	ssyncset.done $0x0  }
0x233: {  	s29 =	simm.s32 $0xB850;
	s28 =	rddreg [dreg:$0x17];
	[sflag:s15] =	ssyncadd.s32 $0xFFFFF830  }
0x234: {  	[hbm4b:s28+s2] =	stream.linear.scatter [tilespmem:s29], [sflag:$0x9], $0x7D0, $0x38;
	[tilespmem:$0x1F8D0] =	vst v63  }
0x235: {  	_ =	swait.ge [sflag:s15], $0x7D0  }
0x236: {  	[sflag:s15] =	ssyncset.done $0x0  }
0x237: {  	[sflag:s15] =	ssyncadd.s32 $0xFFFFF830  }
0x238: {  	[bflag:$0x0] =	sbarrier.arrive $0xFFFF  }
0x239: {  	s3 =	sld [smem:$0x7FA]  }
0x23a: {  	s4 =	sld [smem:$0x7F5];
	_ =	sdelay $0x1  }
0x23b: {  	s2 =	simm.s32 @p1 $0x1FC9  }
0x23c: {  	[hbm:s3], [sflag:s2] =	dma.local @p1 [spmem:s4], $0x2440  }
0x23d: {  	s2 =	simm.s32 @p1 $0x9  }
0x23e: {  	_ =	swait.ge @p1 [sflag:s2], $0x2440  }
0x23f: {  	s3 =	sld [smem:$0x7F6]  }
0x240: {  	[sflag:s2] =	ssyncset.done @p1 $0x0  }
0x241: {  	[sflag:s2] =	ssyncadd.s32 @p1 $0xFFFFDBC0;
	s2 =	rddreg [dreg:$0x1c]  }
0x242: {  	[hbm:s2], [sflag:s3] =	dma.local @!p1 [spmem:s0], $0x2740  }
.Ltmp15:
0x243: {  	_ = 	snop;
	(pc) =	sbr.rel .LBB2_25-.Ltmp15, $4  }
0x244: {  	s0 =	simm.s32 @!p1 $0x9  }
0x245: {  	_ =	swait.ge @!p1 [sflag:s0], $0x2740  }
0x246: {  	[sflag:s0] =	ssyncset.done @!p1 $0x0  }
0x247: {  	s2 =	sld [smem:$0x7F4];
	[sflag:s0] =	ssyncadd.s32 @!p1 $0xFFFFD8C0  }
.LBB2_26:
0x248: {  	_ =	sfence.sel $0x180000  }
0x249: {  	[bflag:$0x0] =	sbarrier.arrive $0xFFFF  }
0x24a: {  	_ =	strace $0x90000047  }
0x24b: {  	s0 =	stileid.u32;
	[bflag:$0x2] =	sbarrier.arrive $0xFFFF  }
0x24c: {  	p0 =	sne.s32 s0, $0x0;
	s0 =	rddreg [dreg:$0x3]  }
0x24d: {  	s0 =	sadd.s32 @!p0 $0x100000, s0  }
0x24e: {  	[sflag:s0] =	ssyncadd.tile.s32 @!p0 $0x1;
	_ =	shalt  }
.Lfunc_end2:
_tile_overlayer_lowered:
.L_overlay_start_2:
0x24f: {  	(tag) =	ssettag $0x2  }
0x250: {  	s0 =	rddreg [dreg:$0x0];
	s2 =	stileid.u32  }
0x251: {  	s1 =	rddreg [dreg:$0x1];
	p0 =	sne.s32 s2, $0x0  }
0x252: {  	s3 =	rddreg [dreg:$0x2];
	[bflag:$0x3] =	sbarrier.arrive $0xFFFF;
	s2 =	simm.s32 @!p0 $0x1C09  }
0x253: {  	[timem:s3], [sflag:s2] =	dma.local @!p0 [hbm:s0], s1  }
0x254: {  	s0 =	simm.s32 @!p0 $0x9  }
0x255: {  	_ =	swait.ge @!p0 [sflag:s0], s1  }
0x256: {  	s1 =	ssub.s32 @!p0 $0x0, s1;
	[sflag:s0] =	ssyncset.done @!p0 $0x0  }
0x257: {  	[sflag:s0] =	ssyncadd.s32 @!p0 s1  }
0x258: {  	[bflag:$0x3] =	sbarrier.arrive $0xFFFF  }
0x259: {  	_ =	shalt  }

</sc_bundles>
